<compile_context>
chip_gen: v7x
topology: tpu7x:2x2x1
jax: 0.10.2.dev20260603
libtpu: 0.0.44.dev20260713+nightly
codegen_flags: <defaults>
</compile_context>

<pallas_src>
import functools

import jax
import jax.numpy as jnp
from jax import lax
from jax.experimental import pallas as pl
from jax.experimental.pallas import tpu as pltpu
from jax.experimental.pallas import tpu_sc as plsc

NC = 2
NS = 16
NW = NC * NS
CHUNK = 128


def _ring(base):
    for d in (8, 6, 4, 2):
        if base % d == 0 and base // d >= 2:
            return d
    return 1


def _sc_degree(e3, zeros1, np_rows, base, extra):
    stripe = np_rows // NS
    D = _ring(base)
    mesh = plsc.VectorSubcoreMesh(core_axis_name="c", subcore_axis_name="s")

    @functools.partial(
        pl.kernel,
        mesh=mesh,
        compiler_params=pltpu.CompilerParams(use_tc_tiling_on_sc=False),
        out_type=jax.ShapeDtypeStruct((NC, np_rows), jnp.float32),
        scratch_types=[
            pltpu.VMEM((base, CHUNK), jnp.int32),
            pltpu.VMEM((1, CHUNK), jnp.int32),
            pltpu.VMEM((CHUNK,), jnp.float32),
            pltpu.VMEM_SHARED((np_rows,), jnp.float32),
        ] + [pltpu.SemaphoreType.DMA] * max(D, 1),
    )
    def kfn(zeros_hbm, e3_hbm, out_hbm, dst_v, dstx_v, ones_v, acc_sh,
            *sems):
        c = lax.axis_index("c")
        s = lax.axis_index("s")
        w = c * NS + s
        pltpu.sync_copy(zeros_hbm.at[pl.ds(s * stripe, stripe)],
                        acc_sh.at[pl.ds(s * stripe, stripe)])
        for i in range(CHUNK // 16):
            ones_v[pl.ds(i * 16, 16)] = jnp.ones((16,), jnp.float32)
        pltpu.sync_copy(e3_hbm.at[1, pl.ds(w * base, base)], dst_v)
        plsc.subcore_barrier()

        def start(i, b):
            pltpu.async_copy(ones_v, acc_sh.at[dst_v.at[i]], sems[b],
                             add=True)

        def drain(b):
            pltpu.make_async_copy(ones_v, acc_sh.at[dst_v.at[0]],
                                  sems[b]).wait()

        for i in range(D):
            start(i, i)

        def group(jo, carry):
            for b in range(D):
                drain(b)
                start(jo * D + b, b)
            return carry

        lax.fori_loop(1, base // D, group, 0)
        for b in range(D):
            drain(b)
        @pl.when(w < extra)
        def _():
            pltpu.sync_copy(e3_hbm.at[1, pl.ds(base * NW + w, 1)], dstx_v)
            pltpu.sync_copy(ones_v, acc_sh.at[dstx_v.at[0]], add=True)

        plsc.subcore_barrier()
        pltpu.sync_copy(acc_sh.at[pl.ds(s * stripe, stripe)],
                        out_hbm.at[c, pl.ds(s * stripe, stripe)])

    return kfn(zeros1, e3)


def _sc_agg(y, e3, zerosd, np_rows, base, extra, d):
    stripe = np_rows // NS
    D = _ring(base)
    A = min(3, max(D - 1, 1))
    mesh = plsc.VectorSubcoreMesh(core_axis_name="c", subcore_axis_name="s")

    @functools.partial(
        pl.kernel,
        mesh=mesh,
        compiler_params=pltpu.CompilerParams(use_tc_tiling_on_sc=False),
        out_type=jax.ShapeDtypeStruct((NC, np_rows, d), jnp.float32),
        scratch_types=[
            pltpu.VMEM((base, CHUNK), jnp.int32),
            pltpu.VMEM((base, CHUNK), jnp.int32),
            pltpu.VMEM((1, CHUNK), jnp.int32),
            pltpu.VMEM((1, CHUNK), jnp.int32),
        ] + [pltpu.VMEM((CHUNK, d), jnp.float32)] * (max(D, 1) + 1)
          + [pltpu.VMEM_SHARED((np_rows, d), jnp.float32)] * 2
          + [pltpu.SemaphoreType.DMA] * (2 * max(D, 1) + 1),
    )
    def kfn(y_hbm, e3_hbm, zeros_hbm, out_hbm,
            src_v, dst_v, srcx_v, dstx_v, *bufs_and_sems):
        rows = bufs_and_sems[:D]
        rowsx = bufs_and_sems[D]
        acc_sh = bufs_and_sems[D + 1]
        y_sh = bufs_and_sems[D + 2]
        gsem = bufs_and_sems[D + 3:D + 3 + D]
        ssem = bufs_and_sems[D + 3 + D:D + 3 + 2 * D]
        xsem = bufs_and_sems[D + 3 + 2 * D]
        n = y_hbm.shape[0]
        ystripe = n // NS
        c = lax.axis_index("c")
        s = lax.axis_index("s")
        w = c * NS + s
        cp0 = pltpu.async_copy(zeros_hbm.at[pl.ds(s * stripe, stripe)],
                               acc_sh.at[pl.ds(s * stripe, stripe)], gsem[0])
        cp1 = pltpu.async_copy(y_hbm.at[pl.ds(s * ystripe, ystripe)],
                               y_sh.at[pl.ds(s * ystripe, ystripe)],
                               gsem[min(1, D - 1)])
        cp2 = pltpu.async_copy(e3_hbm.at[0, pl.ds(w * base, base)], src_v,
                               ssem[0])
        cp3 = pltpu.async_copy(e3_hbm.at[1, pl.ds(w * base, base)], dst_v,
                               ssem[min(1, D - 1)])
        cp0.wait()
        cp1.wait()
        cp2.wait()
        cp3.wait()
        plsc.subcore_barrier()

        def start_gather(i, b):
            pltpu.async_copy(y_sh.at[src_v.at[i]], rows[b], gsem[b])

        def wait_gather(i, b):
            pltpu.make_async_copy(y_sh.at[src_v.at[i]], rows[b],
                                  gsem[b]).wait()

        def start_scatter(i, b):
            pltpu.async_copy(rows[b], acc_sh.at[dst_v.at[i]], ssem[b],
                             add=True)

        def drain_scatter(b):
            pltpu.make_async_copy(rows[b], acc_sh.at[dst_v.at[0]],
                                  ssem[b]).wait()

        for i in range(D):
            start_gather(i, i)
            if i >= A:
                wait_gather(i - A, i - A)
                start_scatter(i - A, i - A)

        def group(jo, carry):
            for b in range(D):
                i = jo * D + b
                drain_scatter(b)
                start_gather(i, b)
                bA = (b - A) % D
                wait_gather(i - A, bA)
                start_scatter(i - A, bA)
            return carry

        lax.fori_loop(1, base // D, group, 0)
        for t in range(A):
            i = base - A + t
            b = i % D
            wait_gather(i, b)
            start_scatter(i, b)
        for b in range(D):
            drain_scatter(b)
        @pl.when(w < extra)
        def _():
            pltpu.sync_copy(e3_hbm.at[0, pl.ds(base * NW + w, 1)], srcx_v)
            pltpu.sync_copy(e3_hbm.at[1, pl.ds(base * NW + w, 1)], dstx_v)
            pltpu.async_copy(y_sh.at[srcx_v.at[0]], rowsx, xsem).wait()
            pltpu.sync_copy(rowsx, acc_sh.at[dstx_v.at[0]], add=True)

        plsc.subcore_barrier()
        pltpu.sync_copy(acc_sh.at[pl.ds(s * stripe, stripe)],
                        out_hbm.at[c, pl.ds(s * stripe, stripe)])

    return kfn(y, e3, zerosd)


def _tc_prep(x, degp, W1, bn):
    n, din = x.shape
    hid = W1.shape[1]

    def body(x_ref, degp_ref, w1_ref, y1_ref, dinv_ref):
        deg = degp_ref[:, 0:1] + degp_ref[:, 1:2] + 1.0
        dinv = lax.rsqrt(deg)
        xw = jnp.dot(x_ref[...], w1_ref[...],
                     preferred_element_type=jnp.float32)
        y1_ref[...] = xw * dinv
        dinv_ref[...] = dinv

    return pl.pallas_call(
        body,
        grid=(n // bn,),
        in_specs=[
            pl.BlockSpec((bn, din), lambda i: (i, 0)),
            pl.BlockSpec((bn, 2), lambda i: (i, 0)),
            pl.BlockSpec((din, hid), lambda i: (0, 0)),
        ],
        out_specs=[
            pl.BlockSpec((bn, hid), lambda i: (i, 0)),
            pl.BlockSpec((bn, 1), lambda i: (i, 0)),
        ],
        out_shape=[
            jax.ShapeDtypeStruct((n, hid), jnp.float32),
            jax.ShapeDtypeStruct((n, 1), jnp.float32),
        ],
    )(x, degp, W1)


def _tc_layer1(aggp, y1, dinv, b1, W2, bn):
    n, hid = y1.shape
    c = W2.shape[1]

    def body(aggp_ref, y1_ref, dinv_ref, b1_ref, w2_ref, y2_ref):
        ssum = aggp_ref[0] + aggp_ref[1] + y1_ref[...]
        h = jnp.maximum(ssum * dinv_ref[...] + b1_ref[...], 0.0)
        y2_ref[...] = jnp.dot(h, w2_ref[...],
                              preferred_element_type=jnp.float32) * dinv_ref[...]

    return pl.pallas_call(
        body,
        grid=(n // bn,),
        in_specs=[
            pl.BlockSpec((2, bn, hid), lambda i: (0, i, 0)),
            pl.BlockSpec((bn, hid), lambda i: (i, 0)),
            pl.BlockSpec((bn, 1), lambda i: (i, 0)),
            pl.BlockSpec((1, hid), lambda i: (0, 0)),
            pl.BlockSpec((hid, c), lambda i: (0, 0)),
        ],
        out_specs=pl.BlockSpec((bn, c), lambda i: (i, 0)),
        out_shape=jax.ShapeDtypeStruct((n, c), jnp.float32),
    )(aggp, y1, dinv, b1, W2)


def _tc_out(aggp, y2, dinv, b2, bn):
    n, c = y2.shape

    def body(aggp_ref, y2_ref, dinv_ref, b2_ref, out_ref):
        o = (aggp_ref[0] + aggp_ref[1] + y2_ref[...]) * dinv_ref[...] \
            + b2_ref[...]
        m = jnp.max(o, axis=1, keepdims=True)
        e = jnp.exp(o - m)
        lse = jnp.log(jnp.sum(e, axis=1, keepdims=True))
        out_ref[...] = o - m - lse

    return pl.pallas_call(
        body,
        grid=(n // bn,),
        in_specs=[
            pl.BlockSpec((2, bn, c), lambda i: (0, i, 0)),
            pl.BlockSpec((bn, c), lambda i: (i, 0)),
            pl.BlockSpec((bn, 1), lambda i: (i, 0)),
            pl.BlockSpec((1, c), lambda i: (0, 0)),
        ],
        out_specs=pl.BlockSpec((bn, c), lambda i: (i, 0)),
        out_shape=jax.ShapeDtypeStruct((n, c), jnp.float32),
    )(aggp, y2, dinv, b2)


def kernel(x, edge_index, W1, b1, W2, b2):
    n, din = x.shape
    hid = W1.shape[1]
    nc = W2.shape[1]
    e = edge_index.shape[1]

    ei = edge_index.astype(jnp.int32)
    nch = e // CHUNK
    if nch * CHUNK != e:
        nch += 1
        ei = jnp.concatenate(
            [ei, jnp.broadcast_to(
                jnp.array([[0], [n]], jnp.int32),
                (2, nch * CHUNK - e))], axis=1)
    e3 = ei.reshape(2, nch, CHUNK)
    base = nch // NW
    extra = nch - base * NW

    np_rows = -(-(n + 1) // 256) * 256
    zeros1 = jnp.zeros((np_rows,), jnp.float32)
    zerosh = jnp.zeros((np_rows, hid), jnp.float32)
    zerosc = jnp.zeros((np_rows, nc), jnp.float32)

    bn = 1000 if n % 1000 == 0 else 8

    degp = _sc_degree(e3, zeros1, np_rows, base, extra)
    y1, dinv = _tc_prep(x, degp[:, :n].T, W1, bn)
    agg1 = _sc_agg(y1, e3, zerosh, np_rows, base, extra, hid)
    y2 = _tc_layer1(agg1, y1, dinv, b1.reshape(1, hid), W2, bn)
    agg2 = _sc_agg(y2, e3, zerosc, np_rows, base, extra, nc)
    return _tc_out(agg2, y2, dinv, b2.reshape(1, nc), bn)

# --- scband reference (transcript-rebuilt; emitter-appended) ---
"""Pipeline reference for scband-gcn-48473000902749 (READ-ONLY COPY).

The authoritative reference and input builder live on the scoring server;
editing this copy changes nothing except your own understanding.
"""

import jax
import jax.numpy as jnp
import numpy as np

N = 10000
E = 320000
D_IN = 128
HID = 16
C = 32


def setup_inputs(seed: int = 0) -> dict:
    key = jax.random.key(seed)
    k1, k2, k3, k4 = jax.random.split(key, 4)
    x = jax.random.normal(k1, (N, D_IN), dtype=jnp.float32)
    edge_index = jax.random.randint(k2, (2, E), 0, N).astype(jnp.int64)
    W1 = jax.random.normal(k3, (D_IN, HID), dtype=jnp.float32) * (1.0 / np.sqrt(D_IN))
    b1 = jnp.zeros((HID,), dtype=jnp.float32)
    W2 = jax.random.normal(k4, (HID, C), dtype=jnp.float32) * (1.0 / np.sqrt(HID))
    b2 = jnp.zeros((C,), dtype=jnp.float32)
    return {"x": x, "edge_index": edge_index, "W1": W1, "b1": b1, "W2": W2, "b2": b2}


def _gcn_norm(edge_index, n, dtype):
    # add self loops, compute symmetric normalization D^-1/2 (A+I) D^-1/2
    loop = jnp.arange(n, dtype=edge_index.dtype)
    src = jnp.concatenate([edge_index[0], loop])
    dst = jnp.concatenate([edge_index[1], loop])
    deg = jax.ops.segment_sum(jnp.ones_like(dst, dtype=dtype), dst, num_segments=n)
    dinv = jnp.where(deg > 0, deg ** -0.5, 0.0)
    norm = dinv[src] * dinv[dst]
    return src, dst, norm


def _gcn_conv(x, src, dst, norm, W, b, n):
    xw = x @ W
    msgs = xw[src] * norm[:, None]
    out = jax.ops.segment_sum(msgs, dst, num_segments=n)
    return out + b


def reference(x, edge_index, W1, b1, W2, b2):
    n = x.shape[0]
    src, dst, norm = _gcn_norm(edge_index, n, x.dtype)
    h = _gcn_conv(x, src, dst, norm, W1, b1, n)
    h = jax.nn.relu(h)
    o = _gcn_conv(h, src, dst, norm, W2, b2, n)
    return jax.nn.log_softmax(o, axis=1)

if __name__ == "__main__":
    import jax
    _d = setup_inputs()
    print(jax.jit(kernel)(*tuple(_d.values())))

</pallas_src>

<mosaic_0001>
#map = affine_map<(d0, d1) -> (0)>
#map1 = affine_map<(d0, d1) -> (0, 0, 0)>
#map2 = affine_map<(d0, d1) -> (0, 0)>
module attributes {stable_mosaic.version = 14 : i64} {
  func.func @kfn(%arg0: i32, %arg1: i32, %arg2: memref<10240xf32, #tpu.memory_space<hbm>>, %arg3: memref<2x2500x128xi32, #tpu.memory_space<hbm>>, %arg4: memref<2x10240xf32, #tpu.memory_space<hbm>>, %arg5: memref<78x128xi32, #tpu.memory_space<vmem>>, %arg6: memref<1x128xi32, #tpu.memory_space<vmem>>, %arg7: memref<128xf32, #tpu.memory_space<vmem>>, %arg8: memref<10240xf32, #tpu.memory_space<vmem_shared>>, %arg9: memref<!tpu.dma_semaphore, #tpu.memory_space<semaphore_mem>>, %arg10: memref<!tpu.dma_semaphore, #tpu.memory_space<semaphore_mem>>, %arg11: memref<!tpu.dma_semaphore, #tpu.memory_space<semaphore_mem>>, %arg12: memref<!tpu.dma_semaphore, #tpu.memory_space<semaphore_mem>>, %arg13: memref<!tpu.dma_semaphore, #tpu.memory_space<semaphore_mem>>, %arg14: memref<!tpu.dma_semaphore, #tpu.memory_space<semaphore_mem>>) attributes {dimension_semantics = [#tpu.dimension_semantics<core_parallel>, #tpu.dimension_semantics<subcore_parallel>], iteration_bounds = array<i64: 2, 16>, scalar_prefetch = 0 : i64, scratch_operands = 10 : i64, tpu.core_type = #tpu.core_type<sc_vector_subcore>, window_params = [{transform_indices = #map}, {transform_indices = #map1}, {transform_indices = #map2}]} {
    %mul3A = arith.constant 16 : i32
    %mul3A_0 = arith.muli %arg0, %mul3A : i32
    %add3A = arith.addi %mul3A_0, %arg1 : i32
    %mul3A_1 = arith.constant 640 : i32
    %mul3A_2 = arith.muli %arg1, %mul3A_1 : i32
    %mul3A_3 = arith.constant 640 : i32
    %mul3A_4 = arith.muli %arg1, %mul3A_3 : i32
    "tpu.region"() ({
      %run_scoped3A_135 = tpu.sem_alloc : memref<!tpu.dma_semaphore, #tpu.memory_space<semaphore_mem>>
      %dma_start3A_136 = tpu.memref_slice %arg8[%mul3A_4] : memref<10240xf32, #tpu.memory_space<vmem_shared>> -> memref<640xf32, #tpu.memory_space<vmem_shared>>
      %dma_start3A_137 = tpu.memref_slice %arg2[%mul3A_2] : memref<10240xf32, #tpu.memory_space<hbm>> -> memref<640xf32, #tpu.memory_space<hbm>>
      tpu.enqueue_dma source(%dma_start3A_137 : memref<640xf32, #tpu.memory_space<hbm>>) target(%dma_start3A_136 : memref<640xf32, #tpu.memory_space<vmem_shared>>) target_semaphore(%run_scoped3A_135 : memref<!tpu.dma_semaphore, #tpu.memory_space<semaphore_mem>>)
      %dma_wait3A_138 = tpu.memref_slice %arg8[%mul3A_4] : memref<10240xf32, #tpu.memory_space<vmem_shared>> -> memref<640xf32, #tpu.memory_space<vmem_shared>>
      %dma_wait3A_139 = tpu.memref_slice %arg2[%mul3A_2] : memref<10240xf32, #tpu.memory_space<hbm>> -> memref<640xf32, #tpu.memory_space<hbm>>
      tpu.wait_dma2 semaphore(%run_scoped3A_135 : memref<!tpu.dma_semaphore, #tpu.memory_space<semaphore_mem>>) src(%dma_wait3A_139 : memref<640xf32, #tpu.memory_space<hbm>>) dst(%dma_wait3A_138 : memref<640xf32, #tpu.memory_space<vmem_shared>>)
      tpu.yield
    }) : () -> ()
    %broadcast_in_dim3A = arith.constant 1.000000e+00 : f32
    %broadcast_in_dim3A_5 = vector.broadcast %broadcast_in_dim3A : f32 to vector<16xf32>
    %swap3A = arith.constant 0 : index
    %swap3A_6 = tpu.vector_load %arg7[%swap3A] {strides = array<i32>} : memref<128xf32, #tpu.memory_space<vmem>>, vector<16xf32>,
    %swap3A_7 = vector.shape_cast %swap3A_6 : vector<16xf32> to vector<16xf32>
    %swap3A_8 = vector.shape_cast %broadcast_in_dim3A_5 : vector<16xf32> to vector<16xf32>
    tpu.vector_store %arg7[%swap3A], %swap3A_8 {strides = array<i32>} : memref<128xf32, #tpu.memory_space<vmem>>, vector<16xf32>,
    %broadcast_in_dim3A_9 = arith.constant 1.000000e+00 : f32
    %broadcast_in_dim3A_10 = vector.broadcast %broadcast_in_dim3A_9 : f32 to vector<16xf32>
    %swap3A_11 = arith.constant 16 : index
    %swap3A_12 = tpu.vector_load %arg7[%swap3A_11] {strides = array<i32>} : memref<128xf32, #tpu.memory_space<vmem>>, vector<16xf32>,
    %swap3A_13 = vector.shape_cast %swap3A_12 : vector<16xf32> to vector<16xf32>
    %swap3A_14 = vector.shape_cast %broadcast_in_dim3A_10 : vector<16xf32> to vector<16xf32>
    tpu.vector_store %arg7[%swap3A_11], %swap3A_14 {strides = array<i32>} : memref<128xf32, #tpu.memory_space<vmem>>, vector<16xf32>,
    %broadcast_in_dim3A_15 = arith.constant 1.000000e+00 : f32
    %broadcast_in_dim3A_16 = vector.broadcast %broadcast_in_dim3A_15 : f32 to vector<16xf32>
    %swap3A_17 = arith.constant 32 : index
    %swap3A_18 = tpu.vector_load %arg7[%swap3A_17] {strides = array<i32>} : memref<128xf32, #tpu.memory_space<vmem>>, vector<16xf32>,
    %swap3A_19 = vector.shape_cast %swap3A_18 : vector<16xf32> to vector<16xf32>
    %swap3A_20 = vector.shape_cast %broadcast_in_dim3A_16 : vector<16xf32> to vector<16xf32>
    tpu.vector_store %arg7[%swap3A_17], %swap3A_20 {strides = array<i32>} : memref<128xf32, #tpu.memory_space<vmem>>, vector<16xf32>,
    %broadcast_in_dim3A_21 = arith.constant 1.000000e+00 : f32
    %broadcast_in_dim3A_22 = vector.broadcast %broadcast_in_dim3A_21 : f32 to vector<16xf32>
    %swap3A_23 = arith.constant 48 : index
    %swap3A_24 = tpu.vector_load %arg7[%swap3A_23] {strides = array<i32>} : memref<128xf32, #tpu.memory_space<vmem>>, vector<16xf32>,
    %swap3A_25 = vector.shape_cast %swap3A_24 : vector<16xf32> to vector<16xf32>
    %swap3A_26 = vector.shape_cast %broadcast_in_dim3A_22 : vector<16xf32> to vector<16xf32>
    tpu.vector_store %arg7[%swap3A_23], %swap3A_26 {strides = array<i32>} : memref<128xf32, #tpu.memory_space<vmem>>, vector<16xf32>,
    %broadcast_in_dim3A_27 = arith.constant 1.000000e+00 : f32
    %broadcast_in_dim3A_28 = vector.broadcast %broadcast_in_dim3A_27 : f32 to vector<16xf32>
    %swap3A_29 = arith.constant 64 : index
    %swap3A_30 = tpu.vector_load %arg7[%swap3A_29] {strides = array<i32>} : memref<128xf32, #tpu.memory_space<vmem>>, vector<16xf32>,
    %swap3A_31 = vector.shape_cast %swap3A_30 : vector<16xf32> to vector<16xf32>
    %swap3A_32 = vector.shape_cast %broadcast_in_dim3A_28 : vector<16xf32> to vector<16xf32>
    tpu.vector_store %arg7[%swap3A_29], %swap3A_32 {strides = array<i32>} : memref<128xf32, #tpu.memory_space<vmem>>, vector<16xf32>,
    %broadcast_in_dim3A_33 = arith.constant 1.000000e+00 : f32
    %broadcast_in_dim3A_34 = vector.broadcast %broadcast_in_dim3A_33 : f32 to vector<16xf32>
    %swap3A_35 = arith.constant 80 : index
    %swap3A_36 = tpu.vector_load %arg7[%swap3A_35] {strides = array<i32>} : memref<128xf32, #tpu.memory_space<vmem>>, vector<16xf32>,
    %swap3A_37 = vector.shape_cast %swap3A_36 : vector<16xf32> to vector<16xf32>
    %swap3A_38 = vector.shape_cast %broadcast_in_dim3A_34 : vector<16xf32> to vector<16xf32>
    tpu.vector_store %arg7[%swap3A_35], %swap3A_38 {strides = array<i32>} : memref<128xf32, #tpu.memory_space<vmem>>, vector<16xf32>,
    %broadcast_in_dim3A_39 = arith.constant 1.000000e+00 : f32
    %broadcast_in_dim3A_40 = vector.broadcast %broadcast_in_dim3A_39 : f32 to vector<16xf32>
    %swap3A_41 = arith.constant 96 : index
    %swap3A_42 = tpu.vector_load %arg7[%swap3A_41] {strides = array<i32>} : memref<128xf32, #tpu.memory_space<vmem>>, vector<16xf32>,
    %swap3A_43 = vector.shape_cast %swap3A_42 : vector<16xf32> to vector<16xf32>
    %swap3A_44 = vector.shape_cast %broadcast_in_dim3A_40 : vector<16xf32> to vector<16xf32>
    tpu.vector_store %arg7[%swap3A_41], %swap3A_44 {strides = array<i32>} : memref<128xf32, #tpu.memory_space<vmem>>, vector<16xf32>,
    %broadcast_in_dim3A_45 = arith.constant 1.000000e+00 : f32
    %broadcast_in_dim3A_46 = vector.broadcast %broadcast_in_dim3A_45 : f32 to vector<16xf32>
    %swap3A_47 = arith.constant 112 : index
    %swap3A_48 = tpu.vector_load %arg7[%swap3A_47] {strides = array<i32>} : memref<128xf32, #tpu.memory_space<vmem>>, vector<16xf32>,
    %swap3A_49 = vector.shape_cast %swap3A_48 : vector<16xf32> to vector<16xf32>
    %swap3A_50 = vector.shape_cast %broadcast_in_dim3A_46 : vector<16xf32> to vector<16xf32>
    tpu.vector_store %arg7[%swap3A_47], %swap3A_50 {strides = array<i32>} : memref<128xf32, #tpu.memory_space<vmem>>, vector<16xf32>,
    %mul3A_51 = arith.constant 78 : i32
    %mul3A_52 = arith.muli %add3A, %mul3A_51 : i32
    %run_scoped3A = arith.constant 1 : i32
    "tpu.region"() ({
      %run_scoped3A_135 = tpu.sem_alloc : memref<!tpu.dma_semaphore, #tpu.memory_space<semaphore_mem>>
      %dma_start3A_136 = arith.constant 0 : i32
      %dma_start3A_137 = tpu.memref_slice %arg3[%run_scoped3A, %mul3A_52, %dma_start3A_136] : memref<2x2500x128xi32, #tpu.memory_space<hbm>> -> memref<1x78x128xi32, #tpu.memory_space<hbm>>
      %dma_start3A_138 = tpu.memref_squeeze %dma_start3A_137 : memref<1x78x128xi32, #tpu.memory_space<hbm>> -> memref<78x128xi32, #tpu.memory_space<hbm>>
      %dma_start3A_139 = arith.constant 0 : i32
      %dma_start3A_140 = tpu.memref_slice %arg3[%run_scoped3A, %mul3A_52, %dma_start3A_139] : memref<2x2500x128xi32, #tpu.memory_space<hbm>> -> memref<1x78x128xi32, #tpu.memory_space<hbm>>
      %dma_start3A_141 = tpu.memref_squeeze %dma_start3A_140 : memref<1x78x128xi32, #tpu.memory_space<hbm>> -> memref<78x128xi32, #tpu.memory_space<hbm>>
      tpu.enqueue_dma source(%dma_start3A_141 : memref<78x128xi32, #tpu.memory_space<hbm>>) target(%arg5 : memref<78x128xi32, #tpu.memory_space<vmem>>) target_semaphore(%run_scoped3A_135 : memref<!tpu.dma_semaphore, #tpu.memory_space<semaphore_mem>>)
      %dma_wait3A_142 = arith.constant 0 : i32
      %dma_wait3A_143 = tpu.memref_slice %arg3[%run_scoped3A, %mul3A_52, %dma_wait3A_142] : memref<2x2500x128xi32, #tpu.memory_space<hbm>> -> memref<1x78x128xi32, #tpu.memory_space<hbm>>
      %dma_wait3A_144 = tpu.memref_squeeze %dma_wait3A_143 : memref<1x78x128xi32, #tpu.memory_space<hbm>> -> memref<78x128xi32, #tpu.memory_space<hbm>>
      %dma_wait3A_145 = arith.constant 0 : i32
      %dma_wait3A_146 = tpu.memref_slice %arg3[%run_scoped3A, %mul3A_52, %dma_wait3A_145] : memref<2x2500x128xi32, #tpu.memory_space<hbm>> -> memref<1x78x128xi32, #tpu.memory_space<hbm>>
      %dma_wait3A_147 = tpu.memref_squeeze %dma_wait3A_146 : memref<1x78x128xi32, #tpu.memory_space<hbm>> -> memref<78x128xi32, #tpu.memory_space<hbm>>
      tpu.wait_dma2 semaphore(%run_scoped3A_135 : memref<!tpu.dma_semaphore, #tpu.memory_space<semaphore_mem>>) src(%dma_wait3A_147 : memref<78x128xi32, #tpu.memory_space<hbm>>) dst(%arg5 : memref<78x128xi32, #tpu.memory_space<vmem>>)
      tpu.yield
    }) : () -> ()
    %barrier3A = arith.constant 0 : index
    tpu.barrier barrier_id(%barrier3A)
    %dma_start3A = arith.constant 0 : i32
    %dma_start3A_53 = arith.constant 0 : i32
    %dma_start3A_54 = tpu.memref_slice %arg5[%dma_start3A, %dma_start3A_53] : memref<78x128xi32, #tpu.memory_space<vmem>> -> memref<1x128xi32, #tpu.memory_space<vmem>>
    %dma_start3A_55 = tpu.memref_squeeze %dma_start3A_54 : memref<1x128xi32, #tpu.memory_space<vmem>> -> memref<128xi32, #tpu.memory_space<vmem>>
    %dma_start3A_56 = arith.constant 0 : i32
    %dma_start3A_57 = tpu.memref_slice %arg8[%dma_start3A_56] : memref<10240xf32, #tpu.memory_space<vmem_shared>> -> memref<10240xf32, #tpu.memory_space<vmem_shared>>
    tpu.enqueue_indirect_dma source(%arg7 : memref<128xf32, #tpu.memory_space<vmem>>) target(%dma_start3A_57 : memref<10240xf32, #tpu.memory_space<vmem_shared>>) offsets(%dma_start3A_55 : memref<128xi32, #tpu.memory_space<vmem>>) semaphore(%arg9 : memref<!tpu.dma_semaphore, #tpu.memory_space<semaphore_mem>>) {add = true}
    %dma_start3A_58 = arith.constant 1 : i32
    %dma_start3A_59 = arith.constant 0 : i32
    %dma_start3A_60 = tpu.memref_slice %arg5[%dma_start3A_58, %dma_start3A_59] : memref<78x128xi32, #tpu.memory_space<vmem>> -> memref<1x128xi32, #tpu.memory_space<vmem>>
    %dma_start3A_61 = tpu.memref_squeeze %dma_start3A_60 : memref<1x128xi32, #tpu.memory_space<vmem>> -> memref<128xi32, #tpu.memory_space<vmem>>
    %dma_start3A_62 = arith.constant 0 : i32
    %dma_start3A_63 = tpu.memref_slice %arg8[%dma_start3A_62] : memref<10240xf32, #tpu.memory_space<vmem_shared>> -> memref<10240xf32, #tpu.memory_space<vmem_shared>>
    tpu.enqueue_indirect_dma source(%arg7 : memref<128xf32, #tpu.memory_space<vmem>>) target(%dma_start3A_63 : memref<10240xf32, #tpu.memory_space<vmem_shared>>) offsets(%dma_start3A_61 : memref<128xi32, #tpu.memory_space<vmem>>) semaphore(%arg10 : memref<!tpu.dma_semaphore, #tpu.memory_space<semaphore_mem>>) {add = true}
    %dma_start3A_64 = arith.constant 2 : i32
    %dma_start3A_65 = arith.constant 0 : i32
    %dma_start3A_66 = tpu.memref_slice %arg5[%dma_start3A_64, %dma_start3A_65] : memref<78x128xi32, #tpu.memory_space<vmem>> -> memref<1x128xi32, #tpu.memory_space<vmem>>
    %dma_start3A_67 = tpu.memref_squeeze %dma_start3A_66 : memref<1x128xi32, #tpu.memory_space<vmem>> -> memref<128xi32, #tpu.memory_space<vmem>>
    %dma_start3A_68 = arith.constant 0 : i32
    %dma_start3A_69 = tpu.memref_slice %arg8[%dma_start3A_68] : memref<10240xf32, #tpu.memory_space<vmem_shared>> -> memref<10240xf32, #tpu.memory_space<vmem_shared>>
    tpu.enqueue_indirect_dma source(%arg7 : memref<128xf32, #tpu.memory_space<vmem>>) target(%dma_start3A_69 : memref<10240xf32, #tpu.memory_space<vmem_shared>>) offsets(%dma_start3A_67 : memref<128xi32, #tpu.memory_space<vmem>>) semaphore(%arg11 : memref<!tpu.dma_semaphore, #tpu.memory_space<semaphore_mem>>) {add = true}
    %dma_start3A_70 = arith.constant 3 : i32
    %dma_start3A_71 = arith.constant 0 : i32
    %dma_start3A_72 = tpu.memref_slice %arg5[%dma_start3A_70, %dma_start3A_71] : memref<78x128xi32, #tpu.memory_space<vmem>> -> memref<1x128xi32, #tpu.memory_space<vmem>>
    %dma_start3A_73 = tpu.memref_squeeze %dma_start3A_72 : memref<1x128xi32, #tpu.memory_space<vmem>> -> memref<128xi32, #tpu.memory_space<vmem>>
    %dma_start3A_74 = arith.constant 0 : i32
    %dma_start3A_75 = tpu.memref_slice %arg8[%dma_start3A_74] : memref<10240xf32, #tpu.memory_space<vmem_shared>> -> memref<10240xf32, #tpu.memory_space<vmem_shared>>
    tpu.enqueue_indirect_dma source(%arg7 : memref<128xf32, #tpu.memory_space<vmem>>) target(%dma_start3A_75 : memref<10240xf32, #tpu.memory_space<vmem_shared>>) offsets(%dma_start3A_73 : memref<128xi32, #tpu.memory_space<vmem>>) semaphore(%arg12 : memref<!tpu.dma_semaphore, #tpu.memory_space<semaphore_mem>>) {add = true}
    %dma_start3A_76 = arith.constant 4 : i32
    %dma_start3A_77 = arith.constant 0 : i32
    %dma_start3A_78 = tpu.memref_slice %arg5[%dma_start3A_76, %dma_start3A_77] : memref<78x128xi32, #tpu.memory_space<vmem>> -> memref<1x128xi32, #tpu.memory_space<vmem>>
    %dma_start3A_79 = tpu.memref_squeeze %dma_start3A_78 : memref<1x128xi32, #tpu.memory_space<vmem>> -> memref<128xi32, #tpu.memory_space<vmem>>
    %dma_start3A_80 = arith.constant 0 : i32
    %dma_start3A_81 = tpu.memref_slice %arg8[%dma_start3A_80] : memref<10240xf32, #tpu.memory_space<vmem_shared>> -> memref<10240xf32, #tpu.memory_space<vmem_shared>>
    tpu.enqueue_indirect_dma source(%arg7 : memref<128xf32, #tpu.memory_space<vmem>>) target(%dma_start3A_81 : memref<10240xf32, #tpu.memory_space<vmem_shared>>) offsets(%dma_start3A_79 : memref<128xi32, #tpu.memory_space<vmem>>) semaphore(%arg13 : memref<!tpu.dma_semaphore, #tpu.memory_space<semaphore_mem>>) {add = true}
    %dma_start3A_82 = arith.constant 5 : i32
    %dma_start3A_83 = arith.constant 0 : i32
    %dma_start3A_84 = tpu.memref_slice %arg5[%dma_start3A_82, %dma_start3A_83] : memref<78x128xi32, #tpu.memory_space<vmem>> -> memref<1x128xi32, #tpu.memory_space<vmem>>
    %dma_start3A_85 = tpu.memref_squeeze %dma_start3A_84 : memref<1x128xi32, #tpu.memory_space<vmem>> -> memref<128xi32, #tpu.memory_space<vmem>>
    %dma_start3A_86 = arith.constant 0 : i32
    %dma_start3A_87 = tpu.memref_slice %arg8[%dma_start3A_86] : memref<10240xf32, #tpu.memory_space<vmem_shared>> -> memref<10240xf32, #tpu.memory_space<vmem_shared>>
    tpu.enqueue_indirect_dma source(%arg7 : memref<128xf32, #tpu.memory_space<vmem>>) target(%dma_start3A_87 : memref<10240xf32, #tpu.memory_space<vmem_shared>>) offsets(%dma_start3A_85 : memref<128xi32, #tpu.memory_space<vmem>>) semaphore(%arg14 : memref<!tpu.dma_semaphore, #tpu.memory_space<semaphore_mem>>) {add = true}
    %scan3A = arith.constant 0 : i32
    %scan3A_88 = arith.constant 1 : i32
    %scan3A_89 = arith.constant 12 : i32
    %scan3A_90 = arith.addi %scan3A_88, %scan3A_89 : i32
    %scan3A_91 = arith.constant 1 : i32
    scf.for %scan3A_135 = %scan3A_88 to %scan3A_90 step %scan3A_91  : i32 {
      %dma_wait3A_136 = arith.constant 0 : i32
      %dma_wait3A_137 = arith.constant 0 : i32
      %dma_wait3A_138 = tpu.memref_slice %arg5[%dma_wait3A_136, %dma_wait3A_137] : memref<78x128xi32, #tpu.memory_space<vmem>> -> memref<1x128xi32, #tpu.memory_space<vmem>>
      %dma_wait3A_139 = tpu.memref_squeeze %dma_wait3A_138 : memref<1x128xi32, #tpu.memory_space<vmem>> -> memref<128xi32, #tpu.memory_space<vmem>>
      %dma_wait3A_140 = arith.constant 0 : i32
      %dma_wait3A_141 = tpu.memref_slice %arg8[%dma_wait3A_140] : memref<10240xf32, #tpu.memory_space<vmem_shared>> -> memref<10240xf32, #tpu.memory_space<vmem_shared>>
      tpu.wait_indirect_dma semaphore(%arg9 : memref<!tpu.dma_semaphore, #tpu.memory_space<semaphore_mem>>) src(%arg7 : memref<128xf32, #tpu.memory_space<vmem>>) dst(%dma_wait3A_141 : memref<10240xf32, #tpu.memory_space<vmem_shared>>)
      %mul3A_142 = arith.constant 6 : i32
      %mul3A_143 = arith.muli %scan3A_135, %mul3A_142 : i32
      %add3A_144 = arith.constant 0 : i32
      %add3A_145 = arith.addi %mul3A_143, %add3A_144 : i32
      %dma_start3A_146 = arith.constant 0 : i32
      %dma_start3A_147 = tpu.memref_slice %arg5[%add3A_145, %dma_start3A_146] : memref<78x128xi32, #tpu.memory_space<vmem>> -> memref<1x128xi32, #tpu.memory_space<vmem>>
      %dma_start3A_148 = tpu.memref_squeeze %dma_start3A_147 : memref<1x128xi32, #tpu.memory_space<vmem>> -> memref<128xi32, #tpu.memory_space<vmem>>
      %dma_start3A_149 = arith.constant 0 : i32
      %dma_start3A_150 = tpu.memref_slice %arg8[%dma_start3A_149] : memref<10240xf32, #tpu.memory_space<vmem_shared>> -> memref<10240xf32, #tpu.memory_space<vmem_shared>>
      tpu.enqueue_indirect_dma source(%arg7 : memref<128xf32, #tpu.memory_space<vmem>>) target(%dma_start3A_150 : memref<10240xf32, #tpu.memory_space<vmem_shared>>) offsets(%dma_start3A_148 : memref<128xi32, #tpu.memory_space<vmem>>) semaphore(%arg9 : memref<!tpu.dma_semaphore, #tpu.memory_space<semaphore_mem>>) {add = true}
      %dma_wait3A_151 = arith.constant 0 : i32
      %dma_wait3A_152 = arith.constant 0 : i32
      %dma_wait3A_153 = tpu.memref_slice %arg5[%dma_wait3A_151, %dma_wait3A_152] : memref<78x128xi32, #tpu.memory_space<vmem>> -> memref<1x128xi32, #tpu.memory_space<vmem>>
      %dma_wait3A_154 = tpu.memref_squeeze %dma_wait3A_153 : memref<1x128xi32, #tpu.memory_space<vmem>> -> memref<128xi32, #tpu.memory_space<vmem>>
      %dma_wait3A_155 = arith.constant 0 : i32
      %dma_wait3A_156 = tpu.memref_slice %arg8[%dma_wait3A_155] : memref<10240xf32, #tpu.memory_space<vmem_shared>> -> memref<10240xf32, #tpu.memory_space<vmem_shared>>
      tpu.wait_indirect_dma semaphore(%arg10 : memref<!tpu.dma_semaphore, #tpu.memory_space<semaphore_mem>>) src(%arg7 : memref<128xf32, #tpu.memory_space<vmem>>) dst(%dma_wait3A_156 : memref<10240xf32, #tpu.memory_space<vmem_shared>>)
      %mul3A_157 = arith.constant 6 : i32
      %mul3A_158 = arith.muli %scan3A_135, %mul3A_157 : i32
      %add3A_159 = arith.constant 1 : i32
      %add3A_160 = arith.addi %mul3A_158, %add3A_159 : i32
      %dma_start3A_161 = arith.constant 0 : i32
      %dma_start3A_162 = tpu.memref_slice %arg5[%add3A_160, %dma_start3A_161] : memref<78x128xi32, #tpu.memory_space<vmem>> -> memref<1x128xi32, #tpu.memory_space<vmem>>
      %dma_start3A_163 = tpu.memref_squeeze %dma_start3A_162 : memref<1x128xi32, #tpu.memory_space<vmem>> -> memref<128xi32, #tpu.memory_space<vmem>>
      %dma_start3A_164 = arith.constant 0 : i32
      %dma_start3A_165 = tpu.memref_slice %arg8[%dma_start3A_164] : memref<10240xf32, #tpu.memory_space<vmem_shared>> -> memref<10240xf32, #tpu.memory_space<vmem_shared>>
      tpu.enqueue_indirect_dma source(%arg7 : memref<128xf32, #tpu.memory_space<vmem>>) target(%dma_start3A_165 : memref<10240xf32, #tpu.memory_space<vmem_shared>>) offsets(%dma_start3A_163 : memref<128xi32, #tpu.memory_space<vmem>>) semaphore(%arg10 : memref<!tpu.dma_semaphore, #tpu.memory_space<semaphore_mem>>) {add = true}
      %dma_wait3A_166 = arith.constant 0 : i32
      %dma_wait3A_167 = arith.constant 0 : i32
      %dma_wait3A_168 = tpu.memref_slice %arg5[%dma_wait3A_166, %dma_wait3A_167] : memref<78x128xi32, #tpu.memory_space<vmem>> -> memref<1x128xi32, #tpu.memory_space<vmem>>
      %dma_wait3A_169 = tpu.memref_squeeze %dma_wait3A_168 : memref<1x128xi32, #tpu.memory_space<vmem>> -> memref<128xi32, #tpu.memory_space<vmem>>
      %dma_wait3A_170 = arith.constant 0 : i32
      %dma_wait3A_171 = tpu.memref_slice %arg8[%dma_wait3A_170] : memref<10240xf32, #tpu.memory_space<vmem_shared>> -> memref<10240xf32, #tpu.memory_space<vmem_shared>>
      tpu.wait_indirect_dma semaphore(%arg11 : memref<!tpu.dma_semaphore, #tpu.memory_space<semaphore_mem>>) src(%arg7 : memref<128xf32, #tpu.memory_space<vmem>>) dst(%dma_wait3A_171 : memref<10240xf32, #tpu.memory_space<vmem_shared>>)
      %mul3A_172 = arith.constant 6 : i32
      %mul3A_173 = arith.muli %scan3A_135, %mul3A_172 : i32
      %add3A_174 = arith.constant 2 : i32
      %add3A_175 = arith.addi %mul3A_173, %add3A_174 : i32
      %dma_start3A_176 = arith.constant 0 : i32
      %dma_start3A_177 = tpu.memref_slice %arg5[%add3A_175, %dma_start3A_176] : memref<78x128xi32, #tpu.memory_space<vmem>> -> memref<1x128xi32, #tpu.memory_space<vmem>>
      %dma_start3A_178 = tpu.memref_squeeze %dma_start3A_177 : memref<1x128xi32, #tpu.memory_space<vmem>> -> memref<128xi32, #tpu.memory_space<vmem>>
      %dma_start3A_179 = arith.constant 0 : i32
      %dma_start3A_180 = tpu.memref_slice %arg8[%dma_start3A_179] : memref<10240xf32, #tpu.memory_space<vmem_shared>> -> memref<10240xf32, #tpu.memory_space<vmem_shared>>
      tpu.enqueue_indirect_dma source(%arg7 : memref<128xf32, #tpu.memory_space<vmem>>) target(%dma_start3A_180 : memref<10240xf32, #tpu.memory_space<vmem_shared>>) offsets(%dma_start3A_178 : memref<128xi32, #tpu.memory_space<vmem>>) semaphore(%arg11 : memref<!tpu.dma_semaphore, #tpu.memory_space<semaphore_mem>>) {add = true}
      %dma_wait3A_181 = arith.constant 0 : i32
      %dma_wait3A_182 = arith.constant 0 : i32
      %dma_wait3A_183 = tpu.memref_slice %arg5[%dma_wait3A_181, %dma_wait3A_182] : memref<78x128xi32, #tpu.memory_space<vmem>> -> memref<1x128xi32, #tpu.memory_space<vmem>>
      %dma_wait3A_184 = tpu.memref_squeeze %dma_wait3A_183 : memref<1x128xi32, #tpu.memory_space<vmem>> -> memref<128xi32, #tpu.memory_space<vmem>>
      %dma_wait3A_185 = arith.constant 0 : i32
      %dma_wait3A_186 = tpu.memref_slice %arg8[%dma_wait3A_185] : memref<10240xf32, #tpu.memory_space<vmem_shared>> -> memref<10240xf32, #tpu.memory_space<vmem_shared>>
      tpu.wait_indirect_dma semaphore(%arg12 : memref<!tpu.dma_semaphore, #tpu.memory_space<semaphore_mem>>) src(%arg7 : memref<128xf32, #tpu.memory_space<vmem>>) dst(%dma_wait3A_186 : memref<10240xf32, #tpu.memory_space<vmem_shared>>)
      %mul3A_187 = arith.constant 6 : i32
      %mul3A_188 = arith.muli %scan3A_135, %mul3A_187 : i32
      %add3A_189 = arith.constant 3 : i32
      %add3A_190 = arith.addi %mul3A_188, %add3A_189 : i32
      %dma_start3A_191 = arith.constant 0 : i32
      %dma_start3A_192 = tpu.memref_slice %arg5[%add3A_190, %dma_start3A_191] : memref<78x128xi32, #tpu.memory_space<vmem>> -> memref<1x128xi32, #tpu.memory_space<vmem>>
      %dma_start3A_193 = tpu.memref_squeeze %dma_start3A_192 : memref<1x128xi32, #tpu.memory_space<vmem>> -> memref<128xi32, #tpu.memory_space<vmem>>
      %dma_start3A_194 = arith.constant 0 : i32
      %dma_start3A_195 = tpu.memref_slice %arg8[%dma_start3A_194] : memref<10240xf32, #tpu.memory_space<vmem_shared>> -> memref<10240xf32, #tpu.memory_space<vmem_shared>>
      tpu.enqueue_indirect_dma source(%arg7 : memref<128xf32, #tpu.memory_space<vmem>>) target(%dma_start3A_195 : memref<10240xf32, #tpu.memory_space<vmem_shared>>) offsets(%dma_start3A_193 : memref<128xi32, #tpu.memory_space<vmem>>) semaphore(%arg12 : memref<!tpu.dma_semaphore, #tpu.memory_space<semaphore_mem>>) {add = true}
      %dma_wait3A_196 = arith.constant 0 : i32
      %dma_wait3A_197 = arith.constant 0 : i32
      %dma_wait3A_198 = tpu.memref_slice %arg5[%dma_wait3A_196, %dma_wait3A_197] : memref<78x128xi32, #tpu.memory_space<vmem>> -> memref<1x128xi32, #tpu.memory_space<vmem>>
      %dma_wait3A_199 = tpu.memref_squeeze %dma_wait3A_198 : memref<1x128xi32, #tpu.memory_space<vmem>> -> memref<128xi32, #tpu.memory_space<vmem>>
      %dma_wait3A_200 = arith.constant 0 : i32
      %dma_wait3A_201 = tpu.memref_slice %arg8[%dma_wait3A_200] : memref<10240xf32, #tpu.memory_space<vmem_shared>> -> memref<10240xf32, #tpu.memory_space<vmem_shared>>
      tpu.wait_indirect_dma semaphore(%arg13 : memref<!tpu.dma_semaphore, #tpu.memory_space<semaphore_mem>>) src(%arg7 : memref<128xf32, #tpu.memory_space<vmem>>) dst(%dma_wait3A_201 : memref<10240xf32, #tpu.memory_space<vmem_shared>>)
      %mul3A_202 = arith.constant 6 : i32
      %mul3A_203 = arith.muli %scan3A_135, %mul3A_202 : i32
      %add3A_204 = arith.constant 4 : i32
      %add3A_205 = arith.addi %mul3A_203, %add3A_204 : i32
      %dma_start3A_206 = arith.constant 0 : i32
      %dma_start3A_207 = tpu.memref_slice %arg5[%add3A_205, %dma_start3A_206] : memref<78x128xi32, #tpu.memory_space<vmem>> -> memref<1x128xi32, #tpu.memory_space<vmem>>
      %dma_start3A_208 = tpu.memref_squeeze %dma_start3A_207 : memref<1x128xi32, #tpu.memory_space<vmem>> -> memref<128xi32, #tpu.memory_space<vmem>>
      %dma_start3A_209 = arith.constant 0 : i32
      %dma_start3A_210 = tpu.memref_slice %arg8[%dma_start3A_209] : memref<10240xf32, #tpu.memory_space<vmem_shared>> -> memref<10240xf32, #tpu.memory_space<vmem_shared>>
      tpu.enqueue_indirect_dma source(%arg7 : memref<128xf32, #tpu.memory_space<vmem>>) target(%dma_start3A_210 : memref<10240xf32, #tpu.memory_space<vmem_shared>>) offsets(%dma_start3A_208 : memref<128xi32, #tpu.memory_space<vmem>>) semaphore(%arg13 : memref<!tpu.dma_semaphore, #tpu.memory_space<semaphore_mem>>) {add = true}
      %dma_wait3A_211 = arith.constant 0 : i32
      %dma_wait3A_212 = arith.constant 0 : i32
      %dma_wait3A_213 = tpu.memref_slice %arg5[%dma_wait3A_211, %dma_wait3A_212] : memref<78x128xi32, #tpu.memory_space<vmem>> -> memref<1x128xi32, #tpu.memory_space<vmem>>
      %dma_wait3A_214 = tpu.memref_squeeze %dma_wait3A_213 : memref<1x128xi32, #tpu.memory_space<vmem>> -> memref<128xi32, #tpu.memory_space<vmem>>
      %dma_wait3A_215 = arith.constant 0 : i32
      %dma_wait3A_216 = tpu.memref_slice %arg8[%dma_wait3A_215] : memref<10240xf32, #tpu.memory_space<vmem_shared>> -> memref<10240xf32, #tpu.memory_space<vmem_shared>>
      tpu.wait_indirect_dma semaphore(%arg14 : memref<!tpu.dma_semaphore, #tpu.memory_space<semaphore_mem>>) src(%arg7 : memref<128xf32, #tpu.memory_space<vmem>>) dst(%dma_wait3A_216 : memref<10240xf32, #tpu.memory_space<vmem_shared>>)
      %mul3A_217 = arith.constant 6 : i32
      %mul3A_218 = arith.muli %scan3A_135, %mul3A_217 : i32
      %add3A_219 = arith.constant 5 : i32
      %add3A_220 = arith.addi %mul3A_218, %add3A_219 : i32
      %dma_start3A_221 = arith.constant 0 : i32
      %dma_start3A_222 = tpu.memref_slice %arg5[%add3A_220, %dma_start3A_221] : memref<78x128xi32, #tpu.memory_space<vmem>> -> memref<1x128xi32, #tpu.memory_space<vmem>>
      %dma_start3A_223 = tpu.memref_squeeze %dma_start3A_222 : memref<1x128xi32, #tpu.memory_space<vmem>> -> memref<128xi32, #tpu.memory_space<vmem>>
      %dma_start3A_224 = arith.constant 0 : i32
      %dma_start3A_225 = tpu.memref_slice %arg8[%dma_start3A_224] : memref<10240xf32, #tpu.memory_space<vmem_shared>> -> memref<10240xf32, #tpu.memory_space<vmem_shared>>
      tpu.enqueue_indirect_dma source(%arg7 : memref<128xf32, #tpu.memory_space<vmem>>) target(%dma_start3A_225 : memref<10240xf32, #tpu.memory_space<vmem_shared>>) offsets(%dma_start3A_223 : memref<128xi32, #tpu.memory_space<vmem>>) semaphore(%arg14 : memref<!tpu.dma_semaphore, #tpu.memory_space<semaphore_mem>>) {add = true}
    }
    %scan3A_92 = arith.constant 12 : i32
    %dma_wait3A = arith.constant 0 : i32
    %dma_wait3A_93 = arith.constant 0 : i32
    %dma_wait3A_94 = tpu.memref_slice %arg5[%dma_wait3A, %dma_wait3A_93] : memref<78x128xi32, #tpu.memory_space<vmem>> -> memref<1x128xi32, #tpu.memory_space<vmem>>
    %dma_wait3A_95 = tpu.memref_squeeze %dma_wait3A_94 : memref<1x128xi32, #tpu.memory_space<vmem>> -> memref<128xi32, #tpu.memory_space<vmem>>
    %dma_wait3A_96 = arith.constant 0 : i32
    %dma_wait3A_97 = tpu.memref_slice %arg8[%dma_wait3A_96] : memref<10240xf32, #tpu.memory_space<vmem_shared>> -> memref<10240xf32, #tpu.memory_space<vmem_shared>>
    tpu.wait_indirect_dma semaphore(%arg9 : memref<!tpu.dma_semaphore, #tpu.memory_space<semaphore_mem>>) src(%arg7 : memref<128xf32, #tpu.memory_space<vmem>>) dst(%dma_wait3A_97 : memref<10240xf32, #tpu.memory_space<vmem_shared>>)
    %dma_wait3A_98 = arith.constant 0 : i32
    %dma_wait3A_99 = arith.constant 0 : i32
    %dma_wait3A_100 = tpu.memref_slice %arg5[%dma_wait3A_98, %dma_wait3A_99] : memref<78x128xi32, #tpu.memory_space<vmem>> -> memref<1x128xi32, #tpu.memory_space<vmem>>
    %dma_wait3A_101 = tpu.memref_squeeze %dma_wait3A_100 : memref<1x128xi32, #tpu.memory_space<vmem>> -> memref<128xi32, #tpu.memory_space<vmem>>
    %dma_wait3A_102 = arith.constant 0 : i32
    %dma_wait3A_103 = tpu.memref_slice %arg8[%dma_wait3A_102] : memref<10240xf32, #tpu.memory_space<vmem_shared>> -> memref<10240xf32, #tpu.memory_space<vmem_shared>>
    tpu.wait_indirect_dma semaphore(%arg10 : memref<!tpu.dma_semaphore, #tpu.memory_space<semaphore_mem>>) src(%arg7 : memref<128xf32, #tpu.memory_space<vmem>>) dst(%dma_wait3A_103 : memref<10240xf32, #tpu.memory_space<vmem_shared>>)
    %dma_wait3A_104 = arith.constant 0 : i32
    %dma_wait3A_105 = arith.constant 0 : i32
    %dma_wait3A_106 = tpu.memref_slice %arg5[%dma_wait3A_104, %dma_wait3A_105] : memref<78x128xi32, #tpu.memory_space<vmem>> -> memref<1x128xi32, #tpu.memory_space<vmem>>
    %dma_wait3A_107 = tpu.memref_squeeze %dma_wait3A_106 : memref<1x128xi32, #tpu.memory_space<vmem>> -> memref<128xi32, #tpu.memory_space<vmem>>
    %dma_wait3A_108 = arith.constant 0 : i32
    %dma_wait3A_109 = tpu.memref_slice %arg8[%dma_wait3A_108] : memref<10240xf32, #tpu.memory_space<vmem_shared>> -> memref<10240xf32, #tpu.memory_space<vmem_shared>>
    tpu.wait_indirect_dma semaphore(%arg11 : memref<!tpu.dma_semaphore, #tpu.memory_space<semaphore_mem>>) src(%arg7 : memref<128xf32, #tpu.memory_space<vmem>>) dst(%dma_wait3A_109 : memref<10240xf32, #tpu.memory_space<vmem_shared>>)
    %dma_wait3A_110 = arith.constant 0 : i32
    %dma_wait3A_111 = arith.constant 0 : i32
    %dma_wait3A_112 = tpu.memref_slice %arg5[%dma_wait3A_110, %dma_wait3A_111] : memref<78x128xi32, #tpu.memory_space<vmem>> -> memref<1x128xi32, #tpu.memory_space<vmem>>
    %dma_wait3A_113 = tpu.memref_squeeze %dma_wait3A_112 : memref<1x128xi32, #tpu.memory_space<vmem>> -> memref<128xi32, #tpu.memory_space<vmem>>
    %dma_wait3A_114 = arith.constant 0 : i32
    %dma_wait3A_115 = tpu.memref_slice %arg8[%dma_wait3A_114] : memref<10240xf32, #tpu.memory_space<vmem_shared>> -> memref<10240xf32, #tpu.memory_space<vmem_shared>>
    tpu.wait_indirect_dma semaphore(%arg12 : memref<!tpu.dma_semaphore, #tpu.memory_space<semaphore_mem>>) src(%arg7 : memref<128xf32, #tpu.memory_space<vmem>>) dst(%dma_wait3A_115 : memref<10240xf32, #tpu.memory_space<vmem_shared>>)
    %dma_wait3A_116 = arith.constant 0 : i32
    %dma_wait3A_117 = arith.constant 0 : i32
    %dma_wait3A_118 = tpu.memref_slice %arg5[%dma_wait3A_116, %dma_wait3A_117] : memref<78x128xi32, #tpu.memory_space<vmem>> -> memref<1x128xi32, #tpu.memory_space<vmem>>
    %dma_wait3A_119 = tpu.memref_squeeze %dma_wait3A_118 : memref<1x128xi32, #tpu.memory_space<vmem>> -> memref<128xi32, #tpu.memory_space<vmem>>
    %dma_wait3A_120 = arith.constant 0 : i32
    %dma_wait3A_121 = tpu.memref_slice %arg8[%dma_wait3A_120] : memref<10240xf32, #tpu.memory_space<vmem_shared>> -> memref<10240xf32, #tpu.memory_space<vmem_shared>>
    tpu.wait_indirect_dma semaphore(%arg13 : memref<!tpu.dma_semaphore, #tpu.memory_space<semaphore_mem>>) src(%arg7 : memref<128xf32, #tpu.memory_space<vmem>>) dst(%dma_wait3A_121 : memref<10240xf32, #tpu.memory_space<vmem_shared>>)
    %dma_wait3A_122 = arith.constant 0 : i32
    %dma_wait3A_123 = arith.constant 0 : i32
    %dma_wait3A_124 = tpu.memref_slice %arg5[%dma_wait3A_122, %dma_wait3A_123] : memref<78x128xi32, #tpu.memory_space<vmem>> -> memref<1x128xi32, #tpu.memory_space<vmem>>
    %dma_wait3A_125 = tpu.memref_squeeze %dma_wait3A_124 : memref<1x128xi32, #tpu.memory_space<vmem>> -> memref<128xi32, #tpu.memory_space<vmem>>
    %dma_wait3A_126 = arith.constant 0 : i32
    %dma_wait3A_127 = tpu.memref_slice %arg8[%dma_wait3A_126] : memref<10240xf32, #tpu.memory_space<vmem_shared>> -> memref<10240xf32, #tpu.memory_space<vmem_shared>>
    tpu.wait_indirect_dma semaphore(%arg14 : memref<!tpu.dma_semaphore, #tpu.memory_space<semaphore_mem>>) src(%arg7 : memref<128xf32, #tpu.memory_space<vmem>>) dst(%dma_wait3A_127 : memref<10240xf32, #tpu.memory_space<vmem_shared>>)
    %lt3A = arith.constant 4 : i32
    %lt3A_128 = arith.cmpi slt, %add3A, %lt3A : i32
    %convert_element_type3A = arith.extui %lt3A_128 : i1 to i32
    %cond3A = arith.constant 0 : i32
    %cond3A_129 = arith.cmpi ne, %convert_element_type3A, %cond3A : i32
    scf.if %cond3A_129 {
      %add3A_135 = arith.constant 2496 : i32
      %add3A_136 = arith.addi %add3A_135, %add3A : i32
      %run_scoped3A_137 = arith.constant 1 : i32
      "tpu.region"() ({
        %run_scoped3A_139 = tpu.sem_alloc : memref<!tpu.dma_semaphore, #tpu.memory_space<semaphore_mem>>
        %dma_start3A_140 = arith.constant 0 : i32
        %dma_start3A_141 = tpu.memref_slice %arg3[%run_scoped3A_137, %add3A_136, %dma_start3A_140] : memref<2x2500x128xi32, #tpu.memory_space<hbm>> -> memref<1x1x128xi32, #tpu.memory_space<hbm>>
        %dma_start3A_142 = tpu.memref_squeeze %dma_start3A_141 : memref<1x1x128xi32, #tpu.memory_space<hbm>> -> memref<1x128xi32, #tpu.memory_space<hbm>>
        %dma_start3A_143 = arith.constant 0 : i32
        %dma_start3A_144 = tpu.memref_slice %arg3[%run_scoped3A_137, %add3A_136, %dma_start3A_143] : memref<2x2500x128xi32, #tpu.memory_space<hbm>> -> memref<1x1x128xi32, #tpu.memory_space<hbm>>
        %dma_start3A_145 = tpu.memref_squeeze %dma_start3A_144 : memref<1x1x128xi32, #tpu.memory_space<hbm>> -> memref<1x128xi32, #tpu.memory_space<hbm>>
        tpu.enqueue_dma source(%dma_start3A_145 : memref<1x128xi32, #tpu.memory_space<hbm>>) target(%arg6 : memref<1x128xi32, #tpu.memory_space<vmem>>) target_semaphore(%run_scoped3A_139 : memref<!tpu.dma_semaphore, #tpu.memory_space<semaphore_mem>>)
        %dma_wait3A_146 = arith.constant 0 : i32
        %dma_wait3A_147 = tpu.memref_slice %arg3[%run_scoped3A_137, %add3A_136, %dma_wait3A_146] : memref<2x2500x128xi32, #tpu.memory_space<hbm>> -> memref<1x1x128xi32, #tpu.memory_space<hbm>>
        %dma_wait3A_148 = tpu.memref_squeeze %dma_wait3A_147 : memref<1x1x128xi32, #tpu.memory_space<hbm>> -> memref<1x128xi32, #tpu.memory_space<hbm>>
        %dma_wait3A_149 = arith.constant 0 : i32
        %dma_wait3A_150 = tpu.memref_slice %arg3[%run_scoped3A_137, %add3A_136, %dma_wait3A_149] : memref<2x2500x128xi32, #tpu.memory_space<hbm>> -> memref<1x1x128xi32, #tpu.memory_space<hbm>>
        %dma_wait3A_151 = tpu.memref_squeeze %dma_wait3A_150 : memref<1x1x128xi32, #tpu.memory_space<hbm>> -> memref<1x128xi32, #tpu.memory_space<hbm>>
        tpu.wait_dma2 semaphore(%run_scoped3A_139 : memref<!tpu.dma_semaphore, #tpu.memory_space<semaphore_mem>>) src(%dma_wait3A_151 : memref<1x128xi32, #tpu.memory_space<hbm>>) dst(%arg6 : memref<1x128xi32, #tpu.memory_space<vmem>>)
        tpu.yield
      }) : () -> ()
      %run_scoped3A_138 = arith.constant 0 : i32
      "tpu.region"() ({
        %run_scoped3A_139 = tpu.sem_alloc : memref<!tpu.dma_semaphore, #tpu.memory_space<semaphore_mem>>
        %dma_start3A_140 = arith.constant 0 : i32
        %dma_start3A_141 = tpu.memref_slice %arg6[%run_scoped3A_138, %dma_start3A_140] : memref<1x128xi32, #tpu.memory_space<vmem>> -> memref<1x128xi32, #tpu.memory_space<vmem>>
        %dma_start3A_142 = tpu.memref_squeeze %dma_start3A_141 : memref<1x128xi32, #tpu.memory_space<vmem>> -> memref<128xi32, #tpu.memory_space<vmem>>
        %dma_start3A_143 = arith.constant 0 : i32
        %dma_start3A_144 = tpu.memref_slice %arg8[%dma_start3A_143] : memref<10240xf32, #tpu.memory_space<vmem_shared>> -> memref<10240xf32, #tpu.memory_space<vmem_shared>>
        tpu.enqueue_indirect_dma source(%arg7 : memref<128xf32, #tpu.memory_space<vmem>>) target(%dma_start3A_144 : memref<10240xf32, #tpu.memory_space<vmem_shared>>) offsets(%dma_start3A_142 : memref<128xi32, #tpu.memory_space<vmem>>) semaphore(%run_scoped3A_139 : memref<!tpu.dma_semaphore, #tpu.memory_space<semaphore_mem>>) {add = true}
        %dma_wait3A_145 = arith.constant 0 : i32
        %dma_wait3A_146 = tpu.memref_slice %arg6[%run_scoped3A_138, %dma_wait3A_145] : memref<1x128xi32, #tpu.memory_space<vmem>> -> memref<1x128xi32, #tpu.memory_space<vmem>>
        %dma_wait3A_147 = tpu.memref_squeeze %dma_wait3A_146 : memref<1x128xi32, #tpu.memory_space<vmem>> -> memref<128xi32, #tpu.memory_space<vmem>>
        %dma_wait3A_148 = arith.constant 0 : i32
        %dma_wait3A_149 = tpu.memref_slice %arg8[%dma_wait3A_148] : memref<10240xf32, #tpu.memory_space<vmem_shared>> -> memref<10240xf32, #tpu.memory_space<vmem_shared>>
        tpu.wait_indirect_dma semaphore(%run_scoped3A_139 : memref<!tpu.dma_semaphore, #tpu.memory_space<semaphore_mem>>) src(%arg7 : memref<128xf32, #tpu.memory_space<vmem>>) dst(%dma_wait3A_149 : memref<10240xf32, #tpu.memory_space<vmem_shared>>)
        tpu.yield
      }) : () -> ()
    } else {
    }
    %barrier3A_130 = arith.constant 0 : index
    tpu.barrier barrier_id(%barrier3A_130)
    %mul3A_131 = arith.constant 640 : i32
    %mul3A_132 = arith.muli %arg1, %mul3A_131 : i32
    %mul3A_133 = arith.constant 640 : i32
    %mul3A_134 = arith.muli %arg1, %mul3A_133 : i32
    "tpu.region"() ({
      %run_scoped3A_135 = tpu.sem_alloc : memref<!tpu.dma_semaphore, #tpu.memory_space<semaphore_mem>>
      %dma_start3A_136 = tpu.memref_slice %arg4[%arg0, %mul3A_134] : memref<2x10240xf32, #tpu.memory_space<hbm>> -> memref<1x640xf32, #tpu.memory_space<hbm>>
      %dma_start3A_137 = tpu.memref_squeeze %dma_start3A_136 : memref<1x640xf32, #tpu.memory_space<hbm>> -> memref<640xf32, #tpu.memory_space<hbm>>
      %dma_start3A_138 = tpu.memref_slice %arg8[%mul3A_132] : memref<10240xf32, #tpu.memory_space<vmem_shared>> -> memref<640xf32, #tpu.memory_space<vmem_shared>>
      tpu.enqueue_dma source(%dma_start3A_138 : memref<640xf32, #tpu.memory_space<vmem_shared>>) target(%dma_start3A_137 : memref<640xf32, #tpu.memory_space<hbm>>) target_semaphore(%run_scoped3A_135 : memref<!tpu.dma_semaphore, #tpu.memory_space<semaphore_mem>>)
      %dma_wait3A_139 = tpu.memref_slice %arg4[%arg0, %mul3A_134] : memref<2x10240xf32, #tpu.memory_space<hbm>> -> memref<1x640xf32, #tpu.memory_space<hbm>>
      %dma_wait3A_140 = tpu.memref_squeeze %dma_wait3A_139 : memref<1x640xf32, #tpu.memory_space<hbm>> -> memref<640xf32, #tpu.memory_space<hbm>>
      %dma_wait3A_141 = tpu.memref_slice %arg8[%mul3A_132] : memref<10240xf32, #tpu.memory_space<vmem_shared>> -> memref<640xf32, #tpu.memory_space<vmem_shared>>
      tpu.wait_dma2 semaphore(%run_scoped3A_135 : memref<!tpu.dma_semaphore, #tpu.memory_space<semaphore_mem>>) src(%dma_wait3A_141 : memref<640xf32, #tpu.memory_space<vmem_shared>>) dst(%dma_wait3A_140 : memref<640xf32, #tpu.memory_space<hbm>>)
      tpu.yield
    }) : () -> ()
    return
  }
}

#map = affine_map<(d0, d1) -> (0, 0)>
#map1 = affine_map<(d0, d1) -> (0, 0, 0)>
module attributes {stable_mosaic.version = 14 : i64} {
  func.func @kfn(%arg0: i32, %arg1: i32, %arg2: memref<10000x32xf32, #tpu.memory_space<hbm>>, %arg3: memref<2x2500x128xi32, #tpu.memory_space<hbm>>, %arg4: memref<10240x32xf32, #tpu.memory_space<hbm>>, %arg5: memref<2x10240x32xf32, #tpu.memory_space<hbm>>, %arg6: memref<78x128xi32, #tpu.memory_space<vmem>>, %arg7: memref<78x128xi32, #tpu.memory_space<vmem>>, %arg8: memref<1x128xi32, #tpu.memory_space<vmem>>, %arg9: memref<1x128xi32, #tpu.memory_space<vmem>>, %arg10: memref<128x32xf32, #tpu.memory_space<vmem>>, %arg11: memref<128x32xf32, #tpu.memory_space<vmem>>, %arg12: memref<128x32xf32, #tpu.memory_space<vmem>>, %arg13: memref<128x32xf32, #tpu.memory_space<vmem>>, %arg14: memref<128x32xf32, #tpu.memory_space<vmem>>, %arg15: memref<128x32xf32, #tpu.memory_space<vmem>>, %arg16: memref<128x32xf32, #tpu.memory_space<vmem>>, %arg17: memref<10240x32xf32, #tpu.memory_space<vmem_shared>>, %arg18: memref<10240x32xf32, #tpu.memory_space<vmem_shared>>, %arg19: memref<!tpu.dma_semaphore, #tpu.memory_space<semaphore_mem>>, %arg20: memref<!tpu.dma_semaphore, #tpu.memory_space<semaphore_mem>>, %arg21: memref<!tpu.dma_semaphore, #tpu.memory_space<semaphore_mem>>, %arg22: memref<!tpu.dma_semaphore, #tpu.memory_space<semaphore_mem>>, %arg23: memref<!tpu.dma_semaphore, #tpu.memory_space<semaphore_mem>>, %arg24: memref<!tpu.dma_semaphore, #tpu.memory_space<semaphore_mem>>, %arg25: memref<!tpu.dma_semaphore, #tpu.memory_space<semaphore_mem>>, %arg26: memref<!tpu.dma_semaphore, #tpu.memory_space<semaphore_mem>>, %arg27: memref<!tpu.dma_semaphore, #tpu.memory_space<semaphore_mem>>, %arg28: memref<!tpu.dma_semaphore, #tpu.memory_space<semaphore_mem>>, %arg29: memref<!tpu.dma_semaphore, #tpu.memory_space<semaphore_mem>>, %arg30: memref<!tpu.dma_semaphore, #tpu.memory_space<semaphore_mem>>, %arg31: memref<!tpu.dma_semaphore, #tpu.memory_space<semaphore_mem>>) attributes {dimension_semantics = [#tpu.dimension_semantics<core_parallel>, #tpu.dimension_semantics<subcore_parallel>], iteration_bounds = array<i64: 2, 16>, scalar_prefetch = 0 : i64, scratch_operands = 26 : i64, tpu.core_type = #tpu.core_type<sc_vector_subcore>, window_params = [{transform_indices = #map}, {transform_indices = #map1}, {transform_indices = #map}, {transform_indices = #map1}]} {
    %mul3A = arith.constant 16 : i32
    %mul3A_0 = arith.muli %arg0, %mul3A : i32
    %add3A = arith.addi %mul3A_0, %arg1 : i32
    %mul3A_1 = arith.constant 640 : i32
    %mul3A_2 = arith.muli %arg1, %mul3A_1 : i32
    %mul3A_3 = arith.constant 640 : i32
    %mul3A_4 = arith.muli %arg1, %mul3A_3 : i32
    %dma_start3A = arith.constant 0 : i32
    %dma_start3A_5 = tpu.memref_slice %arg17[%mul3A_4, %dma_start3A] : memref<10240x32xf32, #tpu.memory_space<vmem_shared>> -> memref<640x32xf32, #tpu.memory_space<vmem_shared>>
    %dma_start3A_6 = arith.constant 0 : i32
    %dma_start3A_7 = tpu.memref_slice %arg4[%mul3A_2, %dma_start3A_6] : memref<10240x32xf32, #tpu.memory_space<hbm>> -> memref<640x32xf32, #tpu.memory_space<hbm>>
    tpu.enqueue_dma source(%dma_start3A_7 : memref<640x32xf32, #tpu.memory_space<hbm>>) target(%dma_start3A_5 : memref<640x32xf32, #tpu.memory_space<vmem_shared>>) target_semaphore(%arg19 : memref<!tpu.dma_semaphore, #tpu.memory_space<semaphore_mem>>)
    %mul3A_8 = arith.constant 625 : i32
    %mul3A_9 = arith.muli %arg1, %mul3A_8 : i32
    %mul3A_10 = arith.constant 625 : i32
    %mul3A_11 = arith.muli %arg1, %mul3A_10 : i32
    %dma_start3A_12 = arith.constant 0 : i32
    %dma_start3A_13 = tpu.memref_slice %arg18[%mul3A_11, %dma_start3A_12] : memref<10240x32xf32, #tpu.memory_space<vmem_shared>> -> memref<625x32xf32, #tpu.memory_space<vmem_shared>>
    %dma_start3A_14 = arith.constant 0 : i32
    %dma_start3A_15 = tpu.memref_slice %arg2[%mul3A_9, %dma_start3A_14] : memref<10000x32xf32, #tpu.memory_space<hbm>> -> memref<625x32xf32, #tpu.memory_space<hbm>>
    tpu.enqueue_dma source(%dma_start3A_15 : memref<625x32xf32, #tpu.memory_space<hbm>>) target(%dma_start3A_13 : memref<625x32xf32, #tpu.memory_space<vmem_shared>>) target_semaphore(%arg20 : memref<!tpu.dma_semaphore, #tpu.memory_space<semaphore_mem>>)
    %mul3A_16 = arith.constant 78 : i32
    %mul3A_17 = arith.muli %add3A, %mul3A_16 : i32
    %dma_start3A_18 = arith.constant 0 : i32
    %dma_start3A_19 = arith.constant 0 : i32
    %dma_start3A_20 = tpu.memref_slice %arg3[%dma_start3A_18, %mul3A_17, %dma_start3A_19] : memref<2x2500x128xi32, #tpu.memory_space<hbm>> -> memref<1x78x128xi32, #tpu.memory_space<hbm>>
    %dma_start3A_21 = tpu.memref_squeeze %dma_start3A_20 : memref<1x78x128xi32, #tpu.memory_space<hbm>> -> memref<78x128xi32, #tpu.memory_space<hbm>>
    %dma_start3A_22 = arith.constant 0 : i32
    %dma_start3A_23 = tpu.memref_slice %arg3[%dma_start3A_18, %mul3A_17, %dma_start3A_22] : memref<2x2500x128xi32, #tpu.memory_space<hbm>> -> memref<1x78x128xi32, #tpu.memory_space<hbm>>
    %dma_start3A_24 = tpu.memref_squeeze %dma_start3A_23 : memref<1x78x128xi32, #tpu.memory_space<hbm>> -> memref<78x128xi32, #tpu.memory_space<hbm>>
    tpu.enqueue_dma source(%dma_start3A_24 : memref<78x128xi32, #tpu.memory_space<hbm>>) target(%arg6 : memref<78x128xi32, #tpu.memory_space<vmem>>) target_semaphore(%arg25 : memref<!tpu.dma_semaphore, #tpu.memory_space<semaphore_mem>>)
    %mul3A_25 = arith.constant 78 : i32
    %mul3A_26 = arith.muli %add3A, %mul3A_25 : i32
    %dma_start3A_27 = arith.constant 1 : i32
    %dma_start3A_28 = arith.constant 0 : i32
    %dma_start3A_29 = tpu.memref_slice %arg3[%dma_start3A_27, %mul3A_26, %dma_start3A_28] : memref<2x2500x128xi32, #tpu.memory_space<hbm>> -> memref<1x78x128xi32, #tpu.memory_space<hbm>>
    %dma_start3A_30 = tpu.memref_squeeze %dma_start3A_29 : memref<1x78x128xi32, #tpu.memory_space<hbm>> -> memref<78x128xi32, #tpu.memory_space<hbm>>
    %dma_start3A_31 = arith.constant 0 : i32
    %dma_start3A_32 = tpu.memref_slice %arg3[%dma_start3A_27, %mul3A_26, %dma_start3A_31] : memref<2x2500x128xi32, #tpu.memory_space<hbm>> -> memref<1x78x128xi32, #tpu.memory_space<hbm>>
    %dma_start3A_33 = tpu.memref_squeeze %dma_start3A_32 : memref<1x78x128xi32, #tpu.memory_space<hbm>> -> memref<78x128xi32, #tpu.memory_space<hbm>>
    tpu.enqueue_dma source(%dma_start3A_33 : memref<78x128xi32, #tpu.memory_space<hbm>>) target(%arg7 : memref<78x128xi32, #tpu.memory_space<vmem>>) target_semaphore(%arg26 : memref<!tpu.dma_semaphore, #tpu.memory_space<semaphore_mem>>)
    %dma_wait3A = arith.constant 0 : i32
    %dma_wait3A_34 = tpu.memref_slice %arg17[%mul3A_4, %dma_wait3A] : memref<10240x32xf32, #tpu.memory_space<vmem_shared>> -> memref<640x32xf32, #tpu.memory_space<vmem_shared>>
    %dma_wait3A_35 = arith.constant 0 : i32
    %dma_wait3A_36 = tpu.memref_slice %arg4[%mul3A_2, %dma_wait3A_35] : memref<10240x32xf32, #tpu.memory_space<hbm>> -> memref<640x32xf32, #tpu.memory_space<hbm>>
    tpu.wait_dma2 semaphore(%arg19 : memref<!tpu.dma_semaphore, #tpu.memory_space<semaphore_mem>>) src(%dma_wait3A_36 : memref<640x32xf32, #tpu.memory_space<hbm>>) dst(%dma_wait3A_34 : memref<640x32xf32, #tpu.memory_space<vmem_shared>>)
    %dma_wait3A_37 = arith.constant 0 : i32
    %dma_wait3A_38 = tpu.memref_slice %arg18[%mul3A_11, %dma_wait3A_37] : memref<10240x32xf32, #tpu.memory_space<vmem_shared>> -> memref<625x32xf32, #tpu.memory_space<vmem_shared>>
    %dma_wait3A_39 = arith.constant 0 : i32
    %dma_wait3A_40 = tpu.memref_slice %arg2[%mul3A_9, %dma_wait3A_39] : memref<10000x32xf32, #tpu.memory_space<hbm>> -> memref<625x32xf32, #tpu.memory_space<hbm>>
    tpu.wait_dma2 semaphore(%arg20 : memref<!tpu.dma_semaphore, #tpu.memory_space<semaphore_mem>>) src(%dma_wait3A_40 : memref<625x32xf32, #tpu.memory_space<hbm>>) dst(%dma_wait3A_38 : memref<625x32xf32, #tpu.memory_space<vmem_shared>>)
    %dma_wait3A_41 = arith.constant 0 : i32
    %dma_wait3A_42 = arith.constant 0 : i32
    %dma_wait3A_43 = tpu.memref_slice %arg3[%dma_wait3A_41, %mul3A_17, %dma_wait3A_42] : memref<2x2500x128xi32, #tpu.memory_space<hbm>> -> memref<1x78x128xi32, #tpu.memory_space<hbm>>
    %dma_wait3A_44 = tpu.memref_squeeze %dma_wait3A_43 : memref<1x78x128xi32, #tpu.memory_space<hbm>> -> memref<78x128xi32, #tpu.memory_space<hbm>>
    %dma_wait3A_45 = arith.constant 0 : i32
    %dma_wait3A_46 = tpu.memref_slice %arg3[%dma_wait3A_41, %mul3A_17, %dma_wait3A_45] : memref<2x2500x128xi32, #tpu.memory_space<hbm>> -> memref<1x78x128xi32, #tpu.memory_space<hbm>>
    %dma_wait3A_47 = tpu.memref_squeeze %dma_wait3A_46 : memref<1x78x128xi32, #tpu.memory_space<hbm>> -> memref<78x128xi32, #tpu.memory_space<hbm>>
    tpu.wait_dma2 semaphore(%arg25 : memref<!tpu.dma_semaphore, #tpu.memory_space<semaphore_mem>>) src(%dma_wait3A_47 : memref<78x128xi32, #tpu.memory_space<hbm>>) dst(%arg6 : memref<78x128xi32, #tpu.memory_space<vmem>>)
    %dma_wait3A_48 = arith.constant 1 : i32
    %dma_wait3A_49 = arith.constant 0 : i32
    %dma_wait3A_50 = tpu.memref_slice %arg3[%dma_wait3A_48, %mul3A_26, %dma_wait3A_49] : memref<2x2500x128xi32, #tpu.memory_space<hbm>> -> memref<1x78x128xi32, #tpu.memory_space<hbm>>
    %dma_wait3A_51 = tpu.memref_squeeze %dma_wait3A_50 : memref<1x78x128xi32, #tpu.memory_space<hbm>> -> memref<78x128xi32, #tpu.memory_space<hbm>>
    %dma_wait3A_52 = arith.constant 0 : i32
    %dma_wait3A_53 = tpu.memref_slice %arg3[%dma_wait3A_48, %mul3A_26, %dma_wait3A_52] : memref<2x2500x128xi32, #tpu.memory_space<hbm>> -> memref<1x78x128xi32, #tpu.memory_space<hbm>>
    %dma_wait3A_54 = tpu.memref_squeeze %dma_wait3A_53 : memref<1x78x128xi32, #tpu.memory_space<hbm>> -> memref<78x128xi32, #tpu.memory_space<hbm>>
    tpu.wait_dma2 semaphore(%arg26 : memref<!tpu.dma_semaphore, #tpu.memory_space<semaphore_mem>>) src(%dma_wait3A_54 : memref<78x128xi32, #tpu.memory_space<hbm>>) dst(%arg7 : memref<78x128xi32, #tpu.memory_space<vmem>>)
    %barrier3A = arith.constant 0 : index
    tpu.barrier barrier_id(%barrier3A)
    %dma_start3A_55 = arith.constant 0 : i32
    %dma_start3A_56 = arith.constant 0 : i32
    %dma_start3A_57 = tpu.memref_slice %arg6[%dma_start3A_55, %dma_start3A_56] : memref<78x128xi32, #tpu.memory_space<vmem>> -> memref<1x128xi32, #tpu.memory_space<vmem>>
    %dma_start3A_58 = tpu.memref_squeeze %dma_start3A_57 : memref<1x128xi32, #tpu.memory_space<vmem>> -> memref<128xi32, #tpu.memory_space<vmem>>
    %dma_start3A_59 = arith.constant 0 : i32
    %dma_start3A_60 = arith.constant 0 : i32
    %dma_start3A_61 = tpu.memref_slice %arg18[%dma_start3A_59, %dma_start3A_60] : memref<10240x32xf32, #tpu.memory_space<vmem_shared>> -> memref<10240x32xf32, #tpu.memory_space<vmem_shared>>
    tpu.enqueue_indirect_dma source(%dma_start3A_61 : memref<10240x32xf32, #tpu.memory_space<vmem_shared>>) target(%arg10 : memref<128x32xf32, #tpu.memory_space<vmem>>) offsets(%dma_start3A_58 : memref<128xi32, #tpu.memory_space<vmem>>) semaphore(%arg19 : memref<!tpu.dma_semaphore, #tpu.memory_space<semaphore_mem>>)
    %dma_start3A_62 = arith.constant 1 : i32
    %dma_start3A_63 = arith.constant 0 : i32
    %dma_start3A_64 = tpu.memref_slice %arg6[%dma_start3A_62, %dma_start3A_63] : memref<78x128xi32, #tpu.memory_space<vmem>> -> memref<1x128xi32, #tpu.memory_space<vmem>>
    %dma_start3A_65 = tpu.memref_squeeze %dma_start3A_64 : memref<1x128xi32, #tpu.memory_space<vmem>> -> memref<128xi32, #tpu.memory_space<vmem>>
    %dma_start3A_66 = arith.constant 0 : i32
    %dma_start3A_67 = arith.constant 0 : i32
    %dma_start3A_68 = tpu.memref_slice %arg18[%dma_start3A_66, %dma_start3A_67] : memref<10240x32xf32, #tpu.memory_space<vmem_shared>> -> memref<10240x32xf32, #tpu.memory_space<vmem_shared>>
    tpu.enqueue_indirect_dma source(%dma_start3A_68 : memref<10240x32xf32, #tpu.memory_space<vmem_shared>>) target(%arg11 : memref<128x32xf32, #tpu.memory_space<vmem>>) offsets(%dma_start3A_65 : memref<128xi32, #tpu.memory_space<vmem>>) semaphore(%arg20 : memref<!tpu.dma_semaphore, #tpu.memory_space<semaphore_mem>>)
    %dma_start3A_69 = arith.constant 2 : i32
    %dma_start3A_70 = arith.constant 0 : i32
    %dma_start3A_71 = tpu.memref_slice %arg6[%dma_start3A_69, %dma_start3A_70] : memref<78x128xi32, #tpu.memory_space<vmem>> -> memref<1x128xi32, #tpu.memory_space<vmem>>
    %dma_start3A_72 = tpu.memref_squeeze %dma_start3A_71 : memref<1x128xi32, #tpu.memory_space<vmem>> -> memref<128xi32, #tpu.memory_space<vmem>>
    %dma_start3A_73 = arith.constant 0 : i32
    %dma_start3A_74 = arith.constant 0 : i32
    %dma_start3A_75 = tpu.memref_slice %arg18[%dma_start3A_73, %dma_start3A_74] : memref<10240x32xf32, #tpu.memory_space<vmem_shared>> -> memref<10240x32xf32, #tpu.memory_space<vmem_shared>>
    tpu.enqueue_indirect_dma source(%dma_start3A_75 : memref<10240x32xf32, #tpu.memory_space<vmem_shared>>) target(%arg12 : memref<128x32xf32, #tpu.memory_space<vmem>>) offsets(%dma_start3A_72 : memref<128xi32, #tpu.memory_space<vmem>>) semaphore(%arg21 : memref<!tpu.dma_semaphore, #tpu.memory_space<semaphore_mem>>)
    %dma_start3A_76 = arith.constant 3 : i32
    %dma_start3A_77 = arith.constant 0 : i32
    %dma_start3A_78 = tpu.memref_slice %arg6[%dma_start3A_76, %dma_start3A_77] : memref<78x128xi32, #tpu.memory_space<vmem>> -> memref<1x128xi32, #tpu.memory_space<vmem>>
    %dma_start3A_79 = tpu.memref_squeeze %dma_start3A_78 : memref<1x128xi32, #tpu.memory_space<vmem>> -> memref<128xi32, #tpu.memory_space<vmem>>
    %dma_start3A_80 = arith.constant 0 : i32
    %dma_start3A_81 = arith.constant 0 : i32
    %dma_start3A_82 = tpu.memref_slice %arg18[%dma_start3A_80, %dma_start3A_81] : memref<10240x32xf32, #tpu.memory_space<vmem_shared>> -> memref<10240x32xf32, #tpu.memory_space<vmem_shared>>
    tpu.enqueue_indirect_dma source(%dma_start3A_82 : memref<10240x32xf32, #tpu.memory_space<vmem_shared>>) target(%arg13 : memref<128x32xf32, #tpu.memory_space<vmem>>) offsets(%dma_start3A_79 : memref<128xi32, #tpu.memory_space<vmem>>) semaphore(%arg22 : memref<!tpu.dma_semaphore, #tpu.memory_space<semaphore_mem>>)
    %dma_wait3A_83 = arith.constant 0 : i32
    %dma_wait3A_84 = arith.constant 0 : i32
    %dma_wait3A_85 = tpu.memref_slice %arg6[%dma_wait3A_83, %dma_wait3A_84] : memref<78x128xi32, #tpu.memory_space<vmem>> -> memref<1x128xi32, #tpu.memory_space<vmem>>
    %dma_wait3A_86 = tpu.memref_squeeze %dma_wait3A_85 : memref<1x128xi32, #tpu.memory_space<vmem>> -> memref<128xi32, #tpu.memory_space<vmem>>
    %dma_wait3A_87 = arith.constant 0 : i32
    %dma_wait3A_88 = arith.constant 0 : i32
    %dma_wait3A_89 = tpu.memref_slice %arg18[%dma_wait3A_87, %dma_wait3A_88] : memref<10240x32xf32, #tpu.memory_space<vmem_shared>> -> memref<10240x32xf32, #tpu.memory_space<vmem_shared>>
    tpu.wait_indirect_dma semaphore(%arg19 : memref<!tpu.dma_semaphore, #tpu.memory_space<semaphore_mem>>) src(%dma_wait3A_89 : memref<10240x32xf32, #tpu.memory_space<vmem_shared>>) dst(%arg10 : memref<128x32xf32, #tpu.memory_space<vmem>>)
    %dma_start3A_90 = arith.constant 0 : i32
    %dma_start3A_91 = arith.constant 0 : i32
    %dma_start3A_92 = tpu.memref_slice %arg7[%dma_start3A_90, %dma_start3A_91] : memref<78x128xi32, #tpu.memory_space<vmem>> -> memref<1x128xi32, #tpu.memory_space<vmem>>
    %dma_start3A_93 = tpu.memref_squeeze %dma_start3A_92 : memref<1x128xi32, #tpu.memory_space<vmem>> -> memref<128xi32, #tpu.memory_space<vmem>>
    %dma_start3A_94 = arith.constant 0 : i32
    %dma_start3A_95 = arith.constant 0 : i32
    %dma_start3A_96 = tpu.memref_slice %arg17[%dma_start3A_94, %dma_start3A_95] : memref<10240x32xf32, #tpu.memory_space<vmem_shared>> -> memref<10240x32xf32, #tpu.memory_space<vmem_shared>>
    tpu.enqueue_indirect_dma source(%arg10 : memref<128x32xf32, #tpu.memory_space<vmem>>) target(%dma_start3A_96 : memref<10240x32xf32, #tpu.memory_space<vmem_shared>>) offsets(%dma_start3A_93 : memref<128xi32, #tpu.memory_space<vmem>>) semaphore(%arg25 : memref<!tpu.dma_semaphore, #tpu.memory_space<semaphore_mem>>) {add = true}
    %dma_start3A_97 = arith.constant 4 : i32
    %dma_start3A_98 = arith.constant 0 : i32
    %dma_start3A_99 = tpu.memref_slice %arg6[%dma_start3A_97, %dma_start3A_98] : memref<78x128xi32, #tpu.memory_space<vmem>> -> memref<1x128xi32, #tpu.memory_space<vmem>>
    %dma_start3A_100 = tpu.memref_squeeze %dma_start3A_99 : memref<1x128xi32, #tpu.memory_space<vmem>> -> memref<128xi32, #tpu.memory_space<vmem>>
    %dma_start3A_101 = arith.constant 0 : i32
    %dma_start3A_102 = arith.constant 0 : i32
    %dma_start3A_103 = tpu.memref_slice %arg18[%dma_start3A_101, %dma_start3A_102] : memref<10240x32xf32, #tpu.memory_space<vmem_shared>> -> memref<10240x32xf32, #tpu.memory_space<vmem_shared>>
    tpu.enqueue_indirect_dma source(%dma_start3A_103 : memref<10240x32xf32, #tpu.memory_space<vmem_shared>>) target(%arg14 : memref<128x32xf32, #tpu.memory_space<vmem>>) offsets(%dma_start3A_100 : memref<128xi32, #tpu.memory_space<vmem>>) semaphore(%arg23 : memref<!tpu.dma_semaphore, #tpu.memory_space<semaphore_mem>>)
    %dma_wait3A_104 = arith.constant 1 : i32
    %dma_wait3A_105 = arith.constant 0 : i32
    %dma_wait3A_106 = tpu.memref_slice %arg6[%dma_wait3A_104, %dma_wait3A_105] : memref<78x128xi32, #tpu.memory_space<vmem>> -> memref<1x128xi32, #tpu.memory_space<vmem>>
    %dma_wait3A_107 = tpu.memref_squeeze %dma_wait3A_106 : memref<1x128xi32, #tpu.memory_space<vmem>> -> memref<128xi32, #tpu.memory_space<vmem>>
    %dma_wait3A_108 = arith.constant 0 : i32
    %dma_wait3A_109 = arith.constant 0 : i32
    %dma_wait3A_110 = tpu.memref_slice %arg18[%dma_wait3A_108, %dma_wait3A_109] : memref<10240x32xf32, #tpu.memory_space<vmem_shared>> -> memref<10240x32xf32, #tpu.memory_space<vmem_shared>>
    tpu.wait_indirect_dma semaphore(%arg20 : memref<!tpu.dma_semaphore, #tpu.memory_space<semaphore_mem>>) src(%dma_wait3A_110 : memref<10240x32xf32, #tpu.memory_space<vmem_shared>>) dst(%arg11 : memref<128x32xf32, #tpu.memory_space<vmem>>)
    %dma_start3A_111 = arith.constant 1 : i32
    %dma_start3A_112 = arith.constant 0 : i32
    %dma_start3A_113 = tpu.memref_slice %arg7[%dma_start3A_111, %dma_start3A_112] : memref<78x128xi32, #tpu.memory_space<vmem>> -> memref<1x128xi32, #tpu.memory_space<vmem>>
    %dma_start3A_114 = tpu.memref_squeeze %dma_start3A_113 : memref<1x128xi32, #tpu.memory_space<vmem>> -> memref<128xi32, #tpu.memory_space<vmem>>
    %dma_start3A_115 = arith.constant 0 : i32
    %dma_start3A_116 = arith.constant 0 : i32
    %dma_start3A_117 = tpu.memref_slice %arg17[%dma_start3A_115, %dma_start3A_116] : memref<10240x32xf32, #tpu.memory_space<vmem_shared>> -> memref<10240x32xf32, #tpu.memory_space<vmem_shared>>
    tpu.enqueue_indirect_dma source(%arg11 : memref<128x32xf32, #tpu.memory_space<vmem>>) target(%dma_start3A_117 : memref<10240x32xf32, #tpu.memory_space<vmem_shared>>) offsets(%dma_start3A_114 : memref<128xi32, #tpu.memory_space<vmem>>) semaphore(%arg26 : memref<!tpu.dma_semaphore, #tpu.memory_space<semaphore_mem>>) {add = true}
    %dma_start3A_118 = arith.constant 5 : i32
    %dma_start3A_119 = arith.constant 0 : i32
    %dma_start3A_120 = tpu.memref_slice %arg6[%dma_start3A_118, %dma_start3A_119] : memref<78x128xi32, #tpu.memory_space<vmem>> -> memref<1x128xi32, #tpu.memory_space<vmem>>
    %dma_start3A_121 = tpu.memref_squeeze %dma_start3A_120 : memref<1x128xi32, #tpu.memory_space<vmem>> -> memref<128xi32, #tpu.memory_space<vmem>>
    %dma_start3A_122 = arith.constant 0 : i32
    %dma_start3A_123 = arith.constant 0 : i32
    %dma_start3A_124 = tpu.memref_slice %arg18[%dma_start3A_122, %dma_start3A_123] : memref<10240x32xf32, #tpu.memory_space<vmem_shared>> -> memref<10240x32xf32, #tpu.memory_space<vmem_shared>>
    tpu.enqueue_indirect_dma source(%dma_start3A_124 : memref<10240x32xf32, #tpu.memory_space<vmem_shared>>) target(%arg15 : memref<128x32xf32, #tpu.memory_space<vmem>>) offsets(%dma_start3A_121 : memref<128xi32, #tpu.memory_space<vmem>>) semaphore(%arg24 : memref<!tpu.dma_semaphore, #tpu.memory_space<semaphore_mem>>)
    %dma_wait3A_125 = arith.constant 2 : i32
    %dma_wait3A_126 = arith.constant 0 : i32
    %dma_wait3A_127 = tpu.memref_slice %arg6[%dma_wait3A_125, %dma_wait3A_126] : memref<78x128xi32, #tpu.memory_space<vmem>> -> memref<1x128xi32, #tpu.memory_space<vmem>>
    %dma_wait3A_128 = tpu.memref_squeeze %dma_wait3A_127 : memref<1x128xi32, #tpu.memory_space<vmem>> -> memref<128xi32, #tpu.memory_space<vmem>>
    %dma_wait3A_129 = arith.constant 0 : i32
    %dma_wait3A_130 = arith.constant 0 : i32
    %dma_wait3A_131 = tpu.memref_slice %arg18[%dma_wait3A_129, %dma_wait3A_130] : memref<10240x32xf32, #tpu.memory_space<vmem_shared>> -> memref<10240x32xf32, #tpu.memory_space<vmem_shared>>
    tpu.wait_indirect_dma semaphore(%arg21 : memref<!tpu.dma_semaphore, #tpu.memory_space<semaphore_mem>>) src(%dma_wait3A_131 : memref<10240x32xf32, #tpu.memory_space<vmem_shared>>) dst(%arg12 : memref<128x32xf32, #tpu.memory_space<vmem>>)
    %dma_start3A_132 = arith.constant 2 : i32
    %dma_start3A_133 = arith.constant 0 : i32
    %dma_start3A_134 = tpu.memref_slice %arg7[%dma_start3A_132, %dma_start3A_133] : memref<78x128xi32, #tpu.memory_space<vmem>> -> memref<1x128xi32, #tpu.memory_space<vmem>>
    %dma_start3A_135 = tpu.memref_squeeze %dma_start3A_134 : memref<1x128xi32, #tpu.memory_space<vmem>> -> memref<128xi32, #tpu.memory_space<vmem>>
    %dma_start3A_136 = arith.constant 0 : i32
    %dma_start3A_137 = arith.constant 0 : i32
    %dma_start3A_138 = tpu.memref_slice %arg17[%dma_start3A_136, %dma_start3A_137] : memref<10240x32xf32, #tpu.memory_space<vmem_shared>> -> memref<10240x32xf32, #tpu.memory_space<vmem_shared>>
    tpu.enqueue_indirect_dma source(%arg12 : memref<128x32xf32, #tpu.memory_space<vmem>>) target(%dma_start3A_138 : memref<10240x32xf32, #tpu.memory_space<vmem_shared>>) offsets(%dma_start3A_135 : memref<128xi32, #tpu.memory_space<vmem>>) semaphore(%arg27 : memref<!tpu.dma_semaphore, #tpu.memory_space<semaphore_mem>>) {add = true}
    %scan3A = arith.constant 0 : i32
    %scan3A_139 = arith.constant 1 : i32
    %scan3A_140 = arith.constant 12 : i32
    %scan3A_141 = arith.addi %scan3A_139, %scan3A_140 : i32
    %scan3A_142 = arith.constant 1 : i32
    scf.for %scan3A_235 = %scan3A_139 to %scan3A_141 step %scan3A_142  : i32 {
      %mul3A_236 = arith.constant 6 : i32
      %mul3A_237 = arith.muli %scan3A_235, %mul3A_236 : i32
      %add3A_238 = arith.constant 0 : i32
      %add3A_239 = arith.addi %mul3A_237, %add3A_238 : i32
      %dma_wait3A_240 = arith.constant 0 : i32
      %dma_wait3A_241 = arith.constant 0 : i32
      %dma_wait3A_242 = tpu.memref_slice %arg7[%dma_wait3A_240, %dma_wait3A_241] : memref<78x128xi32, #tpu.memory_space<vmem>> -> memref<1x128xi32, #tpu.memory_space<vmem>>
      %dma_wait3A_243 = tpu.memref_squeeze %dma_wait3A_242 : memref<1x128xi32, #tpu.memory_space<vmem>> -> memref<128xi32, #tpu.memory_space<vmem>>
      %dma_wait3A_244 = arith.constant 0 : i32
      %dma_wait3A_245 = arith.constant 0 : i32
      %dma_wait3A_246 = tpu.memref_slice %arg17[%dma_wait3A_244, %dma_wait3A_245] : memref<10240x32xf32, #tpu.memory_space<vmem_shared>> -> memref<10240x32xf32, #tpu.memory_space<vmem_shared>>
      tpu.wait_indirect_dma semaphore(%arg25 : memref<!tpu.dma_semaphore, #tpu.memory_space<semaphore_mem>>) src(%arg10 : memref<128x32xf32, #tpu.memory_space<vmem>>) dst(%dma_wait3A_246 : memref<10240x32xf32, #tpu.memory_space<vmem_shared>>)
      %dma_start3A_247 = arith.constant 0 : i32
      %dma_start3A_248 = tpu.memref_slice %arg6[%add3A_239, %dma_start3A_247] : memref<78x128xi32, #tpu.memory_space<vmem>> -> memref<1x128xi32, #tpu.memory_space<vmem>>
      %dma_start3A_249 = tpu.memref_squeeze %dma_start3A_248 : memref<1x128xi32, #tpu.memory_space<vmem>> -> memref<128xi32, #tpu.memory_space<vmem>>
      %dma_start3A_250 = arith.constant 0 : i32
      %dma_start3A_251 = arith.constant 0 : i32
      %dma_start3A_252 = tpu.memref_slice %arg18[%dma_start3A_250, %dma_start3A_251] : memref<10240x32xf32, #tpu.memory_space<vmem_shared>> -> memref<10240x32xf32, #tpu.memory_space<vmem_shared>>
      tpu.enqueue_indirect_dma source(%dma_start3A_252 : memref<10240x32xf32, #tpu.memory_space<vmem_shared>>) target(%arg10 : memref<128x32xf32, #tpu.memory_space<vmem>>) offsets(%dma_start3A_249 : memref<128xi32, #tpu.memory_space<vmem>>) semaphore(%arg19 : memref<!tpu.dma_semaphore, #tpu.memory_space<semaphore_mem>>)
      %sub3A = arith.constant 3 : i32
      %sub3A_253 = arith.subi %add3A_239, %sub3A : i32
      %dma_wait3A_254 = arith.constant 0 : i32
      %dma_wait3A_255 = tpu.memref_slice %arg6[%sub3A_253, %dma_wait3A_254] : memref<78x128xi32, #tpu.memory_space<vmem>> -> memref<1x128xi32, #tpu.memory_space<vmem>>
      %dma_wait3A_256 = tpu.memref_squeeze %dma_wait3A_255 : memref<1x128xi32, #tpu.memory_space<vmem>> -> memref<128xi32, #tpu.memory_space<vmem>>
      %dma_wait3A_257 = arith.constant 0 : i32
      %dma_wait3A_258 = arith.constant 0 : i32
      %dma_wait3A_259 = tpu.memref_slice %arg18[%dma_wait3A_257, %dma_wait3A_258] : memref<10240x32xf32, #tpu.memory_space<vmem_shared>> -> memref<10240x32xf32, #tpu.memory_space<vmem_shared>>
      tpu.wait_indirect_dma semaphore(%arg22 : memref<!tpu.dma_semaphore, #tpu.memory_space<semaphore_mem>>) src(%dma_wait3A_259 : memref<10240x32xf32, #tpu.memory_space<vmem_shared>>) dst(%arg13 : memref<128x32xf32, #tpu.memory_space<vmem>>)
      %sub3A_260 = arith.constant 3 : i32
      %sub3A_261 = arith.subi %add3A_239, %sub3A_260 : i32
      %dma_start3A_262 = arith.constant 0 : i32
      %dma_start3A_263 = tpu.memref_slice %arg7[%sub3A_261, %dma_start3A_262] : memref<78x128xi32, #tpu.memory_space<vmem>> -> memref<1x128xi32, #tpu.memory_space<vmem>>
      %dma_start3A_264 = tpu.memref_squeeze %dma_start3A_263 : memref<1x128xi32, #tpu.memory_space<vmem>> -> memref<128xi32, #tpu.memory_space<vmem>>
      %dma_start3A_265 = arith.constant 0 : i32
      %dma_start3A_266 = arith.constant 0 : i32
      %dma_start3A_267 = tpu.memref_slice %arg17[%dma_start3A_265, %dma_start3A_266] : memref<10240x32xf32, #tpu.memory_space<vmem_shared>> -> memref<10240x32xf32, #tpu.memory_space<vmem_shared>>
      tpu.enqueue_indirect_dma source(%arg13 : memref<128x32xf32, #tpu.memory_space<vmem>>) target(%dma_start3A_267 : memref<10240x32xf32, #tpu.memory_space<vmem_shared>>) offsets(%dma_start3A_264 : memref<128xi32, #tpu.memory_space<vmem>>) semaphore(%arg28 : memref<!tpu.dma_semaphore, #tpu.memory_space<semaphore_mem>>) {add = true}
      %mul3A_268 = arith.constant 6 : i32
      %mul3A_269 = arith.muli %scan3A_235, %mul3A_268 : i32
      %add3A_270 = arith.constant 1 : i32
      %add3A_271 = arith.addi %mul3A_269, %add3A_270 : i32
      %dma_wait3A_272 = arith.constant 0 : i32
      %dma_wait3A_273 = arith.constant 0 : i32
      %dma_wait3A_274 = tpu.memref_slice %arg7[%dma_wait3A_272, %dma_wait3A_273] : memref<78x128xi32, #tpu.memory_space<vmem>> -> memref<1x128xi32, #tpu.memory_space<vmem>>
      %dma_wait3A_275 = tpu.memref_squeeze %dma_wait3A_274 : memref<1x128xi32, #tpu.memory_space<vmem>> -> memref<128xi32, #tpu.memory_space<vmem>>
      %dma_wait3A_276 = arith.constant 0 : i32
      %dma_wait3A_277 = arith.constant 0 : i32
      %dma_wait3A_278 = tpu.memref_slice %arg17[%dma_wait3A_276, %dma_wait3A_277] : memref<10240x32xf32, #tpu.memory_space<vmem_shared>> -> memref<10240x32xf32, #tpu.memory_space<vmem_shared>>
      tpu.wait_indirect_dma semaphore(%arg26 : memref<!tpu.dma_semaphore, #tpu.memory_space<semaphore_mem>>) src(%arg11 : memref<128x32xf32, #tpu.memory_space<vmem>>) dst(%dma_wait3A_278 : memref<10240x32xf32, #tpu.memory_space<vmem_shared>>)
      %dma_start3A_279 = arith.constant 0 : i32
      %dma_start3A_280 = tpu.memref_slice %arg6[%add3A_271, %dma_start3A_279] : memref<78x128xi32, #tpu.memory_space<vmem>> -> memref<1x128xi32, #tpu.memory_space<vmem>>
      %dma_start3A_281 = tpu.memref_squeeze %dma_start3A_280 : memref<1x128xi32, #tpu.memory_space<vmem>> -> memref<128xi32, #tpu.memory_space<vmem>>
      %dma_start3A_282 = arith.constant 0 : i32
      %dma_start3A_283 = arith.constant 0 : i32
      %dma_start3A_284 = tpu.memref_slice %arg18[%dma_start3A_282, %dma_start3A_283] : memref<10240x32xf32, #tpu.memory_space<vmem_shared>> -> memref<10240x32xf32, #tpu.memory_space<vmem_shared>>
      tpu.enqueue_indirect_dma source(%dma_start3A_284 : memref<10240x32xf32, #tpu.memory_space<vmem_shared>>) target(%arg11 : memref<128x32xf32, #tpu.memory_space<vmem>>) offsets(%dma_start3A_281 : memref<128xi32, #tpu.memory_space<vmem>>) semaphore(%arg20 : memref<!tpu.dma_semaphore, #tpu.memory_space<semaphore_mem>>)
      %sub3A_285 = arith.constant 3 : i32
      %sub3A_286 = arith.subi %add3A_271, %sub3A_285 : i32
      %dma_wait3A_287 = arith.constant 0 : i32
      %dma_wait3A_288 = tpu.memref_slice %arg6[%sub3A_286, %dma_wait3A_287] : memref<78x128xi32, #tpu.memory_space<vmem>> -> memref<1x128xi32, #tpu.memory_space<vmem>>
      %dma_wait3A_289 = tpu.memref_squeeze %dma_wait3A_288 : memref<1x128xi32, #tpu.memory_space<vmem>> -> memref<128xi32, #tpu.memory_space<vmem>>
      %dma_wait3A_290 = arith.constant 0 : i32
      %dma_wait3A_291 = arith.constant 0 : i32
      %dma_wait3A_292 = tpu.memref_slice %arg18[%dma_wait3A_290, %dma_wait3A_291] : memref<10240x32xf32, #tpu.memory_space<vmem_shared>> -> memref<10240x32xf32, #tpu.memory_space<vmem_shared>>
      tpu.wait_indirect_dma semaphore(%arg23 : memref<!tpu.dma_semaphore, #tpu.memory_space<semaphore_mem>>) src(%dma_wait3A_292 : memref<10240x32xf32, #tpu.memory_space<vmem_shared>>) dst(%arg14 : memref<128x32xf32, #tpu.memory_space<vmem>>)
      %sub3A_293 = arith.constant 3 : i32
      %sub3A_294 = arith.subi %add3A_271, %sub3A_293 : i32
      %dma_start3A_295 = arith.constant 0 : i32
      %dma_start3A_296 = tpu.memref_slice %arg7[%sub3A_294, %dma_start3A_295] : memref<78x128xi32, #tpu.memory_space<vmem>> -> memref<1x128xi32, #tpu.memory_space<vmem>>
      %dma_start3A_297 = tpu.memref_squeeze %dma_start3A_296 : memref<1x128xi32, #tpu.memory_space<vmem>> -> memref<128xi32, #tpu.memory_space<vmem>>
      %dma_start3A_298 = arith.constant 0 : i32
      %dma_start3A_299 = arith.constant 0 : i32
      %dma_start3A_300 = tpu.memref_slice %arg17[%dma_start3A_298, %dma_start3A_299] : memref<10240x32xf32, #tpu.memory_space<vmem_shared>> -> memref<10240x32xf32, #tpu.memory_space<vmem_shared>>
      tpu.enqueue_indirect_dma source(%arg14 : memref<128x32xf32, #tpu.memory_space<vmem>>) target(%dma_start3A_300 : memref<10240x32xf32, #tpu.memory_space<vmem_shared>>) offsets(%dma_start3A_297 : memref<128xi32, #tpu.memory_space<vmem>>) semaphore(%arg29 : memref<!tpu.dma_semaphore, #tpu.memory_space<semaphore_mem>>) {add = true}
      %mul3A_301 = arith.constant 6 : i32
      %mul3A_302 = arith.muli %scan3A_235, %mul3A_301 : i32
      %add3A_303 = arith.constant 2 : i32
      %add3A_304 = arith.addi %mul3A_302, %add3A_303 : i32
      %dma_wait3A_305 = arith.constant 0 : i32
      %dma_wait3A_306 = arith.constant 0 : i32
      %dma_wait3A_307 = tpu.memref_slice %arg7[%dma_wait3A_305, %dma_wait3A_306] : memref<78x128xi32, #tpu.memory_space<vmem>> -> memref<1x128xi32, #tpu.memory_space<vmem>>
      %dma_wait3A_308 = tpu.memref_squeeze %dma_wait3A_307 : memref<1x128xi32, #tpu.memory_space<vmem>> -> memref<128xi32, #tpu.memory_space<vmem>>
      %dma_wait3A_309 = arith.constant 0 : i32
      %dma_wait3A_310 = arith.constant 0 : i32
      %dma_wait3A_311 = tpu.memref_slice %arg17[%dma_wait3A_309, %dma_wait3A_310] : memref<10240x32xf32, #tpu.memory_space<vmem_shared>> -> memref<10240x32xf32, #tpu.memory_space<vmem_shared>>
      tpu.wait_indirect_dma semaphore(%arg27 : memref<!tpu.dma_semaphore, #tpu.memory_space<semaphore_mem>>) src(%arg12 : memref<128x32xf32, #tpu.memory_space<vmem>>) dst(%dma_wait3A_311 : memref<10240x32xf32, #tpu.memory_space<vmem_shared>>)
      %dma_start3A_312 = arith.constant 0 : i32
      %dma_start3A_313 = tpu.memref_slice %arg6[%add3A_304, %dma_start3A_312] : memref<78x128xi32, #tpu.memory_space<vmem>> -> memref<1x128xi32, #tpu.memory_space<vmem>>
      %dma_start3A_314 = tpu.memref_squeeze %dma_start3A_313 : memref<1x128xi32, #tpu.memory_space<vmem>> -> memref<128xi32, #tpu.memory_space<vmem>>
      %dma_start3A_315 = arith.constant 0 : i32
      %dma_start3A_316 = arith.constant 0 : i32
      %dma_start3A_317 = tpu.memref_slice %arg18[%dma_start3A_315, %dma_start3A_316] : memref<10240x32xf32, #tpu.memory_space<vmem_shared>> -> memref<10240x32xf32, #tpu.memory_space<vmem_shared>>
      tpu.enqueue_indirect_dma source(%dma_start3A_317 : memref<10240x32xf32, #tpu.memory_space<vmem_shared>>) target(%arg12 : memref<128x32xf32, #tpu.memory_space<vmem>>) offsets(%dma_start3A_314 : memref<128xi32, #tpu.memory_space<vmem>>) semaphore(%arg21 : memref<!tpu.dma_semaphore, #tpu.memory_space<semaphore_mem>>)
      %sub3A_318 = arith.constant 3 : i32
      %sub3A_319 = arith.subi %add3A_304, %sub3A_318 : i32
      %dma_wait3A_320 = arith.constant 0 : i32
      %dma_wait3A_321 = tpu.memref_slice %arg6[%sub3A_319, %dma_wait3A_320] : memref<78x128xi32, #tpu.memory_space<vmem>> -> memref<1x128xi32, #tpu.memory_space<vmem>>
      %dma_wait3A_322 = tpu.memref_squeeze %dma_wait3A_321 : memref<1x128xi32, #tpu.memory_space<vmem>> -> memref<128xi32, #tpu.memory_space<vmem>>
      %dma_wait3A_323 = arith.constant 0 : i32
      %dma_wait3A_324 = arith.constant 0 : i32
      %dma_wait3A_325 = tpu.memref_slice %arg18[%dma_wait3A_323, %dma_wait3A_324] : memref<10240x32xf32, #tpu.memory_space<vmem_shared>> -> memref<10240x32xf32, #tpu.memory_space<vmem_shared>>
      tpu.wait_indirect_dma semaphore(%arg24 : memref<!tpu.dma_semaphore, #tpu.memory_space<semaphore_mem>>) src(%dma_wait3A_325 : memref<10240x32xf32, #tpu.memory_space<vmem_shared>>) dst(%arg15 : memref<128x32xf32, #tpu.memory_space<vmem>>)
      %sub3A_326 = arith.constant 3 : i32
      %sub3A_327 = arith.subi %add3A_304, %sub3A_326 : i32
      %dma_start3A_328 = arith.constant 0 : i32
      %dma_start3A_329 = tpu.memref_slice %arg7[%sub3A_327, %dma_start3A_328] : memref<78x128xi32, #tpu.memory_space<vmem>> -> memref<1x128xi32, #tpu.memory_space<vmem>>
      %dma_start3A_330 = tpu.memref_squeeze %dma_start3A_329 : memref<1x128xi32, #tpu.memory_space<vmem>> -> memref<128xi32, #tpu.memory_space<vmem>>
      %dma_start3A_331 = arith.constant 0 : i32
      %dma_start3A_332 = arith.constant 0 : i32
      %dma_start3A_333 = tpu.memref_slice %arg17[%dma_start3A_331, %dma_start3A_332] : memref<10240x32xf32, #tpu.memory_space<vmem_shared>> -> memref<10240x32xf32, #tpu.memory_space<vmem_shared>>
      tpu.enqueue_indirect_dma source(%arg15 : memref<128x32xf32, #tpu.memory_space<vmem>>) target(%dma_start3A_333 : memref<10240x32xf32, #tpu.memory_space<vmem_shared>>) offsets(%dma_start3A_330 : memref<128xi32, #tpu.memory_space<vmem>>) semaphore(%arg30 : memref<!tpu.dma_semaphore, #tpu.memory_space<semaphore_mem>>) {add = true}
      %mul3A_334 = arith.constant 6 : i32
      %mul3A_335 = arith.muli %scan3A_235, %mul3A_334 : i32
      %add3A_336 = arith.constant 3 : i32
      %add3A_337 = arith.addi %mul3A_335, %add3A_336 : i32
      %dma_wait3A_338 = arith.constant 0 : i32
      %dma_wait3A_339 = arith.constant 0 : i32
      %dma_wait3A_340 = tpu.memref_slice %arg7[%dma_wait3A_338, %dma_wait3A_339] : memref<78x128xi32, #tpu.memory_space<vmem>> -> memref<1x128xi32, #tpu.memory_space<vmem>>
      %dma_wait3A_341 = tpu.memref_squeeze %dma_wait3A_340 : memref<1x128xi32, #tpu.memory_space<vmem>> -> memref<128xi32, #tpu.memory_space<vmem>>
      %dma_wait3A_342 = arith.constant 0 : i32
      %dma_wait3A_343 = arith.constant 0 : i32
      %dma_wait3A_344 = tpu.memref_slice %arg17[%dma_wait3A_342, %dma_wait3A_343] : memref<10240x32xf32, #tpu.memory_space<vmem_shared>> -> memref<10240x32xf32, #tpu.memory_space<vmem_shared>>
      tpu.wait_indirect_dma semaphore(%arg28 : memref<!tpu.dma_semaphore, #tpu.memory_space<semaphore_mem>>) src(%arg13 : memref<128x32xf32, #tpu.memory_space<vmem>>) dst(%dma_wait3A_344 : memref<10240x32xf32, #tpu.memory_space<vmem_shared>>)
      %dma_start3A_345 = arith.constant 0 : i32
      %dma_start3A_346 = tpu.memref_slice %arg6[%add3A_337, %dma_start3A_345] : memref<78x128xi32, #tpu.memory_space<vmem>> -> memref<1x128xi32, #tpu.memory_space<vmem>>
      %dma_start3A_347 = tpu.memref_squeeze %dma_start3A_346 : memref<1x128xi32, #tpu.memory_space<vmem>> -> memref<128xi32, #tpu.memory_space<vmem>>
      %dma_start3A_348 = arith.constant 0 : i32
      %dma_start3A_349 = arith.constant 0 : i32
      %dma_start3A_350 = tpu.memref_slice %arg18[%dma_start3A_348, %dma_start3A_349] : memref<10240x32xf32, #tpu.memory_space<vmem_shared>> -> memref<10240x32xf32, #tpu.memory_space<vmem_shared>>
      tpu.enqueue_indirect_dma source(%dma_start3A_350 : memref<10240x32xf32, #tpu.memory_space<vmem_shared>>) target(%arg13 : memref<128x32xf32, #tpu.memory_space<vmem>>) offsets(%dma_start3A_347 : memref<128xi32, #tpu.memory_space<vmem>>) semaphore(%arg22 : memref<!tpu.dma_semaphore, #tpu.memory_space<semaphore_mem>>)
      %sub3A_351 = arith.constant 3 : i32
      %sub3A_352 = arith.subi %add3A_337, %sub3A_351 : i32
      %dma_wait3A_353 = arith.constant 0 : i32
      %dma_wait3A_354 = tpu.memref_slice %arg6[%sub3A_352, %dma_wait3A_353] : memref<78x128xi32, #tpu.memory_space<vmem>> -> memref<1x128xi32, #tpu.memory_space<vmem>>
      %dma_wait3A_355 = tpu.memref_squeeze %dma_wait3A_354 : memref<1x128xi32, #tpu.memory_space<vmem>> -> memref<128xi32, #tpu.memory_space<vmem>>
      %dma_wait3A_356 = arith.constant 0 : i32
      %dma_wait3A_357 = arith.constant 0 : i32
      %dma_wait3A_358 = tpu.memref_slice %arg18[%dma_wait3A_356, %dma_wait3A_357] : memref<10240x32xf32, #tpu.memory_space<vmem_shared>> -> memref<10240x32xf32, #tpu.memory_space<vmem_shared>>
      tpu.wait_indirect_dma semaphore(%arg19 : memref<!tpu.dma_semaphore, #tpu.memory_space<semaphore_mem>>) src(%dma_wait3A_358 : memref<10240x32xf32, #tpu.memory_space<vmem_shared>>) dst(%arg10 : memref<128x32xf32, #tpu.memory_space<vmem>>)
      %sub3A_359 = arith.constant 3 : i32
      %sub3A_360 = arith.subi %add3A_337, %sub3A_359 : i32
      %dma_start3A_361 = arith.constant 0 : i32
      %dma_start3A_362 = tpu.memref_slice %arg7[%sub3A_360, %dma_start3A_361] : memref<78x128xi32, #tpu.memory_space<vmem>> -> memref<1x128xi32, #tpu.memory_space<vmem>>
      %dma_start3A_363 = tpu.memref_squeeze %dma_start3A_362 : memref<1x128xi32, #tpu.memory_space<vmem>> -> memref<128xi32, #tpu.memory_space<vmem>>
      %dma_start3A_364 = arith.constant 0 : i32
      %dma_start3A_365 = arith.constant 0 : i32
      %dma_start3A_366 = tpu.memref_slice %arg17[%dma_start3A_364, %dma_start3A_365] : memref<10240x32xf32, #tpu.memory_space<vmem_shared>> -> memref<10240x32xf32, #tpu.memory_space<vmem_shared>>
      tpu.enqueue_indirect_dma source(%arg10 : memref<128x32xf32, #tpu.memory_space<vmem>>) target(%dma_start3A_366 : memref<10240x32xf32, #tpu.memory_space<vmem_shared>>) offsets(%dma_start3A_363 : memref<128xi32, #tpu.memory_space<vmem>>) semaphore(%arg25 : memref<!tpu.dma_semaphore, #tpu.memory_space<semaphore_mem>>) {add = true}
      %mul3A_367 = arith.constant 6 : i32
      %mul3A_368 = arith.muli %scan3A_235, %mul3A_367 : i32
      %add3A_369 = arith.constant 4 : i32
      %add3A_370 = arith.addi %mul3A_368, %add3A_369 : i32
      %dma_wait3A_371 = arith.constant 0 : i32
      %dma_wait3A_372 = arith.constant 0 : i32
      %dma_wait3A_373 = tpu.memref_slice %arg7[%dma_wait3A_371, %dma_wait3A_372] : memref<78x128xi32, #tpu.memory_space<vmem>> -> memref<1x128xi32, #tpu.memory_space<vmem>>
      %dma_wait3A_374 = tpu.memref_squeeze %dma_wait3A_373 : memref<1x128xi32, #tpu.memory_space<vmem>> -> memref<128xi32, #tpu.memory_space<vmem>>
      %dma_wait3A_375 = arith.constant 0 : i32
      %dma_wait3A_376 = arith.constant 0 : i32
      %dma_wait3A_377 = tpu.memref_slice %arg17[%dma_wait3A_375, %dma_wait3A_376] : memref<10240x32xf32, #tpu.memory_space<vmem_shared>> -> memref<10240x32xf32, #tpu.memory_space<vmem_shared>>
      tpu.wait_indirect_dma semaphore(%arg29 : memref<!tpu.dma_semaphore, #tpu.memory_space<semaphore_mem>>) src(%arg14 : memref<128x32xf32, #tpu.memory_space<vmem>>) dst(%dma_wait3A_377 : memref<10240x32xf32, #tpu.memory_space<vmem_shared>>)
      %dma_start3A_378 = arith.constant 0 : i32
      %dma_start3A_379 = tpu.memref_slice %arg6[%add3A_370, %dma_start3A_378] : memref<78x128xi32, #tpu.memory_space<vmem>> -> memref<1x128xi32, #tpu.memory_space<vmem>>
      %dma_start3A_380 = tpu.memref_squeeze %dma_start3A_379 : memref<1x128xi32, #tpu.memory_space<vmem>> -> memref<128xi32, #tpu.memory_space<vmem>>
      %dma_start3A_381 = arith.constant 0 : i32
      %dma_start3A_382 = arith.constant 0 : i32
      %dma_start3A_383 = tpu.memref_slice %arg18[%dma_start3A_381, %dma_start3A_382] : memref<10240x32xf32, #tpu.memory_space<vmem_shared>> -> memref<10240x32xf32, #tpu.memory_space<vmem_shared>>
      tpu.enqueue_indirect_dma source(%dma_start3A_383 : memref<10240x32xf32, #tpu.memory_space<vmem_shared>>) target(%arg14 : memref<128x32xf32, #tpu.memory_space<vmem>>) offsets(%dma_start3A_380 : memref<128xi32, #tpu.memory_space<vmem>>) semaphore(%arg23 : memref<!tpu.dma_semaphore, #tpu.memory_space<semaphore_mem>>)
      %sub3A_384 = arith.constant 3 : i32
      %sub3A_385 = arith.subi %add3A_370, %sub3A_384 : i32
      %dma_wait3A_386 = arith.constant 0 : i32
      %dma_wait3A_387 = tpu.memref_slice %arg6[%sub3A_385, %dma_wait3A_386] : memref<78x128xi32, #tpu.memory_space<vmem>> -> memref<1x128xi32, #tpu.memory_space<vmem>>
      %dma_wait3A_388 = tpu.memref_squeeze %dma_wait3A_387 : memref<1x128xi32, #tpu.memory_space<vmem>> -> memref<128xi32, #tpu.memory_space<vmem>>
      %dma_wait3A_389 = arith.constant 0 : i32
      %dma_wait3A_390 = arith.constant 0 : i32
      %dma_wait3A_391 = tpu.memref_slice %arg18[%dma_wait3A_389, %dma_wait3A_390] : memref<10240x32xf32, #tpu.memory_space<vmem_shared>> -> memref<10240x32xf32, #tpu.memory_space<vmem_shared>>
      tpu.wait_indirect_dma semaphore(%arg20 : memref<!tpu.dma_semaphore, #tpu.memory_space<semaphore_mem>>) src(%dma_wait3A_391 : memref<10240x32xf32, #tpu.memory_space<vmem_shared>>) dst(%arg11 : memref<128x32xf32, #tpu.memory_space<vmem>>)
      %sub3A_392 = arith.constant 3 : i32
      %sub3A_393 = arith.subi %add3A_370, %sub3A_392 : i32
      %dma_start3A_394 = arith.constant 0 : i32
      %dma_start3A_395 = tpu.memref_slice %arg7[%sub3A_393, %dma_start3A_394] : memref<78x128xi32, #tpu.memory_space<vmem>> -> memref<1x128xi32, #tpu.memory_space<vmem>>
      %dma_start3A_396 = tpu.memref_squeeze %dma_start3A_395 : memref<1x128xi32, #tpu.memory_space<vmem>> -> memref<128xi32, #tpu.memory_space<vmem>>
      %dma_start3A_397 = arith.constant 0 : i32
      %dma_start3A_398 = arith.constant 0 : i32
      %dma_start3A_399 = tpu.memref_slice %arg17[%dma_start3A_397, %dma_start3A_398] : memref<10240x32xf32, #tpu.memory_space<vmem_shared>> -> memref<10240x32xf32, #tpu.memory_space<vmem_shared>>
      tpu.enqueue_indirect_dma source(%arg11 : memref<128x32xf32, #tpu.memory_space<vmem>>) target(%dma_start3A_399 : memref<10240x32xf32, #tpu.memory_space<vmem_shared>>) offsets(%dma_start3A_396 : memref<128xi32, #tpu.memory_space<vmem>>) semaphore(%arg26 : memref<!tpu.dma_semaphore, #tpu.memory_space<semaphore_mem>>) {add = true}
      %mul3A_400 = arith.constant 6 : i32
      %mul3A_401 = arith.muli %scan3A_235, %mul3A_400 : i32
      %add3A_402 = arith.constant 5 : i32
      %add3A_403 = arith.addi %mul3A_401, %add3A_402 : i32
      %dma_wait3A_404 = arith.constant 0 : i32
      %dma_wait3A_405 = arith.constant 0 : i32
      %dma_wait3A_406 = tpu.memref_slice %arg7[%dma_wait3A_404, %dma_wait3A_405] : memref<78x128xi32, #tpu.memory_space<vmem>> -> memref<1x128xi32, #tpu.memory_space<vmem>>
      %dma_wait3A_407 = tpu.memref_squeeze %dma_wait3A_406 : memref<1x128xi32, #tpu.memory_space<vmem>> -> memref<128xi32, #tpu.memory_space<vmem>>
      %dma_wait3A_408 = arith.constant 0 : i32
      %dma_wait3A_409 = arith.constant 0 : i32
      %dma_wait3A_410 = tpu.memref_slice %arg17[%dma_wait3A_408, %dma_wait3A_409] : memref<10240x32xf32, #tpu.memory_space<vmem_shared>> -> memref<10240x32xf32, #tpu.memory_space<vmem_shared>>
      tpu.wait_indirect_dma semaphore(%arg30 : memref<!tpu.dma_semaphore, #tpu.memory_space<semaphore_mem>>) src(%arg15 : memref<128x32xf32, #tpu.memory_space<vmem>>) dst(%dma_wait3A_410 : memref<10240x32xf32, #tpu.memory_space<vmem_shared>>)
      %dma_start3A_411 = arith.constant 0 : i32
      %dma_start3A_412 = tpu.memref_slice %arg6[%add3A_403, %dma_start3A_411] : memref<78x128xi32, #tpu.memory_space<vmem>> -> memref<1x128xi32, #tpu.memory_space<vmem>>
      %dma_start3A_413 = tpu.memref_squeeze %dma_start3A_412 : memref<1x128xi32, #tpu.memory_space<vmem>> -> memref<128xi32, #tpu.memory_space<vmem>>
      %dma_start3A_414 = arith.constant 0 : i32
      %dma_start3A_415 = arith.constant 0 : i32
      %dma_start3A_416 = tpu.memref_slice %arg18[%dma_start3A_414, %dma_start3A_415] : memref<10240x32xf32, #tpu.memory_space<vmem_shared>> -> memref<10240x32xf32, #tpu.memory_space<vmem_shared>>
      tpu.enqueue_indirect_dma source(%dma_start3A_416 : memref<10240x32xf32, #tpu.memory_space<vmem_shared>>) target(%arg15 : memref<128x32xf32, #tpu.memory_space<vmem>>) offsets(%dma_start3A_413 : memref<128xi32, #tpu.memory_space<vmem>>) semaphore(%arg24 : memref<!tpu.dma_semaphore, #tpu.memory_space<semaphore_mem>>)
      %sub3A_417 = arith.constant 3 : i32
      %sub3A_418 = arith.subi %add3A_403, %sub3A_417 : i32
      %dma_wait3A_419 = arith.constant 0 : i32
      %dma_wait3A_420 = tpu.memref_slice %arg6[%sub3A_418, %dma_wait3A_419] : memref<78x128xi32, #tpu.memory_space<vmem>> -> memref<1x128xi32, #tpu.memory_space<vmem>>
      %dma_wait3A_421 = tpu.memref_squeeze %dma_wait3A_420 : memref<1x128xi32, #tpu.memory_space<vmem>> -> memref<128xi32, #tpu.memory_space<vmem>>
      %dma_wait3A_422 = arith.constant 0 : i32
      %dma_wait3A_423 = arith.constant 0 : i32
      %dma_wait3A_424 = tpu.memref_slice %arg18[%dma_wait3A_422, %dma_wait3A_423] : memref<10240x32xf32, #tpu.memory_space<vmem_shared>> -> memref<10240x32xf32, #tpu.memory_space<vmem_shared>>
      tpu.wait_indirect_dma semaphore(%arg21 : memref<!tpu.dma_semaphore, #tpu.memory_space<semaphore_mem>>) src(%dma_wait3A_424 : memref<10240x32xf32, #tpu.memory_space<vmem_shared>>) dst(%arg12 : memref<128x32xf32, #tpu.memory_space<vmem>>)
      %sub3A_425 = arith.constant 3 : i32
      %sub3A_426 = arith.subi %add3A_403, %sub3A_425 : i32
      %dma_start3A_427 = arith.constant 0 : i32
      %dma_start3A_428 = tpu.memref_slice %arg7[%sub3A_426, %dma_start3A_427] : memref<78x128xi32, #tpu.memory_space<vmem>> -> memref<1x128xi32, #tpu.memory_space<vmem>>
      %dma_start3A_429 = tpu.memref_squeeze %dma_start3A_428 : memref<1x128xi32, #tpu.memory_space<vmem>> -> memref<128xi32, #tpu.memory_space<vmem>>
      %dma_start3A_430 = arith.constant 0 : i32
      %dma_start3A_431 = arith.constant 0 : i32
      %dma_start3A_432 = tpu.memref_slice %arg17[%dma_start3A_430, %dma_start3A_431] : memref<10240x32xf32, #tpu.memory_space<vmem_shared>> -> memref<10240x32xf32, #tpu.memory_space<vmem_shared>>
      tpu.enqueue_indirect_dma source(%arg12 : memref<128x32xf32, #tpu.memory_space<vmem>>) target(%dma_start3A_432 : memref<10240x32xf32, #tpu.memory_space<vmem_shared>>) offsets(%dma_start3A_429 : memref<128xi32, #tpu.memory_space<vmem>>) semaphore(%arg27 : memref<!tpu.dma_semaphore, #tpu.memory_space<semaphore_mem>>) {add = true}
    }
    %scan3A_143 = arith.constant 12 : i32
    %dma_wait3A_144 = arith.constant 75 : i32
    %dma_wait3A_145 = arith.constant 0 : i32
    %dma_wait3A_146 = tpu.memref_slice %arg6[%dma_wait3A_144, %dma_wait3A_145] : memref<78x128xi32, #tpu.memory_space<vmem>> -> memref<1x128xi32, #tpu.memory_space<vmem>>
    %dma_wait3A_147 = tpu.memref_squeeze %dma_wait3A_146 : memref<1x128xi32, #tpu.memory_space<vmem>> -> memref<128xi32, #tpu.memory_space<vmem>>
    %dma_wait3A_148 = arith.constant 0 : i32
    %dma_wait3A_149 = arith.constant 0 : i32
    %dma_wait3A_150 = tpu.memref_slice %arg18[%dma_wait3A_148, %dma_wait3A_149] : memref<10240x32xf32, #tpu.memory_space<vmem_shared>> -> memref<10240x32xf32, #tpu.memory_space<vmem_shared>>
    tpu.wait_indirect_dma semaphore(%arg22 : memref<!tpu.dma_semaphore, #tpu.memory_space<semaphore_mem>>) src(%dma_wait3A_150 : memref<10240x32xf32, #tpu.memory_space<vmem_shared>>) dst(%arg13 : memref<128x32xf32, #tpu.memory_space<vmem>>)
    %dma_start3A_151 = arith.constant 75 : i32
    %dma_start3A_152 = arith.constant 0 : i32
    %dma_start3A_153 = tpu.memref_slice %arg7[%dma_start3A_151, %dma_start3A_152] : memref<78x128xi32, #tpu.memory_space<vmem>> -> memref<1x128xi32, #tpu.memory_space<vmem>>
    %dma_start3A_154 = tpu.memref_squeeze %dma_start3A_153 : memref<1x128xi32, #tpu.memory_space<vmem>> -> memref<128xi32, #tpu.memory_space<vmem>>
    %dma_start3A_155 = arith.constant 0 : i32
    %dma_start3A_156 = arith.constant 0 : i32
    %dma_start3A_157 = tpu.memref_slice %arg17[%dma_start3A_155, %dma_start3A_156] : memref<10240x32xf32, #tpu.memory_space<vmem_shared>> -> memref<10240x32xf32, #tpu.memory_space<vmem_shared>>
    tpu.enqueue_indirect_dma source(%arg13 : memref<128x32xf32, #tpu.memory_space<vmem>>) target(%dma_start3A_157 : memref<10240x32xf32, #tpu.memory_space<vmem_shared>>) offsets(%dma_start3A_154 : memref<128xi32, #tpu.memory_space<vmem>>) semaphore(%arg28 : memref<!tpu.dma_semaphore, #tpu.memory_space<semaphore_mem>>) {add = true}
    %dma_wait3A_158 = arith.constant 76 : i32
    %dma_wait3A_159 = arith.constant 0 : i32
    %dma_wait3A_160 = tpu.memref_slice %arg6[%dma_wait3A_158, %dma_wait3A_159] : memref<78x128xi32, #tpu.memory_space<vmem>> -> memref<1x128xi32, #tpu.memory_space<vmem>>
    %dma_wait3A_161 = tpu.memref_squeeze %dma_wait3A_160 : memref<1x128xi32, #tpu.memory_space<vmem>> -> memref<128xi32, #tpu.memory_space<vmem>>
    %dma_wait3A_162 = arith.constant 0 : i32
    %dma_wait3A_163 = arith.constant 0 : i32
    %dma_wait3A_164 = tpu.memref_slice %arg18[%dma_wait3A_162, %dma_wait3A_163] : memref<10240x32xf32, #tpu.memory_space<vmem_shared>> -> memref<10240x32xf32, #tpu.memory_space<vmem_shared>>
    tpu.wait_indirect_dma semaphore(%arg23 : memref<!tpu.dma_semaphore, #tpu.memory_space<semaphore_mem>>) src(%dma_wait3A_164 : memref<10240x32xf32, #tpu.memory_space<vmem_shared>>) dst(%arg14 : memref<128x32xf32, #tpu.memory_space<vmem>>)
    %dma_start3A_165 = arith.constant 76 : i32
    %dma_start3A_166 = arith.constant 0 : i32
    %dma_start3A_167 = tpu.memref_slice %arg7[%dma_start3A_165, %dma_start3A_166] : memref<78x128xi32, #tpu.memory_space<vmem>> -> memref<1x128xi32, #tpu.memory_space<vmem>>
    %dma_start3A_168 = tpu.memref_squeeze %dma_start3A_167 : memref<1x128xi32, #tpu.memory_space<vmem>> -> memref<128xi32, #tpu.memory_space<vmem>>
    %dma_start3A_169 = arith.constant 0 : i32
    %dma_start3A_170 = arith.constant 0 : i32
    %dma_start3A_171 = tpu.memref_slice %arg17[%dma_start3A_169, %dma_start3A_170] : memref<10240x32xf32, #tpu.memory_space<vmem_shared>> -> memref<10240x32xf32, #tpu.memory_space<vmem_shared>>
    tpu.enqueue_indirect_dma source(%arg14 : memref<128x32xf32, #tpu.memory_space<vmem>>) target(%dma_start3A_171 : memref<10240x32xf32, #tpu.memory_space<vmem_shared>>) offsets(%dma_start3A_168 : memref<128xi32, #tpu.memory_space<vmem>>) semaphore(%arg29 : memref<!tpu.dma_semaphore, #tpu.memory_space<semaphore_mem>>) {add = true}
    %dma_wait3A_172 = arith.constant 77 : i32
    %dma_wait3A_173 = arith.constant 0 : i32
    %dma_wait3A_174 = tpu.memref_slice %arg6[%dma_wait3A_172, %dma_wait3A_173] : memref<78x128xi32, #tpu.memory_space<vmem>> -> memref<1x128xi32, #tpu.memory_space<vmem>>
    %dma_wait3A_175 = tpu.memref_squeeze %dma_wait3A_174 : memref<1x128xi32, #tpu.memory_space<vmem>> -> memref<128xi32, #tpu.memory_space<vmem>>
    %dma_wait3A_176 = arith.constant 0 : i32
    %dma_wait3A_177 = arith.constant 0 : i32
    %dma_wait3A_178 = tpu.memref_slice %arg18[%dma_wait3A_176, %dma_wait3A_177] : memref<10240x32xf32, #tpu.memory_space<vmem_shared>> -> memref<10240x32xf32, #tpu.memory_space<vmem_shared>>
    tpu.wait_indirect_dma semaphore(%arg24 : memref<!tpu.dma_semaphore, #tpu.memory_space<semaphore_mem>>) src(%dma_wait3A_178 : memref<10240x32xf32, #tpu.memory_space<vmem_shared>>) dst(%arg15 : memref<128x32xf32, #tpu.memory_space<vmem>>)
    %dma_start3A_179 = arith.constant 77 : i32
    %dma_start3A_180 = arith.constant 0 : i32
    %dma_start3A_181 = tpu.memref_slice %arg7[%dma_start3A_179, %dma_start3A_180] : memref<78x128xi32, #tpu.memory_space<vmem>> -> memref<1x128xi32, #tpu.memory_space<vmem>>
    %dma_start3A_182 = tpu.memref_squeeze %dma_start3A_181 : memref<1x128xi32, #tpu.memory_space<vmem>> -> memref<128xi32, #tpu.memory_space<vmem>>
    %dma_start3A_183 = arith.constant 0 : i32
    %dma_start3A_184 = arith.constant 0 : i32
    %dma_start3A_185 = tpu.memref_slice %arg17[%dma_start3A_183, %dma_start3A_184] : memref<10240x32xf32, #tpu.memory_space<vmem_shared>> -> memref<10240x32xf32, #tpu.memory_space<vmem_shared>>
    tpu.enqueue_indirect_dma source(%arg15 : memref<128x32xf32, #tpu.memory_space<vmem>>) target(%dma_start3A_185 : memref<10240x32xf32, #tpu.memory_space<vmem_shared>>) offsets(%dma_start3A_182 : memref<128xi32, #tpu.memory_space<vmem>>) semaphore(%arg30 : memref<!tpu.dma_semaphore, #tpu.memory_space<semaphore_mem>>) {add = true}
    %dma_wait3A_186 = arith.constant 0 : i32
    %dma_wait3A_187 = arith.constant 0 : i32
    %dma_wait3A_188 = tpu.memref_slice %arg7[%dma_wait3A_186, %dma_wait3A_187] : memref<78x128xi32, #tpu.memory_space<vmem>> -> memref<1x128xi32, #tpu.memory_space<vmem>>
    %dma_wait3A_189 = tpu.memref_squeeze %dma_wait3A_188 : memref<1x128xi32, #tpu.memory_space<vmem>> -> memref<128xi32, #tpu.memory_space<vmem>>
    %dma_wait3A_190 = arith.constant 0 : i32
    %dma_wait3A_191 = arith.constant 0 : i32
    %dma_wait3A_192 = tpu.memref_slice %arg17[%dma_wait3A_190, %dma_wait3A_191] : memref<10240x32xf32, #tpu.memory_space<vmem_shared>> -> memref<10240x32xf32, #tpu.memory_space<vmem_shared>>
    tpu.wait_indirect_dma semaphore(%arg25 : memref<!tpu.dma_semaphore, #tpu.memory_space<semaphore_mem>>) src(%arg10 : memref<128x32xf32, #tpu.memory_space<vmem>>) dst(%dma_wait3A_192 : memref<10240x32xf32, #tpu.memory_space<vmem_shared>>)
    %dma_wait3A_193 = arith.constant 0 : i32
    %dma_wait3A_194 = arith.constant 0 : i32
    %dma_wait3A_195 = tpu.memref_slice %arg7[%dma_wait3A_193, %dma_wait3A_194] : memref<78x128xi32, #tpu.memory_space<vmem>> -> memref<1x128xi32, #tpu.memory_space<vmem>>
    %dma_wait3A_196 = tpu.memref_squeeze %dma_wait3A_195 : memref<1x128xi32, #tpu.memory_space<vmem>> -> memref<128xi32, #tpu.memory_space<vmem>>
    %dma_wait3A_197 = arith.constant 0 : i32
    %dma_wait3A_198 = arith.constant 0 : i32
    %dma_wait3A_199 = tpu.memref_slice %arg17[%dma_wait3A_197, %dma_wait3A_198] : memref<10240x32xf32, #tpu.memory_space<vmem_shared>> -> memref<10240x32xf32, #tpu.memory_space<vmem_shared>>
    tpu.wait_indirect_dma semaphore(%arg26 : memref<!tpu.dma_semaphore, #tpu.memory_space<semaphore_mem>>) src(%arg11 : memref<128x32xf32, #tpu.memory_space<vmem>>) dst(%dma_wait3A_199 : memref<10240x32xf32, #tpu.memory_space<vmem_shared>>)
    %dma_wait3A_200 = arith.constant 0 : i32
    %dma_wait3A_201 = arith.constant 0 : i32
    %dma_wait3A_202 = tpu.memref_slice %arg7[%dma_wait3A_200, %dma_wait3A_201] : memref<78x128xi32, #tpu.memory_space<vmem>> -> memref<1x128xi32, #tpu.memory_space<vmem>>
    %dma_wait3A_203 = tpu.memref_squeeze %dma_wait3A_202 : memref<1x128xi32, #tpu.memory_space<vmem>> -> memref<128xi32, #tpu.memory_space<vmem>>
    %dma_wait3A_204 = arith.constant 0 : i32
    %dma_wait3A_205 = arith.constant 0 : i32
    %dma_wait3A_206 = tpu.memref_slice %arg17[%dma_wait3A_204, %dma_wait3A_205] : memref<10240x32xf32, #tpu.memory_space<vmem_shared>> -> memref<10240x32xf32, #tpu.memory_space<vmem_shared>>
    tpu.wait_indirect_dma semaphore(%arg27 : memref<!tpu.dma_semaphore, #tpu.memory_space<semaphore_mem>>) src(%arg12 : memref<128x32xf32, #tpu.memory_space<vmem>>) dst(%dma_wait3A_206 : memref<10240x32xf32, #tpu.memory_space<vmem_shared>>)
    %dma_wait3A_207 = arith.constant 0 : i32
    %dma_wait3A_208 = arith.constant 0 : i32
    %dma_wait3A_209 = tpu.memref_slice %arg7[%dma_wait3A_207, %dma_wait3A_208] : memref<78x128xi32, #tpu.memory_space<vmem>> -> memref<1x128xi32, #tpu.memory_space<vmem>>
    %dma_wait3A_210 = tpu.memref_squeeze %dma_wait3A_209 : memref<1x128xi32, #tpu.memory_space<vmem>> -> memref<128xi32, #tpu.memory_space<vmem>>
    %dma_wait3A_211 = arith.constant 0 : i32
    %dma_wait3A_212 = arith.constant 0 : i32
    %dma_wait3A_213 = tpu.memref_slice %arg17[%dma_wait3A_211, %dma_wait3A_212] : memref<10240x32xf32, #tpu.memory_space<vmem_shared>> -> memref<10240x32xf32, #tpu.memory_space<vmem_shared>>
    tpu.wait_indirect_dma semaphore(%arg28 : memref<!tpu.dma_semaphore, #tpu.memory_space<semaphore_mem>>) src(%arg13 : memref<128x32xf32, #tpu.memory_space<vmem>>) dst(%dma_wait3A_213 : memref<10240x32xf32, #tpu.memory_space<vmem_shared>>)
    %dma_wait3A_214 = arith.constant 0 : i32
    %dma_wait3A_215 = arith.constant 0 : i32
    %dma_wait3A_216 = tpu.memref_slice %arg7[%dma_wait3A_214, %dma_wait3A_215] : memref<78x128xi32, #tpu.memory_space<vmem>> -> memref<1x128xi32, #tpu.memory_space<vmem>>
    %dma_wait3A_217 = tpu.memref_squeeze %dma_wait3A_216 : memref<1x128xi32, #tpu.memory_space<vmem>> -> memref<128xi32, #tpu.memory_space<vmem>>
    %dma_wait3A_218 = arith.constant 0 : i32
    %dma_wait3A_219 = arith.constant 0 : i32
    %dma_wait3A_220 = tpu.memref_slice %arg17[%dma_wait3A_218, %dma_wait3A_219] : memref<10240x32xf32, #tpu.memory_space<vmem_shared>> -> memref<10240x32xf32, #tpu.memory_space<vmem_shared>>
    tpu.wait_indirect_dma semaphore(%arg29 : memref<!tpu.dma_semaphore, #tpu.memory_space<semaphore_mem>>) src(%arg14 : memref<128x32xf32, #tpu.memory_space<vmem>>) dst(%dma_wait3A_220 : memref<10240x32xf32, #tpu.memory_space<vmem_shared>>)
    %dma_wait3A_221 = arith.constant 0 : i32
    %dma_wait3A_222 = arith.constant 0 : i32
    %dma_wait3A_223 = tpu.memref_slice %arg7[%dma_wait3A_221, %dma_wait3A_222] : memref<78x128xi32, #tpu.memory_space<vmem>> -> memref<1x128xi32, #tpu.memory_space<vmem>>
    %dma_wait3A_224 = tpu.memref_squeeze %dma_wait3A_223 : memref<1x128xi32, #tpu.memory_space<vmem>> -> memref<128xi32, #tpu.memory_space<vmem>>
    %dma_wait3A_225 = arith.constant 0 : i32
    %dma_wait3A_226 = arith.constant 0 : i32
    %dma_wait3A_227 = tpu.memref_slice %arg17[%dma_wait3A_225, %dma_wait3A_226] : memref<10240x32xf32, #tpu.memory_space<vmem_shared>> -> memref<10240x32xf32, #tpu.memory_space<vmem_shared>>
    tpu.wait_indirect_dma semaphore(%arg30 : memref<!tpu.dma_semaphore, #tpu.memory_space<semaphore_mem>>) src(%arg15 : memref<128x32xf32, #tpu.memory_space<vmem>>) dst(%dma_wait3A_227 : memref<10240x32xf32, #tpu.memory_space<vmem_shared>>)
    %lt3A = arith.constant 4 : i32
    %lt3A_228 = arith.cmpi slt, %add3A, %lt3A : i32
    %convert_element_type3A = arith.extui %lt3A_228 : i1 to i32
    %cond3A = arith.constant 0 : i32
    %cond3A_229 = arith.cmpi ne, %convert_element_type3A, %cond3A : i32
    scf.if %cond3A_229 {
      %add3A_235 = arith.constant 2496 : i32
      %add3A_236 = arith.addi %add3A_235, %add3A : i32
      %run_scoped3A = arith.constant 0 : i32
      "tpu.region"() ({
        %run_scoped3A_255 = tpu.sem_alloc : memref<!tpu.dma_semaphore, #tpu.memory_space<semaphore_mem>>
        %dma_start3A_256 = arith.constant 0 : i32
        %dma_start3A_257 = tpu.memref_slice %arg3[%run_scoped3A, %add3A_236, %dma_start3A_256] : memref<2x2500x128xi32, #tpu.memory_space<hbm>> -> memref<1x1x128xi32, #tpu.memory_space<hbm>>
        %dma_start3A_258 = tpu.memref_squeeze %dma_start3A_257 : memref<1x1x128xi32, #tpu.memory_space<hbm>> -> memref<1x128xi32, #tpu.memory_space<hbm>>
        %dma_start3A_259 = arith.constant 0 : i32
        %dma_start3A_260 = tpu.memref_slice %arg3[%run_scoped3A, %add3A_236, %dma_start3A_259] : memref<2x2500x128xi32, #tpu.memory_space<hbm>> -> memref<1x1x128xi32, #tpu.memory_space<hbm>>
        %dma_start3A_261 = tpu.memref_squeeze %dma_start3A_260 : memref<1x1x128xi32, #tpu.memory_space<hbm>> -> memref<1x128xi32, #tpu.memory_space<hbm>>
        tpu.enqueue_dma source(%dma_start3A_261 : memref<1x128xi32, #tpu.memory_space<hbm>>) target(%arg8 : memref<1x128xi32, #tpu.memory_space<vmem>>) target_semaphore(%run_scoped3A_255 : memref<!tpu.dma_semaphore, #tpu.memory_space<semaphore_mem>>)
        %dma_wait3A_262 = arith.constant 0 : i32
        %dma_wait3A_263 = tpu.memref_slice %arg3[%run_scoped3A, %add3A_236, %dma_wait3A_262] : memref<2x2500x128xi32, #tpu.memory_space<hbm>> -> memref<1x1x128xi32, #tpu.memory_space<hbm>>
        %dma_wait3A_264 = tpu.memref_squeeze %dma_wait3A_263 : memref<1x1x128xi32, #tpu.memory_space<hbm>> -> memref<1x128xi32, #tpu.memory_space<hbm>>
        %dma_wait3A_265 = arith.constant 0 : i32
        %dma_wait3A_266 = tpu.memref_slice %arg3[%run_scoped3A, %add3A_236, %dma_wait3A_265] : memref<2x2500x128xi32, #tpu.memory_space<hbm>> -> memref<1x1x128xi32, #tpu.memory_space<hbm>>
        %dma_wait3A_267 = tpu.memref_squeeze %dma_wait3A_266 : memref<1x1x128xi32, #tpu.memory_space<hbm>> -> memref<1x128xi32, #tpu.memory_space<hbm>>
        tpu.wait_dma2 semaphore(%run_scoped3A_255 : memref<!tpu.dma_semaphore, #tpu.memory_space<semaphore_mem>>) src(%dma_wait3A_267 : memref<1x128xi32, #tpu.memory_space<hbm>>) dst(%arg8 : memref<1x128xi32, #tpu.memory_space<vmem>>)
        tpu.yield
      }) : () -> ()
      %add3A_237 = arith.constant 2496 : i32
      %add3A_238 = arith.addi %add3A_237, %add3A : i32
      %run_scoped3A_239 = arith.constant 1 : i32
      "tpu.region"() ({
        %run_scoped3A_255 = tpu.sem_alloc : memref<!tpu.dma_semaphore, #tpu.memory_space<semaphore_mem>>
        %dma_start3A_256 = arith.constant 0 : i32
        %dma_start3A_257 = tpu.memref_slice %arg3[%run_scoped3A_239, %add3A_238, %dma_start3A_256] : memref<2x2500x128xi32, #tpu.memory_space<hbm>> -> memref<1x1x128xi32, #tpu.memory_space<hbm>>
        %dma_start3A_258 = tpu.memref_squeeze %dma_start3A_257 : memref<1x1x128xi32, #tpu.memory_space<hbm>> -> memref<1x128xi32, #tpu.memory_space<hbm>>
        %dma_start3A_259 = arith.constant 0 : i32
        %dma_start3A_260 = tpu.memref_slice %arg3[%run_scoped3A_239, %add3A_238, %dma_start3A_259] : memref<2x2500x128xi32, #tpu.memory_space<hbm>> -> memref<1x1x128xi32, #tpu.memory_space<hbm>>
        %dma_start3A_261 = tpu.memref_squeeze %dma_start3A_260 : memref<1x1x128xi32, #tpu.memory_space<hbm>> -> memref<1x128xi32, #tpu.memory_space<hbm>>
        tpu.enqueue_dma source(%dma_start3A_261 : memref<1x128xi32, #tpu.memory_space<hbm>>) target(%arg9 : memref<1x128xi32, #tpu.memory_space<vmem>>) target_semaphore(%run_scoped3A_255 : memref<!tpu.dma_semaphore, #tpu.memory_space<semaphore_mem>>)
        %dma_wait3A_262 = arith.constant 0 : i32
        %dma_wait3A_263 = tpu.memref_slice %arg3[%run_scoped3A_239, %add3A_238, %dma_wait3A_262] : memref<2x2500x128xi32, #tpu.memory_space<hbm>> -> memref<1x1x128xi32, #tpu.memory_space<hbm>>
        %dma_wait3A_264 = tpu.memref_squeeze %dma_wait3A_263 : memref<1x1x128xi32, #tpu.memory_space<hbm>> -> memref<1x128xi32, #tpu.memory_space<hbm>>
        %dma_wait3A_265 = arith.constant 0 : i32
        %dma_wait3A_266 = tpu.memref_slice %arg3[%run_scoped3A_239, %add3A_238, %dma_wait3A_265] : memref<2x2500x128xi32, #tpu.memory_space<hbm>> -> memref<1x1x128xi32, #tpu.memory_space<hbm>>
        %dma_wait3A_267 = tpu.memref_squeeze %dma_wait3A_266 : memref<1x1x128xi32, #tpu.memory_space<hbm>> -> memref<1x128xi32, #tpu.memory_space<hbm>>
        tpu.wait_dma2 semaphore(%run_scoped3A_255 : memref<!tpu.dma_semaphore, #tpu.memory_space<semaphore_mem>>) src(%dma_wait3A_267 : memref<1x128xi32, #tpu.memory_space<hbm>>) dst(%arg9 : memref<1x128xi32, #tpu.memory_space<vmem>>)
        tpu.yield
      }) : () -> ()
      %dma_start3A_240 = arith.constant 0 : i32
      %dma_start3A_241 = arith.constant 0 : i32
      %dma_start3A_242 = tpu.memref_slice %arg8[%dma_start3A_240, %dma_start3A_241] : memref<1x128xi32, #tpu.memory_space<vmem>> -> memref<1x128xi32, #tpu.memory_space<vmem>>
      %dma_start3A_243 = tpu.memref_squeeze %dma_start3A_242 : memref<1x128xi32, #tpu.memory_space<vmem>> -> memref<128xi32, #tpu.memory_space<vmem>>
      %dma_start3A_244 = arith.constant 0 : i32
      %dma_start3A_245 = arith.constant 0 : i32
      %dma_start3A_246 = tpu.memref_slice %arg18[%dma_start3A_244, %dma_start3A_245] : memref<10240x32xf32, #tpu.memory_space<vmem_shared>> -> memref<10240x32xf32, #tpu.memory_space<vmem_shared>>
      tpu.enqueue_indirect_dma source(%dma_start3A_246 : memref<10240x32xf32, #tpu.memory_space<vmem_shared>>) target(%arg16 : memref<128x32xf32, #tpu.memory_space<vmem>>) offsets(%dma_start3A_243 : memref<128xi32, #tpu.memory_space<vmem>>) semaphore(%arg31 : memref<!tpu.dma_semaphore, #tpu.memory_space<semaphore_mem>>)
      %dma_wait3A_247 = arith.constant 0 : i32
      %dma_wait3A_248 = arith.constant 0 : i32
      %dma_wait3A_249 = tpu.memref_slice %arg8[%dma_wait3A_247, %dma_wait3A_248] : memref<1x128xi32, #tpu.memory_space<vmem>> -> memref<1x128xi32, #tpu.memory_space<vmem>>
      %dma_wait3A_250 = tpu.memref_squeeze %dma_wait3A_249 : memref<1x128xi32, #tpu.memory_space<vmem>> -> memref<128xi32, #tpu.memory_space<vmem>>
      %dma_wait3A_251 = arith.constant 0 : i32
      %dma_wait3A_252 = arith.constant 0 : i32
      %dma_wait3A_253 = tpu.memref_slice %arg18[%dma_wait3A_251, %dma_wait3A_252] : memref<10240x32xf32, #tpu.memory_space<vmem_shared>> -> memref<10240x32xf32, #tpu.memory_space<vmem_shared>>
      tpu.wait_indirect_dma semaphore(%arg31 : memref<!tpu.dma_semaphore, #tpu.memory_space<semaphore_mem>>) src(%dma_wait3A_253 : memref<10240x32xf32, #tpu.memory_space<vmem_shared>>) dst(%arg16 : memref<128x32xf32, #tpu.memory_space<vmem>>)
      %run_scoped3A_254 = arith.constant 0 : i32
      "tpu.region"() ({
        %run_scoped3A_255 = tpu.sem_alloc : memref<!tpu.dma_semaphore, #tpu.memory_space<semaphore_mem>>
        %dma_start3A_256 = arith.constant 0 : i32
        %dma_start3A_257 = tpu.memref_slice %arg9[%run_scoped3A_254, %dma_start3A_256] : memref<1x128xi32, #tpu.memory_space<vmem>> -> memref<1x128xi32, #tpu.memory_space<vmem>>
        %dma_start3A_258 = tpu.memref_squeeze %dma_start3A_257 : memref<1x128xi32, #tpu.memory_space<vmem>> -> memref<128xi32, #tpu.memory_space<vmem>>
        %dma_start3A_259 = arith.constant 0 : i32
        %dma_start3A_260 = arith.constant 0 : i32
        %dma_start3A_261 = tpu.memref_slice %arg17[%dma_start3A_259, %dma_start3A_260] : memref<10240x32xf32, #tpu.memory_space<vmem_shared>> -> memref<10240x32xf32, #tpu.memory_space<vmem_shared>>
        tpu.enqueue_indirect_dma source(%arg16 : memref<128x32xf32, #tpu.memory_space<vmem>>) target(%dma_start3A_261 : memref<10240x32xf32, #tpu.memory_space<vmem_shared>>) offsets(%dma_start3A_258 : memref<128xi32, #tpu.memory_space<vmem>>) semaphore(%run_scoped3A_255 : memref<!tpu.dma_semaphore, #tpu.memory_space<semaphore_mem>>) {add = true}
        %dma_wait3A_262 = arith.constant 0 : i32
        %dma_wait3A_263 = tpu.memref_slice %arg9[%run_scoped3A_254, %dma_wait3A_262] : memref<1x128xi32, #tpu.memory_space<vmem>> -> memref<1x128xi32, #tpu.memory_space<vmem>>
        %dma_wait3A_264 = tpu.memref_squeeze %dma_wait3A_263 : memref<1x128xi32, #tpu.memory_space<vmem>> -> memref<128xi32, #tpu.memory_space<vmem>>
        %dma_wait3A_265 = arith.constant 0 : i32
        %dma_wait3A_266 = arith.constant 0 : i32
        %dma_wait3A_267 = tpu.memref_slice %arg17[%dma_wait3A_265, %dma_wait3A_266] : memref<10240x32xf32, #tpu.memory_space<vmem_shared>> -> memref<10240x32xf32, #tpu.memory_space<vmem_shared>>
        tpu.wait_indirect_dma semaphore(%run_scoped3A_255 : memref<!tpu.dma_semaphore, #tpu.memory_space<semaphore_mem>>) src(%arg16 : memref<128x32xf32, #tpu.memory_space<vmem>>) dst(%dma_wait3A_267 : memref<10240x32xf32, #tpu.memory_space<vmem_shared>>)
        tpu.yield
      }) : () -> ()
    } else {
    }
    %barrier3A_230 = arith.constant 0 : index
    tpu.barrier barrier_id(%barrier3A_230)
    %mul3A_231 = arith.constant 640 : i32
    %mul3A_232 = arith.muli %arg1, %mul3A_231 : i32
    %mul3A_233 = arith.constant 640 : i32
    %mul3A_234 = arith.muli %arg1, %mul3A_233 : i32
    "tpu.region"() ({
      %run_scoped3A = tpu.sem_alloc : memref<!tpu.dma_semaphore, #tpu.memory_space<semaphore_mem>>
      %dma_start3A_235 = arith.constant 0 : i32
      %dma_start3A_236 = tpu.memref_slice %arg5[%arg0, %mul3A_234, %dma_start3A_235] : memref<2x10240x32xf32, #tpu.memory_space<hbm>> -> memref<1x640x32xf32, #tpu.memory_space<hbm>>
      %dma_start3A_237 = tpu.memref_squeeze %dma_start3A_236 : memref<1x640x32xf32, #tpu.memory_space<hbm>> -> memref<640x32xf32, #tpu.memory_space<hbm>>
      %dma_start3A_238 = arith.constant 0 : i32
      %dma_start3A_239 = tpu.memref_slice %arg17[%mul3A_232, %dma_start3A_238] : memref<10240x32xf32, #tpu.memory_space<vmem_shared>> -> memref<640x32xf32, #tpu.memory_space<vmem_shared>>
      tpu.enqueue_dma source(%dma_start3A_239 : memref<640x32xf32, #tpu.memory_space<vmem_shared>>) target(%dma_start3A_237 : memref<640x32xf32, #tpu.memory_space<hbm>>) target_semaphore(%run_scoped3A : memref<!tpu.dma_semaphore, #tpu.memory_space<semaphore_mem>>)
      %dma_wait3A_240 = arith.constant 0 : i32
      %dma_wait3A_241 = tpu.memref_slice %arg5[%arg0, %mul3A_234, %dma_wait3A_240] : memref<2x10240x32xf32, #tpu.memory_space<hbm>> -> memref<1x640x32xf32, #tpu.memory_space<hbm>>
      %dma_wait3A_242 = tpu.memref_squeeze %dma_wait3A_241 : memref<1x640x32xf32, #tpu.memory_space<hbm>> -> memref<640x32xf32, #tpu.memory_space<hbm>>
      %dma_wait3A_243 = arith.constant 0 : i32
      %dma_wait3A_244 = tpu.memref_slice %arg17[%mul3A_232, %dma_wait3A_243] : memref<10240x32xf32, #tpu.memory_space<vmem_shared>> -> memref<640x32xf32, #tpu.memory_space<vmem_shared>>
      tpu.wait_dma2 semaphore(%run_scoped3A : memref<!tpu.dma_semaphore, #tpu.memory_space<semaphore_mem>>) src(%dma_wait3A_244 : memref<640x32xf32, #tpu.memory_space<vmem_shared>>) dst(%dma_wait3A_242 : memref<640x32xf32, #tpu.memory_space<hbm>>)
      tpu.yield
    }) : () -> ()
    return
  }
}

#map = affine_map<(d0, d1) -> (0, 0)>
#map1 = affine_map<(d0, d1) -> (0, 0, 0)>
module attributes {stable_mosaic.version = 14 : i64} {
  func.func @kfn(%arg0: i32, %arg1: i32, %arg2: memref<10000x16xf32, #tpu.memory_space<hbm>>, %arg3: memref<2x2500x128xi32, #tpu.memory_space<hbm>>, %arg4: memref<10240x16xf32, #tpu.memory_space<hbm>>, %arg5: memref<2x10240x16xf32, #tpu.memory_space<hbm>>, %arg6: memref<78x128xi32, #tpu.memory_space<vmem>>, %arg7: memref<78x128xi32, #tpu.memory_space<vmem>>, %arg8: memref<1x128xi32, #tpu.memory_space<vmem>>, %arg9: memref<1x128xi32, #tpu.memory_space<vmem>>, %arg10: memref<128x16xf32, #tpu.memory_space<vmem>>, %arg11: memref<128x16xf32, #tpu.memory_space<vmem>>, %arg12: memref<128x16xf32, #tpu.memory_space<vmem>>, %arg13: memref<128x16xf32, #tpu.memory_space<vmem>>, %arg14: memref<128x16xf32, #tpu.memory_space<vmem>>, %arg15: memref<128x16xf32, #tpu.memory_space<vmem>>, %arg16: memref<128x16xf32, #tpu.memory_space<vmem>>, %arg17: memref<10240x16xf32, #tpu.memory_space<vmem_shared>>, %arg18: memref<10240x16xf32, #tpu.memory_space<vmem_shared>>, %arg19: memref<!tpu.dma_semaphore, #tpu.memory_space<semaphore_mem>>, %arg20: memref<!tpu.dma_semaphore, #tpu.memory_space<semaphore_mem>>, %arg21: memref<!tpu.dma_semaphore, #tpu.memory_space<semaphore_mem>>, %arg22: memref<!tpu.dma_semaphore, #tpu.memory_space<semaphore_mem>>, %arg23: memref<!tpu.dma_semaphore, #tpu.memory_space<semaphore_mem>>, %arg24: memref<!tpu.dma_semaphore, #tpu.memory_space<semaphore_mem>>, %arg25: memref<!tpu.dma_semaphore, #tpu.memory_space<semaphore_mem>>, %arg26: memref<!tpu.dma_semaphore, #tpu.memory_space<semaphore_mem>>, %arg27: memref<!tpu.dma_semaphore, #tpu.memory_space<semaphore_mem>>, %arg28: memref<!tpu.dma_semaphore, #tpu.memory_space<semaphore_mem>>, %arg29: memref<!tpu.dma_semaphore, #tpu.memory_space<semaphore_mem>>, %arg30: memref<!tpu.dma_semaphore, #tpu.memory_space<semaphore_mem>>, %arg31: memref<!tpu.dma_semaphore, #tpu.memory_space<semaphore_mem>>) attributes {dimension_semantics = [#tpu.dimension_semantics<core_parallel>, #tpu.dimension_semantics<subcore_parallel>], iteration_bounds = array<i64: 2, 16>, scalar_prefetch = 0 : i64, scratch_operands = 26 : i64, tpu.core_type = #tpu.core_type<sc_vector_subcore>, window_params = [{transform_indices = #map}, {transform_indices = #map1}, {transform_indices = #map}, {transform_indices = #map1}]} {
    %mul3A = arith.constant 16 : i32
    %mul3A_0 = arith.muli %arg0, %mul3A : i32
    %add3A = arith.addi %mul3A_0, %arg1 : i32
    %mul3A_1 = arith.constant 640 : i32
    %mul3A_2 = arith.muli %arg1, %mul3A_1 : i32
    %mul3A_3 = arith.constant 640 : i32
    %mul3A_4 = arith.muli %arg1, %mul3A_3 : i32
    %dma_start3A = arith.constant 0 : i32
    %dma_start3A_5 = tpu.memref_slice %arg17[%mul3A_4, %dma_start3A] : memref<10240x16xf32, #tpu.memory_space<vmem_shared>> -> memref<640x16xf32, #tpu.memory_space<vmem_shared>>
    %dma_start3A_6 = arith.constant 0 : i32
    %dma_start3A_7 = tpu.memref_slice %arg4[%mul3A_2, %dma_start3A_6] : memref<10240x16xf32, #tpu.memory_space<hbm>> -> memref<640x16xf32, #tpu.memory_space<hbm>>
    tpu.enqueue_dma source(%dma_start3A_7 : memref<640x16xf32, #tpu.memory_space<hbm>>) target(%dma_start3A_5 : memref<640x16xf32, #tpu.memory_space<vmem_shared>>) target_semaphore(%arg19 : memref<!tpu.dma_semaphore, #tpu.memory_space<semaphore_mem>>)
    %mul3A_8 = arith.constant 625 : i32
    %mul3A_9 = arith.muli %arg1, %mul3A_8 : i32
    %mul3A_10 = arith.constant 625 : i32
    %mul3A_11 = arith.muli %arg1, %mul3A_10 : i32
    %dma_start3A_12 = arith.constant 0 : i32
    %dma_start3A_13 = tpu.memref_slice %arg18[%mul3A_11, %dma_start3A_12] : memref<10240x16xf32, #tpu.memory_space<vmem_shared>> -> memref<625x16xf32, #tpu.memory_space<vmem_shared>>
    %dma_start3A_14 = arith.constant 0 : i32
    %dma_start3A_15 = tpu.memref_slice %arg2[%mul3A_9, %dma_start3A_14] : memref<10000x16xf32, #tpu.memory_space<hbm>> -> memref<625x16xf32, #tpu.memory_space<hbm>>
    tpu.enqueue_dma source(%dma_start3A_15 : memref<625x16xf32, #tpu.memory_space<hbm>>) target(%dma_start3A_13 : memref<625x16xf32, #tpu.memory_space<vmem_shared>>) target_semaphore(%arg20 : memref<!tpu.dma_semaphore, #tpu.memory_space<semaphore_mem>>)
    %mul3A_16 = arith.constant 78 : i32
    %mul3A_17 = arith.muli %add3A, %mul3A_16 : i32
    %dma_start3A_18 = arith.constant 0 : i32
    %dma_start3A_19 = arith.constant 0 : i32
    %dma_start3A_20 = tpu.memref_slice %arg3[%dma_start3A_18, %mul3A_17, %dma_start3A_19] : memref<2x2500x128xi32, #tpu.memory_space<hbm>> -> memref<1x78x128xi32, #tpu.memory_space<hbm>>
    %dma_start3A_21 = tpu.memref_squeeze %dma_start3A_20 : memref<1x78x128xi32, #tpu.memory_space<hbm>> -> memref<78x128xi32, #tpu.memory_space<hbm>>
    %dma_start3A_22 = arith.constant 0 : i32
    %dma_start3A_23 = tpu.memref_slice %arg3[%dma_start3A_18, %mul3A_17, %dma_start3A_22] : memref<2x2500x128xi32, #tpu.memory_space<hbm>> -> memref<1x78x128xi32, #tpu.memory_space<hbm>>
    %dma_start3A_24 = tpu.memref_squeeze %dma_start3A_23 : memref<1x78x128xi32, #tpu.memory_space<hbm>> -> memref<78x128xi32, #tpu.memory_space<hbm>>
    tpu.enqueue_dma source(%dma_start3A_24 : memref<78x128xi32, #tpu.memory_space<hbm>>) target(%arg6 : memref<78x128xi32, #tpu.memory_space<vmem>>) target_semaphore(%arg25 : memref<!tpu.dma_semaphore, #tpu.memory_space<semaphore_mem>>)
    %mul3A_25 = arith.constant 78 : i32
    %mul3A_26 = arith.muli %add3A, %mul3A_25 : i32
    %dma_start3A_27 = arith.constant 1 : i32
    %dma_start3A_28 = arith.constant 0 : i32
    %dma_start3A_29 = tpu.memref_slice %arg3[%dma_start3A_27, %mul3A_26, %dma_start3A_28] : memref<2x2500x128xi32, #tpu.memory_space<hbm>> -> memref<1x78x128xi32, #tpu.memory_space<hbm>>
    %dma_start3A_30 = tpu.memref_squeeze %dma_start3A_29 : memref<1x78x128xi32, #tpu.memory_space<hbm>> -> memref<78x128xi32, #tpu.memory_space<hbm>>
    %dma_start3A_31 = arith.constant 0 : i32
    %dma_start3A_32 = tpu.memref_slice %arg3[%dma_start3A_27, %mul3A_26, %dma_start3A_31] : memref<2x2500x128xi32, #tpu.memory_space<hbm>> -> memref<1x78x128xi32, #tpu.memory_space<hbm>>
    %dma_start3A_33 = tpu.memref_squeeze %dma_start3A_32 : memref<1x78x128xi32, #tpu.memory_space<hbm>> -> memref<78x128xi32, #tpu.memory_space<hbm>>
    tpu.enqueue_dma source(%dma_start3A_33 : memref<78x128xi32, #tpu.memory_space<hbm>>) target(%arg7 : memref<78x128xi32, #tpu.memory_space<vmem>>) target_semaphore(%arg26 : memref<!tpu.dma_semaphore, #tpu.memory_space<semaphore_mem>>)
    %dma_wait3A = arith.constant 0 : i32
    %dma_wait3A_34 = tpu.memref_slice %arg17[%mul3A_4, %dma_wait3A] : memref<10240x16xf32, #tpu.memory_space<vmem_shared>> -> memref<640x16xf32, #tpu.memory_space<vmem_shared>>
    %dma_wait3A_35 = arith.constant 0 : i32
    %dma_wait3A_36 = tpu.memref_slice %arg4[%mul3A_2, %dma_wait3A_35] : memref<10240x16xf32, #tpu.memory_space<hbm>> -> memref<640x16xf32, #tpu.memory_space<hbm>>
    tpu.wait_dma2 semaphore(%arg19 : memref<!tpu.dma_semaphore, #tpu.memory_space<semaphore_mem>>) src(%dma_wait3A_36 : memref<640x16xf32, #tpu.memory_space<hbm>>) dst(%dma_wait3A_34 : memref<640x16xf32, #tpu.memory_space<vmem_shared>>)
    %dma_wait3A_37 = arith.constant 0 : i32
    %dma_wait3A_38 = tpu.memref_slice %arg18[%mul3A_11, %dma_wait3A_37] : memref<10240x16xf32, #tpu.memory_space<vmem_shared>> -> memref<625x16xf32, #tpu.memory_space<vmem_shared>>
    %dma_wait3A_39 = arith.constant 0 : i32
    %dma_wait3A_40 = tpu.memref_slice %arg2[%mul3A_9, %dma_wait3A_39] : memref<10000x16xf32, #tpu.memory_space<hbm>> -> memref<625x16xf32, #tpu.memory_space<hbm>>
    tpu.wait_dma2 semaphore(%arg20 : memref<!tpu.dma_semaphore, #tpu.memory_space<semaphore_mem>>) src(%dma_wait3A_40 : memref<625x16xf32, #tpu.memory_space<hbm>>) dst(%dma_wait3A_38 : memref<625x16xf32, #tpu.memory_space<vmem_shared>>)
    %dma_wait3A_41 = arith.constant 0 : i32
    %dma_wait3A_42 = arith.constant 0 : i32
    %dma_wait3A_43 = tpu.memref_slice %arg3[%dma_wait3A_41, %mul3A_17, %dma_wait3A_42] : memref<2x2500x128xi32, #tpu.memory_space<hbm>> -> memref<1x78x128xi32, #tpu.memory_space<hbm>>
    %dma_wait3A_44 = tpu.memref_squeeze %dma_wait3A_43 : memref<1x78x128xi32, #tpu.memory_space<hbm>> -> memref<78x128xi32, #tpu.memory_space<hbm>>
    %dma_wait3A_45 = arith.constant 0 : i32
    %dma_wait3A_46 = tpu.memref_slice %arg3[%dma_wait3A_41, %mul3A_17, %dma_wait3A_45] : memref<2x2500x128xi32, #tpu.memory_space<hbm>> -> memref<1x78x128xi32, #tpu.memory_space<hbm>>
    %dma_wait3A_47 = tpu.memref_squeeze %dma_wait3A_46 : memref<1x78x128xi32, #tpu.memory_space<hbm>> -> memref<78x128xi32, #tpu.memory_space<hbm>>
    tpu.wait_dma2 semaphore(%arg25 : memref<!tpu.dma_semaphore, #tpu.memory_space<semaphore_mem>>) src(%dma_wait3A_47 : memref<78x128xi32, #tpu.memory_space<hbm>>) dst(%arg6 : memref<78x128xi32, #tpu.memory_space<vmem>>)
    %dma_wait3A_48 = arith.constant 1 : i32
    %dma_wait3A_49 = arith.constant 0 : i32
    %dma_wait3A_50 = tpu.memref_slice %arg3[%dma_wait3A_48, %mul3A_26, %dma_wait3A_49] : memref<2x2500x128xi32, #tpu.memory_space<hbm>> -> memref<1x78x128xi32, #tpu.memory_space<hbm>>
    %dma_wait3A_51 = tpu.memref_squeeze %dma_wait3A_50 : memref<1x78x128xi32, #tpu.memory_space<hbm>> -> memref<78x128xi32, #tpu.memory_space<hbm>>
    %dma_wait3A_52 = arith.constant 0 : i32
    %dma_wait3A_53 = tpu.memref_slice %arg3[%dma_wait3A_48, %mul3A_26, %dma_wait3A_52] : memref<2x2500x128xi32, #tpu.memory_space<hbm>> -> memref<1x78x128xi32, #tpu.memory_space<hbm>>
    %dma_wait3A_54 = tpu.memref_squeeze %dma_wait3A_53 : memref<1x78x128xi32, #tpu.memory_space<hbm>> -> memref<78x128xi32, #tpu.memory_space<hbm>>
    tpu.wait_dma2 semaphore(%arg26 : memref<!tpu.dma_semaphore, #tpu.memory_space<semaphore_mem>>) src(%dma_wait3A_54 : memref<78x128xi32, #tpu.memory_space<hbm>>) dst(%arg7 : memref<78x128xi32, #tpu.memory_space<vmem>>)
    %barrier3A = arith.constant 0 : index
    tpu.barrier barrier_id(%barrier3A)
    %dma_start3A_55 = arith.constant 0 : i32
    %dma_start3A_56 = arith.constant 0 : i32
    %dma_start3A_57 = tpu.memref_slice %arg6[%dma_start3A_55, %dma_start3A_56] : memref<78x128xi32, #tpu.memory_space<vmem>> -> memref<1x128xi32, #tpu.memory_space<vmem>>
    %dma_start3A_58 = tpu.memref_squeeze %dma_start3A_57 : memref<1x128xi32, #tpu.memory_space<vmem>> -> memref<128xi32, #tpu.memory_space<vmem>>
    %dma_start3A_59 = arith.constant 0 : i32
    %dma_start3A_60 = arith.constant 0 : i32
    %dma_start3A_61 = tpu.memref_slice %arg18[%dma_start3A_59, %dma_start3A_60] : memref<10240x16xf32, #tpu.memory_space<vmem_shared>> -> memref<10240x16xf32, #tpu.memory_space<vmem_shared>>
    tpu.enqueue_indirect_dma source(%dma_start3A_61 : memref<10240x16xf32, #tpu.memory_space<vmem_shared>>) target(%arg10 : memref<128x16xf32, #tpu.memory_space<vmem>>) offsets(%dma_start3A_58 : memref<128xi32, #tpu.memory_space<vmem>>) semaphore(%arg19 : memref<!tpu.dma_semaphore, #tpu.memory_space<semaphore_mem>>)
    %dma_start3A_62 = arith.constant 1 : i32
    %dma_start3A_63 = arith.constant 0 : i32
    %dma_start3A_64 = tpu.memref_slice %arg6[%dma_start3A_62, %dma_start3A_63] : memref<78x128xi32, #tpu.memory_space<vmem>> -> memref<1x128xi32, #tpu.memory_space<vmem>>
    %dma_start3A_65 = tpu.memref_squeeze %dma_start3A_64 : memref<1x128xi32, #tpu.memory_space<vmem>> -> memref<128xi32, #tpu.memory_space<vmem>>
    %dma_start3A_66 = arith.constant 0 : i32
    %dma_start3A_67 = arith.constant 0 : i32
    %dma_start3A_68 = tpu.memref_slice %arg18[%dma_start3A_66, %dma_start3A_67] : memref<10240x16xf32, #tpu.memory_space<vmem_shared>> -> memref<10240x16xf32, #tpu.memory_space<vmem_shared>>
    tpu.enqueue_indirect_dma source(%dma_start3A_68 : memref<10240x16xf32, #tpu.memory_space<vmem_shared>>) target(%arg11 : memref<128x16xf32, #tpu.memory_space<vmem>>) offsets(%dma_start3A_65 : memref<128xi32, #tpu.memory_space<vmem>>) semaphore(%arg20 : memref<!tpu.dma_semaphore, #tpu.memory_space<semaphore_mem>>)
    %dma_start3A_69 = arith.constant 2 : i32
    %dma_start3A_70 = arith.constant 0 : i32
    %dma_start3A_71 = tpu.memref_slice %arg6[%dma_start3A_69, %dma_start3A_70] : memref<78x128xi32, #tpu.memory_space<vmem>> -> memref<1x128xi32, #tpu.memory_space<vmem>>
    %dma_start3A_72 = tpu.memref_squeeze %dma_start3A_71 : memref<1x128xi32, #tpu.memory_space<vmem>> -> memref<128xi32, #tpu.memory_space<vmem>>
    %dma_start3A_73 = arith.constant 0 : i32
    %dma_start3A_74 = arith.constant 0 : i32
    %dma_start3A_75 = tpu.memref_slice %arg18[%dma_start3A_73, %dma_start3A_74] : memref<10240x16xf32, #tpu.memory_space<vmem_shared>> -> memref<10240x16xf32, #tpu.memory_space<vmem_shared>>
    tpu.enqueue_indirect_dma source(%dma_start3A_75 : memref<10240x16xf32, #tpu.memory_space<vmem_shared>>) target(%arg12 : memref<128x16xf32, #tpu.memory_space<vmem>>) offsets(%dma_start3A_72 : memref<128xi32, #tpu.memory_space<vmem>>) semaphore(%arg21 : memref<!tpu.dma_semaphore, #tpu.memory_space<semaphore_mem>>)
    %dma_start3A_76 = arith.constant 3 : i32
    %dma_start3A_77 = arith.constant 0 : i32
    %dma_start3A_78 = tpu.memref_slice %arg6[%dma_start3A_76, %dma_start3A_77] : memref<78x128xi32, #tpu.memory_space<vmem>> -> memref<1x128xi32, #tpu.memory_space<vmem>>
    %dma_start3A_79 = tpu.memref_squeeze %dma_start3A_78 : memref<1x128xi32, #tpu.memory_space<vmem>> -> memref<128xi32, #tpu.memory_space<vmem>>
    %dma_start3A_80 = arith.constant 0 : i32
    %dma_start3A_81 = arith.constant 0 : i32
    %dma_start3A_82 = tpu.memref_slice %arg18[%dma_start3A_80, %dma_start3A_81] : memref<10240x16xf32, #tpu.memory_space<vmem_shared>> -> memref<10240x16xf32, #tpu.memory_space<vmem_shared>>
    tpu.enqueue_indirect_dma source(%dma_start3A_82 : memref<10240x16xf32, #tpu.memory_space<vmem_shared>>) target(%arg13 : memref<128x16xf32, #tpu.memory_space<vmem>>) offsets(%dma_start3A_79 : memref<128xi32, #tpu.memory_space<vmem>>) semaphore(%arg22 : memref<!tpu.dma_semaphore, #tpu.memory_space<semaphore_mem>>)
    %dma_wait3A_83 = arith.constant 0 : i32
    %dma_wait3A_84 = arith.constant 0 : i32
    %dma_wait3A_85 = tpu.memref_slice %arg6[%dma_wait3A_83, %dma_wait3A_84] : memref<78x128xi32, #tpu.memory_space<vmem>> -> memref<1x128xi32, #tpu.memory_space<vmem>>
    %dma_wait3A_86 = tpu.memref_squeeze %dma_wait3A_85 : memref<1x128xi32, #tpu.memory_space<vmem>> -> memref<128xi32, #tpu.memory_space<vmem>>
    %dma_wait3A_87 = arith.constant 0 : i32
    %dma_wait3A_88 = arith.constant 0 : i32
    %dma_wait3A_89 = tpu.memref_slice %arg18[%dma_wait3A_87, %dma_wait3A_88] : memref<10240x16xf32, #tpu.memory_space<vmem_shared>> -> memref<10240x16xf32, #tpu.memory_space<vmem_shared>>
    tpu.wait_indirect_dma semaphore(%arg19 : memref<!tpu.dma_semaphore, #tpu.memory_space<semaphore_mem>>) src(%dma_wait3A_89 : memref<10240x16xf32, #tpu.memory_space<vmem_shared>>) dst(%arg10 : memref<128x16xf32, #tpu.memory_space<vmem>>)
    %dma_start3A_90 = arith.constant 0 : i32
    %dma_start3A_91 = arith.constant 0 : i32
    %dma_start3A_92 = tpu.memref_slice %arg7[%dma_start3A_90, %dma_start3A_91] : memref<78x128xi32, #tpu.memory_space<vmem>> -> memref<1x128xi32, #tpu.memory_space<vmem>>
    %dma_start3A_93 = tpu.memref_squeeze %dma_start3A_92 : memref<1x128xi32, #tpu.memory_space<vmem>> -> memref<128xi32, #tpu.memory_space<vmem>>
    %dma_start3A_94 = arith.constant 0 : i32
    %dma_start3A_95 = arith.constant 0 : i32
    %dma_start3A_96 = tpu.memref_slice %arg17[%dma_start3A_94, %dma_start3A_95] : memref<10240x16xf32, #tpu.memory_space<vmem_shared>> -> memref<10240x16xf32, #tpu.memory_space<vmem_shared>>
    tpu.enqueue_indirect_dma source(%arg10 : memref<128x16xf32, #tpu.memory_space<vmem>>) target(%dma_start3A_96 : memref<10240x16xf32, #tpu.memory_space<vmem_shared>>) offsets(%dma_start3A_93 : memref<128xi32, #tpu.memory_space<vmem>>) semaphore(%arg25 : memref<!tpu.dma_semaphore, #tpu.memory_space<semaphore_mem>>) {add = true}
    %dma_start3A_97 = arith.constant 4 : i32
    %dma_start3A_98 = arith.constant 0 : i32
    %dma_start3A_99 = tpu.memref_slice %arg6[%dma_start3A_97, %dma_start3A_98] : memref<78x128xi32, #tpu.memory_space<vmem>> -> memref<1x128xi32, #tpu.memory_space<vmem>>
    %dma_start3A_100 = tpu.memref_squeeze %dma_start3A_99 : memref<1x128xi32, #tpu.memory_space<vmem>> -> memref<128xi32, #tpu.memory_space<vmem>>
    %dma_start3A_101 = arith.constant 0 : i32
    %dma_start3A_102 = arith.constant 0 : i32
    %dma_start3A_103 = tpu.memref_slice %arg18[%dma_start3A_101, %dma_start3A_102] : memref<10240x16xf32, #tpu.memory_space<vmem_shared>> -> memref<10240x16xf32, #tpu.memory_space<vmem_shared>>
    tpu.enqueue_indirect_dma source(%dma_start3A_103 : memref<10240x16xf32, #tpu.memory_space<vmem_shared>>) target(%arg14 : memref<128x16xf32, #tpu.memory_space<vmem>>) offsets(%dma_start3A_100 : memref<128xi32, #tpu.memory_space<vmem>>) semaphore(%arg23 : memref<!tpu.dma_semaphore, #tpu.memory_space<semaphore_mem>>)
    %dma_wait3A_104 = arith.constant 1 : i32
    %dma_wait3A_105 = arith.constant 0 : i32
    %dma_wait3A_106 = tpu.memref_slice %arg6[%dma_wait3A_104, %dma_wait3A_105] : memref<78x128xi32, #tpu.memory_space<vmem>> -> memref<1x128xi32, #tpu.memory_space<vmem>>
    %dma_wait3A_107 = tpu.memref_squeeze %dma_wait3A_106 : memref<1x128xi32, #tpu.memory_space<vmem>> -> memref<128xi32, #tpu.memory_space<vmem>>
    %dma_wait3A_108 = arith.constant 0 : i32
    %dma_wait3A_109 = arith.constant 0 : i32
    %dma_wait3A_110 = tpu.memref_slice %arg18[%dma_wait3A_108, %dma_wait3A_109] : memref<10240x16xf32, #tpu.memory_space<vmem_shared>> -> memref<10240x16xf32, #tpu.memory_space<vmem_shared>>
    tpu.wait_indirect_dma semaphore(%arg20 : memref<!tpu.dma_semaphore, #tpu.memory_space<semaphore_mem>>) src(%dma_wait3A_110 : memref<10240x16xf32, #tpu.memory_space<vmem_shared>>) dst(%arg11 : memref<128x16xf32, #tpu.memory_space<vmem>>)
    %dma_start3A_111 = arith.constant 1 : i32
    %dma_start3A_112 = arith.constant 0 : i32
    %dma_start3A_113 = tpu.memref_slice %arg7[%dma_start3A_111, %dma_start3A_112] : memref<78x128xi32, #tpu.memory_space<vmem>> -> memref<1x128xi32, #tpu.memory_space<vmem>>
    %dma_start3A_114 = tpu.memref_squeeze %dma_start3A_113 : memref<1x128xi32, #tpu.memory_space<vmem>> -> memref<128xi32, #tpu.memory_space<vmem>>
    %dma_start3A_115 = arith.constant 0 : i32
    %dma_start3A_116 = arith.constant 0 : i32
    %dma_start3A_117 = tpu.memref_slice %arg17[%dma_start3A_115, %dma_start3A_116] : memref<10240x16xf32, #tpu.memory_space<vmem_shared>> -> memref<10240x16xf32, #tpu.memory_space<vmem_shared>>
    tpu.enqueue_indirect_dma source(%arg11 : memref<128x16xf32, #tpu.memory_space<vmem>>) target(%dma_start3A_117 : memref<10240x16xf32, #tpu.memory_space<vmem_shared>>) offsets(%dma_start3A_114 : memref<128xi32, #tpu.memory_space<vmem>>) semaphore(%arg26 : memref<!tpu.dma_semaphore, #tpu.memory_space<semaphore_mem>>) {add = true}
    %dma_start3A_118 = arith.constant 5 : i32
    %dma_start3A_119 = arith.constant 0 : i32
    %dma_start3A_120 = tpu.memref_slice %arg6[%dma_start3A_118, %dma_start3A_119] : memref<78x128xi32, #tpu.memory_space<vmem>> -> memref<1x128xi32, #tpu.memory_space<vmem>>
    %dma_start3A_121 = tpu.memref_squeeze %dma_start3A_120 : memref<1x128xi32, #tpu.memory_space<vmem>> -> memref<128xi32, #tpu.memory_space<vmem>>
    %dma_start3A_122 = arith.constant 0 : i32
    %dma_start3A_123 = arith.constant 0 : i32
    %dma_start3A_124 = tpu.memref_slice %arg18[%dma_start3A_122, %dma_start3A_123] : memref<10240x16xf32, #tpu.memory_space<vmem_shared>> -> memref<10240x16xf32, #tpu.memory_space<vmem_shared>>
    tpu.enqueue_indirect_dma source(%dma_start3A_124 : memref<10240x16xf32, #tpu.memory_space<vmem_shared>>) target(%arg15 : memref<128x16xf32, #tpu.memory_space<vmem>>) offsets(%dma_start3A_121 : memref<128xi32, #tpu.memory_space<vmem>>) semaphore(%arg24 : memref<!tpu.dma_semaphore, #tpu.memory_space<semaphore_mem>>)
    %dma_wait3A_125 = arith.constant 2 : i32
    %dma_wait3A_126 = arith.constant 0 : i32
    %dma_wait3A_127 = tpu.memref_slice %arg6[%dma_wait3A_125, %dma_wait3A_126] : memref<78x128xi32, #tpu.memory_space<vmem>> -> memref<1x128xi32, #tpu.memory_space<vmem>>
    %dma_wait3A_128 = tpu.memref_squeeze %dma_wait3A_127 : memref<1x128xi32, #tpu.memory_space<vmem>> -> memref<128xi32, #tpu.memory_space<vmem>>
    %dma_wait3A_129 = arith.constant 0 : i32
    %dma_wait3A_130 = arith.constant 0 : i32
    %dma_wait3A_131 = tpu.memref_slice %arg18[%dma_wait3A_129, %dma_wait3A_130] : memref<10240x16xf32, #tpu.memory_space<vmem_shared>> -> memref<10240x16xf32, #tpu.memory_space<vmem_shared>>
    tpu.wait_indirect_dma semaphore(%arg21 : memref<!tpu.dma_semaphore, #tpu.memory_space<semaphore_mem>>) src(%dma_wait3A_131 : memref<10240x16xf32, #tpu.memory_space<vmem_shared>>) dst(%arg12 : memref<128x16xf32, #tpu.memory_space<vmem>>)
    %dma_start3A_132 = arith.constant 2 : i32
    %dma_start3A_133 = arith.constant 0 : i32
    %dma_start3A_134 = tpu.memref_slice %arg7[%dma_start3A_132, %dma_start3A_133] : memref<78x128xi32, #tpu.memory_space<vmem>> -> memref<1x128xi32, #tpu.memory_space<vmem>>
    %dma_start3A_135 = tpu.memref_squeeze %dma_start3A_134 : memref<1x128xi32, #tpu.memory_space<vmem>> -> memref<128xi32, #tpu.memory_space<vmem>>
    %dma_start3A_136 = arith.constant 0 : i32
    %dma_start3A_137 = arith.constant 0 : i32
    %dma_start3A_138 = tpu.memref_slice %arg17[%dma_start3A_136, %dma_start3A_137] : memref<10240x16xf32, #tpu.memory_space<vmem_shared>> -> memref<10240x16xf32, #tpu.memory_space<vmem_shared>>
    tpu.enqueue_indirect_dma source(%arg12 : memref<128x16xf32, #tpu.memory_space<vmem>>) target(%dma_start3A_138 : memref<10240x16xf32, #tpu.memory_space<vmem_shared>>) offsets(%dma_start3A_135 : memref<128xi32, #tpu.memory_space<vmem>>) semaphore(%arg27 : memref<!tpu.dma_semaphore, #tpu.memory_space<semaphore_mem>>) {add = true}
    %scan3A = arith.constant 0 : i32
    %scan3A_139 = arith.constant 1 : i32
    %scan3A_140 = arith.constant 12 : i32
    %scan3A_141 = arith.addi %scan3A_139, %scan3A_140 : i32
    %scan3A_142 = arith.constant 1 : i32
    scf.for %scan3A_235 = %scan3A_139 to %scan3A_141 step %scan3A_142  : i32 {
      %mul3A_236 = arith.constant 6 : i32
      %mul3A_237 = arith.muli %scan3A_235, %mul3A_236 : i32
      %add3A_238 = arith.constant 0 : i32
      %add3A_239 = arith.addi %mul3A_237, %add3A_238 : i32
      %dma_wait3A_240 = arith.constant 0 : i32
      %dma_wait3A_241 = arith.constant 0 : i32
      %dma_wait3A_242 = tpu.memref_slice %arg7[%dma_wait3A_240, %dma_wait3A_241] : memref<78x128xi32, #tpu.memory_space<vmem>> -> memref<1x128xi32, #tpu.memory_space<vmem>>
      %dma_wait3A_243 = tpu.memref_squeeze %dma_wait3A_242 : memref<1x128xi32, #tpu.memory_space<vmem>> -> memref<128xi32, #tpu.memory_space<vmem>>
      %dma_wait3A_244 = arith.constant 0 : i32
      %dma_wait3A_245 = arith.constant 0 : i32
      %dma_wait3A_246 = tpu.memref_slice %arg17[%dma_wait3A_244, %dma_wait3A_245] : memref<10240x16xf32, #tpu.memory_space<vmem_shared>> -> memref<10240x16xf32, #tpu.memory_space<vmem_shared>>
      tpu.wait_indirect_dma semaphore(%arg25 : memref<!tpu.dma_semaphore, #tpu.memory_space<semaphore_mem>>) src(%arg10 : memref<128x16xf32, #tpu.memory_space<vmem>>) dst(%dma_wait3A_246 : memref<10240x16xf32, #tpu.memory_space<vmem_shared>>)
      %dma_start3A_247 = arith.constant 0 : i32
      %dma_start3A_248 = tpu.memref_slice %arg6[%add3A_239, %dma_start3A_247] : memref<78x128xi32, #tpu.memory_space<vmem>> -> memref<1x128xi32, #tpu.memory_space<vmem>>
      %dma_start3A_249 = tpu.memref_squeeze %dma_start3A_248 : memref<1x128xi32, #tpu.memory_space<vmem>> -> memref<128xi32, #tpu.memory_space<vmem>>
      %dma_start3A_250 = arith.constant 0 : i32
      %dma_start3A_251 = arith.constant 0 : i32
      %dma_start3A_252 = tpu.memref_slice %arg18[%dma_start3A_250, %dma_start3A_251] : memref<10240x16xf32, #tpu.memory_space<vmem_shared>> -> memref<10240x16xf32, #tpu.memory_space<vmem_shared>>
      tpu.enqueue_indirect_dma source(%dma_start3A_252 : memref<10240x16xf32, #tpu.memory_space<vmem_shared>>) target(%arg10 : memref<128x16xf32, #tpu.memory_space<vmem>>) offsets(%dma_start3A_249 : memref<128xi32, #tpu.memory_space<vmem>>) semaphore(%arg19 : memref<!tpu.dma_semaphore, #tpu.memory_space<semaphore_mem>>)
      %sub3A = arith.constant 3 : i32
      %sub3A_253 = arith.subi %add3A_239, %sub3A : i32
      %dma_wait3A_254 = arith.constant 0 : i32
      %dma_wait3A_255 = tpu.memref_slice %arg6[%sub3A_253, %dma_wait3A_254] : memref<78x128xi32, #tpu.memory_space<vmem>> -> memref<1x128xi32, #tpu.memory_space<vmem>>
      %dma_wait3A_256 = tpu.memref_squeeze %dma_wait3A_255 : memref<1x128xi32, #tpu.memory_space<vmem>> -> memref<128xi32, #tpu.memory_space<vmem>>
      %dma_wait3A_257 = arith.constant 0 : i32
      %dma_wait3A_258 = arith.constant 0 : i32
      %dma_wait3A_259 = tpu.memref_slice %arg18[%dma_wait3A_257, %dma_wait3A_258] : memref<10240x16xf32, #tpu.memory_space<vmem_shared>> -> memref<10240x16xf32, #tpu.memory_space<vmem_shared>>
      tpu.wait_indirect_dma semaphore(%arg22 : memref<!tpu.dma_semaphore, #tpu.memory_space<semaphore_mem>>) src(%dma_wait3A_259 : memref<10240x16xf32, #tpu.memory_space<vmem_shared>>) dst(%arg13 : memref<128x16xf32, #tpu.memory_space<vmem>>)
      %sub3A_260 = arith.constant 3 : i32
      %sub3A_261 = arith.subi %add3A_239, %sub3A_260 : i32
      %dma_start3A_262 = arith.constant 0 : i32
      %dma_start3A_263 = tpu.memref_slice %arg7[%sub3A_261, %dma_start3A_262] : memref<78x128xi32, #tpu.memory_space<vmem>> -> memref<1x128xi32, #tpu.memory_space<vmem>>
      %dma_start3A_264 = tpu.memref_squeeze %dma_start3A_263 : memref<1x128xi32, #tpu.memory_space<vmem>> -> memref<128xi32, #tpu.memory_space<vmem>>
      %dma_start3A_265 = arith.constant 0 : i32
      %dma_start3A_266 = arith.constant 0 : i32
      %dma_start3A_267 = tpu.memref_slice %arg17[%dma_start3A_265, %dma_start3A_266] : memref<10240x16xf32, #tpu.memory_space<vmem_shared>> -> memref<10240x16xf32, #tpu.memory_space<vmem_shared>>
      tpu.enqueue_indirect_dma source(%arg13 : memref<128x16xf32, #tpu.memory_space<vmem>>) target(%dma_start3A_267 : memref<10240x16xf32, #tpu.memory_space<vmem_shared>>) offsets(%dma_start3A_264 : memref<128xi32, #tpu.memory_space<vmem>>) semaphore(%arg28 : memref<!tpu.dma_semaphore, #tpu.memory_space<semaphore_mem>>) {add = true}
      %mul3A_268 = arith.constant 6 : i32
      %mul3A_269 = arith.muli %scan3A_235, %mul3A_268 : i32
      %add3A_270 = arith.constant 1 : i32
      %add3A_271 = arith.addi %mul3A_269, %add3A_270 : i32
      %dma_wait3A_272 = arith.constant 0 : i32
      %dma_wait3A_273 = arith.constant 0 : i32
      %dma_wait3A_274 = tpu.memref_slice %arg7[%dma_wait3A_272, %dma_wait3A_273] : memref<78x128xi32, #tpu.memory_space<vmem>> -> memref<1x128xi32, #tpu.memory_space<vmem>>
      %dma_wait3A_275 = tpu.memref_squeeze %dma_wait3A_274 : memref<1x128xi32, #tpu.memory_space<vmem>> -> memref<128xi32, #tpu.memory_space<vmem>>
      %dma_wait3A_276 = arith.constant 0 : i32
      %dma_wait3A_277 = arith.constant 0 : i32
      %dma_wait3A_278 = tpu.memref_slice %arg17[%dma_wait3A_276, %dma_wait3A_277] : memref<10240x16xf32, #tpu.memory_space<vmem_shared>> -> memref<10240x16xf32, #tpu.memory_space<vmem_shared>>
      tpu.wait_indirect_dma semaphore(%arg26 : memref<!tpu.dma_semaphore, #tpu.memory_space<semaphore_mem>>) src(%arg11 : memref<128x16xf32, #tpu.memory_space<vmem>>) dst(%dma_wait3A_278 : memref<10240x16xf32, #tpu.memory_space<vmem_shared>>)
      %dma_start3A_279 = arith.constant 0 : i32
      %dma_start3A_280 = tpu.memref_slice %arg6[%add3A_271, %dma_start3A_279] : memref<78x128xi32, #tpu.memory_space<vmem>> -> memref<1x128xi32, #tpu.memory_space<vmem>>
      %dma_start3A_281 = tpu.memref_squeeze %dma_start3A_280 : memref<1x128xi32, #tpu.memory_space<vmem>> -> memref<128xi32, #tpu.memory_space<vmem>>
      %dma_start3A_282 = arith.constant 0 : i32
      %dma_start3A_283 = arith.constant 0 : i32
      %dma_start3A_284 = tpu.memref_slice %arg18[%dma_start3A_282, %dma_start3A_283] : memref<10240x16xf32, #tpu.memory_space<vmem_shared>> -> memref<10240x16xf32, #tpu.memory_space<vmem_shared>>
      tpu.enqueue_indirect_dma source(%dma_start3A_284 : memref<10240x16xf32, #tpu.memory_space<vmem_shared>>) target(%arg11 : memref<128x16xf32, #tpu.memory_space<vmem>>) offsets(%dma_start3A_281 : memref<128xi32, #tpu.memory_space<vmem>>) semaphore(%arg20 : memref<!tpu.dma_semaphore, #tpu.memory_space<semaphore_mem>>)
      %sub3A_285 = arith.constant 3 : i32
      %sub3A_286 = arith.subi %add3A_271, %sub3A_285 : i32
      %dma_wait3A_287 = arith.constant 0 : i32
      %dma_wait3A_288 = tpu.memref_slice %arg6[%sub3A_286, %dma_wait3A_287] : memref<78x128xi32, #tpu.memory_space<vmem>> -> memref<1x128xi32, #tpu.memory_space<vmem>>
      %dma_wait3A_289 = tpu.memref_squeeze %dma_wait3A_288 : memref<1x128xi32, #tpu.memory_space<vmem>> -> memref<128xi32, #tpu.memory_space<vmem>>
      %dma_wait3A_290 = arith.constant 0 : i32
      %dma_wait3A_291 = arith.constant 0 : i32
      %dma_wait3A_292 = tpu.memref_slice %arg18[%dma_wait3A_290, %dma_wait3A_291] : memref<10240x16xf32, #tpu.memory_space<vmem_shared>> -> memref<10240x16xf32, #tpu.memory_space<vmem_shared>>
      tpu.wait_indirect_dma semaphore(%arg23 : memref<!tpu.dma_semaphore, #tpu.memory_space<semaphore_mem>>) src(%dma_wait3A_292 : memref<10240x16xf32, #tpu.memory_space<vmem_shared>>) dst(%arg14 : memref<128x16xf32, #tpu.memory_space<vmem>>)
      %sub3A_293 = arith.constant 3 : i32
      %sub3A_294 = arith.subi %add3A_271, %sub3A_293 : i32
      %dma_start3A_295 = arith.constant 0 : i32
      %dma_start3A_296 = tpu.memref_slice %arg7[%sub3A_294, %dma_start3A_295] : memref<78x128xi32, #tpu.memory_space<vmem>> -> memref<1x128xi32, #tpu.memory_space<vmem>>
      %dma_start3A_297 = tpu.memref_squeeze %dma_start3A_296 : memref<1x128xi32, #tpu.memory_space<vmem>> -> memref<128xi32, #tpu.memory_space<vmem>>
      %dma_start3A_298 = arith.constant 0 : i32
      %dma_start3A_299 = arith.constant 0 : i32
      %dma_start3A_300 = tpu.memref_slice %arg17[%dma_start3A_298, %dma_start3A_299] : memref<10240x16xf32, #tpu.memory_space<vmem_shared>> -> memref<10240x16xf32, #tpu.memory_space<vmem_shared>>
      tpu.enqueue_indirect_dma source(%arg14 : memref<128x16xf32, #tpu.memory_space<vmem>>) target(%dma_start3A_300 : memref<10240x16xf32, #tpu.memory_space<vmem_shared>>) offsets(%dma_start3A_297 : memref<128xi32, #tpu.memory_space<vmem>>) semaphore(%arg29 : memref<!tpu.dma_semaphore, #tpu.memory_space<semaphore_mem>>) {add = true}
      %mul3A_301 = arith.constant 6 : i32
      %mul3A_302 = arith.muli %scan3A_235, %mul3A_301 : i32
      %add3A_303 = arith.constant 2 : i32
      %add3A_304 = arith.addi %mul3A_302, %add3A_303 : i32
      %dma_wait3A_305 = arith.constant 0 : i32
      %dma_wait3A_306 = arith.constant 0 : i32
      %dma_wait3A_307 = tpu.memref_slice %arg7[%dma_wait3A_305, %dma_wait3A_306] : memref<78x128xi32, #tpu.memory_space<vmem>> -> memref<1x128xi32, #tpu.memory_space<vmem>>
      %dma_wait3A_308 = tpu.memref_squeeze %dma_wait3A_307 : memref<1x128xi32, #tpu.memory_space<vmem>> -> memref<128xi32, #tpu.memory_space<vmem>>
      %dma_wait3A_309 = arith.constant 0 : i32
      %dma_wait3A_310 = arith.constant 0 : i32
      %dma_wait3A_311 = tpu.memref_slice %arg17[%dma_wait3A_309, %dma_wait3A_310] : memref<10240x16xf32, #tpu.memory_space<vmem_shared>> -> memref<10240x16xf32, #tpu.memory_space<vmem_shared>>
      tpu.wait_indirect_dma semaphore(%arg27 : memref<!tpu.dma_semaphore, #tpu.memory_space<semaphore_mem>>) src(%arg12 : memref<128x16xf32, #tpu.memory_space<vmem>>) dst(%dma_wait3A_311 : memref<10240x16xf32, #tpu.memory_space<vmem_shared>>)
      %dma_start3A_312 = arith.constant 0 : i32
      %dma_start3A_313 = tpu.memref_slice %arg6[%add3A_304, %dma_start3A_312] : memref<78x128xi32, #tpu.memory_space<vmem>> -> memref<1x128xi32, #tpu.memory_space<vmem>>
      %dma_start3A_314 = tpu.memref_squeeze %dma_start3A_313 : memref<1x128xi32, #tpu.memory_space<vmem>> -> memref<128xi32, #tpu.memory_space<vmem>>
      %dma_start3A_315 = arith.constant 0 : i32
      %dma_start3A_316 = arith.constant 0 : i32
      %dma_start3A_317 = tpu.memref_slice %arg18[%dma_start3A_315, %dma_start3A_316] : memref<10240x16xf32, #tpu.memory_space<vmem_shared>> -> memref<10240x16xf32, #tpu.memory_space<vmem_shared>>
      tpu.enqueue_indirect_dma source(%dma_start3A_317 : memref<10240x16xf32, #tpu.memory_space<vmem_shared>>) target(%arg12 : memref<128x16xf32, #tpu.memory_space<vmem>>) offsets(%dma_start3A_314 : memref<128xi32, #tpu.memory_space<vmem>>) semaphore(%arg21 : memref<!tpu.dma_semaphore, #tpu.memory_space<semaphore_mem>>)
      %sub3A_318 = arith.constant 3 : i32
      %sub3A_319 = arith.subi %add3A_304, %sub3A_318 : i32
      %dma_wait3A_320 = arith.constant 0 : i32
      %dma_wait3A_321 = tpu.memref_slice %arg6[%sub3A_319, %dma_wait3A_320] : memref<78x128xi32, #tpu.memory_space<vmem>> -> memref<1x128xi32, #tpu.memory_space<vmem>>
      %dma_wait3A_322 = tpu.memref_squeeze %dma_wait3A_321 : memref<1x128xi32, #tpu.memory_space<vmem>> -> memref<128xi32, #tpu.memory_space<vmem>>
      %dma_wait3A_323 = arith.constant 0 : i32
      %dma_wait3A_324 = arith.constant 0 : i32
      %dma_wait3A_325 = tpu.memref_slice %arg18[%dma_wait3A_323, %dma_wait3A_324] : memref<10240x16xf32, #tpu.memory_space<vmem_shared>> -> memref<10240x16xf32, #tpu.memory_space<vmem_shared>>
      tpu.wait_indirect_dma semaphore(%arg24 : memref<!tpu.dma_semaphore, #tpu.memory_space<semaphore_mem>>) src(%dma_wait3A_325 : memref<10240x16xf32, #tpu.memory_space<vmem_shared>>) dst(%arg15 : memref<128x16xf32, #tpu.memory_space<vmem>>)
      %sub3A_326 = arith.constant 3 : i32
      %sub3A_327 = arith.subi %add3A_304, %sub3A_326 : i32
      %dma_start3A_328 = arith.constant 0 : i32
      %dma_start3A_329 = tpu.memref_slice %arg7[%sub3A_327, %dma_start3A_328] : memref<78x128xi32, #tpu.memory_space<vmem>> -> memref<1x128xi32, #tpu.memory_space<vmem>>
      %dma_start3A_330 = tpu.memref_squeeze %dma_start3A_329 : memref<1x128xi32, #tpu.memory_space<vmem>> -> memref<128xi32, #tpu.memory_space<vmem>>
      %dma_start3A_331 = arith.constant 0 : i32
      %dma_start3A_332 = arith.constant 0 : i32
      %dma_start3A_333 = tpu.memref_slice %arg17[%dma_start3A_331, %dma_start3A_332] : memref<10240x16xf32, #tpu.memory_space<vmem_shared>> -> memref<10240x16xf32, #tpu.memory_space<vmem_shared>>
      tpu.enqueue_indirect_dma source(%arg15 : memref<128x16xf32, #tpu.memory_space<vmem>>) target(%dma_start3A_333 : memref<10240x16xf32, #tpu.memory_space<vmem_shared>>) offsets(%dma_start3A_330 : memref<128xi32, #tpu.memory_space<vmem>>) semaphore(%arg30 : memref<!tpu.dma_semaphore, #tpu.memory_space<semaphore_mem>>) {add = true}
      %mul3A_334 = arith.constant 6 : i32
      %mul3A_335 = arith.muli %scan3A_235, %mul3A_334 : i32
      %add3A_336 = arith.constant 3 : i32
      %add3A_337 = arith.addi %mul3A_335, %add3A_336 : i32
      %dma_wait3A_338 = arith.constant 0 : i32
      %dma_wait3A_339 = arith.constant 0 : i32
      %dma_wait3A_340 = tpu.memref_slice %arg7[%dma_wait3A_338, %dma_wait3A_339] : memref<78x128xi32, #tpu.memory_space<vmem>> -> memref<1x128xi32, #tpu.memory_space<vmem>>
      %dma_wait3A_341 = tpu.memref_squeeze %dma_wait3A_340 : memref<1x128xi32, #tpu.memory_space<vmem>> -> memref<128xi32, #tpu.memory_space<vmem>>
      %dma_wait3A_342 = arith.constant 0 : i32
      %dma_wait3A_343 = arith.constant 0 : i32
      %dma_wait3A_344 = tpu.memref_slice %arg17[%dma_wait3A_342, %dma_wait3A_343] : memref<10240x16xf32, #tpu.memory_space<vmem_shared>> -> memref<10240x16xf32, #tpu.memory_space<vmem_shared>>
      tpu.wait_indirect_dma semaphore(%arg28 : memref<!tpu.dma_semaphore, #tpu.memory_space<semaphore_mem>>) src(%arg13 : memref<128x16xf32, #tpu.memory_space<vmem>>) dst(%dma_wait3A_344 : memref<10240x16xf32, #tpu.memory_space<vmem_shared>>)
      %dma_start3A_345 = arith.constant 0 : i32
      %dma_start3A_346 = tpu.memref_slice %arg6[%add3A_337, %dma_start3A_345] : memref<78x128xi32, #tpu.memory_space<vmem>> -> memref<1x128xi32, #tpu.memory_space<vmem>>
      %dma_start3A_347 = tpu.memref_squeeze %dma_start3A_346 : memref<1x128xi32, #tpu.memory_space<vmem>> -> memref<128xi32, #tpu.memory_space<vmem>>
      %dma_start3A_348 = arith.constant 0 : i32
      %dma_start3A_349 = arith.constant 0 : i32
      %dma_start3A_350 = tpu.memref_slice %arg18[%dma_start3A_348, %dma_start3A_349] : memref<10240x16xf32, #tpu.memory_space<vmem_shared>> -> memref<10240x16xf32, #tpu.memory_space<vmem_shared>>
      tpu.enqueue_indirect_dma source(%dma_start3A_350 : memref<10240x16xf32, #tpu.memory_space<vmem_shared>>) target(%arg13 : memref<128x16xf32, #tpu.memory_space<vmem>>) offsets(%dma_start3A_347 : memref<128xi32, #tpu.memory_space<vmem>>) semaphore(%arg22 : memref<!tpu.dma_semaphore, #tpu.memory_space<semaphore_mem>>)
      %sub3A_351 = arith.constant 3 : i32
      %sub3A_352 = arith.subi %add3A_337, %sub3A_351 : i32
      %dma_wait3A_353 = arith.constant 0 : i32
      %dma_wait3A_354 = tpu.memref_slice %arg6[%sub3A_352, %dma_wait3A_353] : memref<78x128xi32, #tpu.memory_space<vmem>> -> memref<1x128xi32, #tpu.memory_space<vmem>>
      %dma_wait3A_355 = tpu.memref_squeeze %dma_wait3A_354 : memref<1x128xi32, #tpu.memory_space<vmem>> -> memref<128xi32, #tpu.memory_space<vmem>>
      %dma_wait3A_356 = arith.constant 0 : i32
      %dma_wait3A_357 = arith.constant 0 : i32
      %dma_wait3A_358 = tpu.memref_slice %arg18[%dma_wait3A_356, %dma_wait3A_357] : memref<10240x16xf32, #tpu.memory_space<vmem_shared>> -> memref<10240x16xf32, #tpu.memory_space<vmem_shared>>
      tpu.wait_indirect_dma semaphore(%arg19 : memref<!tpu.dma_semaphore, #tpu.memory_space<semaphore_mem>>) src(%dma_wait3A_358 : memref<10240x16xf32, #tpu.memory_space<vmem_shared>>) dst(%arg10 : memref<128x16xf32, #tpu.memory_space<vmem>>)
      %sub3A_359 = arith.constant 3 : i32
      %sub3A_360 = arith.subi %add3A_337, %sub3A_359 : i32
      %dma_start3A_361 = arith.constant 0 : i32
      %dma_start3A_362 = tpu.memref_slice %arg7[%sub3A_360, %dma_start3A_361] : memref<78x128xi32, #tpu.memory_space<vmem>> -> memref<1x128xi32, #tpu.memory_space<vmem>>
      %dma_start3A_363 = tpu.memref_squeeze %dma_start3A_362 : memref<1x128xi32, #tpu.memory_space<vmem>> -> memref<128xi32, #tpu.memory_space<vmem>>
      %dma_start3A_364 = arith.constant 0 : i32
      %dma_start3A_365 = arith.constant 0 : i32
      %dma_start3A_366 = tpu.memref_slice %arg17[%dma_start3A_364, %dma_start3A_365] : memref<10240x16xf32, #tpu.memory_space<vmem_shared>> -> memref<10240x16xf32, #tpu.memory_space<vmem_shared>>
      tpu.enqueue_indirect_dma source(%arg10 : memref<128x16xf32, #tpu.memory_space<vmem>>) target(%dma_start3A_366 : memref<10240x16xf32, #tpu.memory_space<vmem_shared>>) offsets(%dma_start3A_363 : memref<128xi32, #tpu.memory_space<vmem>>) semaphore(%arg25 : memref<!tpu.dma_semaphore, #tpu.memory_space<semaphore_mem>>) {add = true}
      %mul3A_367 = arith.constant 6 : i32
      %mul3A_368 = arith.muli %scan3A_235, %mul3A_367 : i32
      %add3A_369 = arith.constant 4 : i32
      %add3A_370 = arith.addi %mul3A_368, %add3A_369 : i32
      %dma_wait3A_371 = arith.constant 0 : i32
      %dma_wait3A_372 = arith.constant 0 : i32
      %dma_wait3A_373 = tpu.memref_slice %arg7[%dma_wait3A_371, %dma_wait3A_372] : memref<78x128xi32, #tpu.memory_space<vmem>> -> memref<1x128xi32, #tpu.memory_space<vmem>>
      %dma_wait3A_374 = tpu.memref_squeeze %dma_wait3A_373 : memref<1x128xi32, #tpu.memory_space<vmem>> -> memref<128xi32, #tpu.memory_space<vmem>>
      %dma_wait3A_375 = arith.constant 0 : i32
      %dma_wait3A_376 = arith.constant 0 : i32
      %dma_wait3A_377 = tpu.memref_slice %arg17[%dma_wait3A_375, %dma_wait3A_376] : memref<10240x16xf32, #tpu.memory_space<vmem_shared>> -> memref<10240x16xf32, #tpu.memory_space<vmem_shared>>
      tpu.wait_indirect_dma semaphore(%arg29 : memref<!tpu.dma_semaphore, #tpu.memory_space<semaphore_mem>>) src(%arg14 : memref<128x16xf32, #tpu.memory_space<vmem>>) dst(%dma_wait3A_377 : memref<10240x16xf32, #tpu.memory_space<vmem_shared>>)
      %dma_start3A_378 = arith.constant 0 : i32
      %dma_start3A_379 = tpu.memref_slice %arg6[%add3A_370, %dma_start3A_378] : memref<78x128xi32, #tpu.memory_space<vmem>> -> memref<1x128xi32, #tpu.memory_space<vmem>>
      %dma_start3A_380 = tpu.memref_squeeze %dma_start3A_379 : memref<1x128xi32, #tpu.memory_space<vmem>> -> memref<128xi32, #tpu.memory_space<vmem>>
      %dma_start3A_381 = arith.constant 0 : i32
      %dma_start3A_382 = arith.constant 0 : i32
      %dma_start3A_383 = tpu.memref_slice %arg18[%dma_start3A_381, %dma_start3A_382] : memref<10240x16xf32, #tpu.memory_space<vmem_shared>> -> memref<10240x16xf32, #tpu.memory_space<vmem_shared>>
      tpu.enqueue_indirect_dma source(%dma_start3A_383 : memref<10240x16xf32, #tpu.memory_space<vmem_shared>>) target(%arg14 : memref<128x16xf32, #tpu.memory_space<vmem>>) offsets(%dma_start3A_380 : memref<128xi32, #tpu.memory_space<vmem>>) semaphore(%arg23 : memref<!tpu.dma_semaphore, #tpu.memory_space<semaphore_mem>>)
      %sub3A_384 = arith.constant 3 : i32
      %sub3A_385 = arith.subi %add3A_370, %sub3A_384 : i32
      %dma_wait3A_386 = arith.constant 0 : i32
      %dma_wait3A_387 = tpu.memref_slice %arg6[%sub3A_385, %dma_wait3A_386] : memref<78x128xi32, #tpu.memory_space<vmem>> -> memref<1x128xi32, #tpu.memory_space<vmem>>
      %dma_wait3A_388 = tpu.memref_squeeze %dma_wait3A_387 : memref<1x128xi32, #tpu.memory_space<vmem>> -> memref<128xi32, #tpu.memory_space<vmem>>
      %dma_wait3A_389 = arith.constant 0 : i32
      %dma_wait3A_390 = arith.constant 0 : i32
      %dma_wait3A_391 = tpu.memref_slice %arg18[%dma_wait3A_389, %dma_wait3A_390] : memref<10240x16xf32, #tpu.memory_space<vmem_shared>> -> memref<10240x16xf32, #tpu.memory_space<vmem_shared>>
      tpu.wait_indirect_dma semaphore(%arg20 : memref<!tpu.dma_semaphore, #tpu.memory_space<semaphore_mem>>) src(%dma_wait3A_391 : memref<10240x16xf32, #tpu.memory_space<vmem_shared>>) dst(%arg11 : memref<128x16xf32, #tpu.memory_space<vmem>>)
      %sub3A_392 = arith.constant 3 : i32
      %sub3A_393 = arith.subi %add3A_370, %sub3A_392 : i32
      %dma_start3A_394 = arith.constant 0 : i32
      %dma_start3A_395 = tpu.memref_slice %arg7[%sub3A_393, %dma_start3A_394] : memref<78x128xi32, #tpu.memory_space<vmem>> -> memref<1x128xi32, #tpu.memory_space<vmem>>
      %dma_start3A_396 = tpu.memref_squeeze %dma_start3A_395 : memref<1x128xi32, #tpu.memory_space<vmem>> -> memref<128xi32, #tpu.memory_space<vmem>>
      %dma_start3A_397 = arith.constant 0 : i32
      %dma_start3A_398 = arith.constant 0 : i32
      %dma_start3A_399 = tpu.memref_slice %arg17[%dma_start3A_397, %dma_start3A_398] : memref<10240x16xf32, #tpu.memory_space<vmem_shared>> -> memref<10240x16xf32, #tpu.memory_space<vmem_shared>>
      tpu.enqueue_indirect_dma source(%arg11 : memref<128x16xf32, #tpu.memory_space<vmem>>) target(%dma_start3A_399 : memref<10240x16xf32, #tpu.memory_space<vmem_shared>>) offsets(%dma_start3A_396 : memref<128xi32, #tpu.memory_space<vmem>>) semaphore(%arg26 : memref<!tpu.dma_semaphore, #tpu.memory_space<semaphore_mem>>) {add = true}
      %mul3A_400 = arith.constant 6 : i32
      %mul3A_401 = arith.muli %scan3A_235, %mul3A_400 : i32
      %add3A_402 = arith.constant 5 : i32
      %add3A_403 = arith.addi %mul3A_401, %add3A_402 : i32
      %dma_wait3A_404 = arith.constant 0 : i32
      %dma_wait3A_405 = arith.constant 0 : i32
      %dma_wait3A_406 = tpu.memref_slice %arg7[%dma_wait3A_404, %dma_wait3A_405] : memref<78x128xi32, #tpu.memory_space<vmem>> -> memref<1x128xi32, #tpu.memory_space<vmem>>
      %dma_wait3A_407 = tpu.memref_squeeze %dma_wait3A_406 : memref<1x128xi32, #tpu.memory_space<vmem>> -> memref<128xi32, #tpu.memory_space<vmem>>
      %dma_wait3A_408 = arith.constant 0 : i32
      %dma_wait3A_409 = arith.constant 0 : i32
      %dma_wait3A_410 = tpu.memref_slice %arg17[%dma_wait3A_408, %dma_wait3A_409] : memref<10240x16xf32, #tpu.memory_space<vmem_shared>> -> memref<10240x16xf32, #tpu.memory_space<vmem_shared>>
      tpu.wait_indirect_dma semaphore(%arg30 : memref<!tpu.dma_semaphore, #tpu.memory_space<semaphore_mem>>) src(%arg15 : memref<128x16xf32, #tpu.memory_space<vmem>>) dst(%dma_wait3A_410 : memref<10240x16xf32, #tpu.memory_space<vmem_shared>>)
      %dma_start3A_411 = arith.constant 0 : i32
      %dma_start3A_412 = tpu.memref_slice %arg6[%add3A_403, %dma_start3A_411] : memref<78x128xi32, #tpu.memory_space<vmem>> -> memref<1x128xi32, #tpu.memory_space<vmem>>
      %dma_start3A_413 = tpu.memref_squeeze %dma_start3A_412 : memref<1x128xi32, #tpu.memory_space<vmem>> -> memref<128xi32, #tpu.memory_space<vmem>>
      %dma_start3A_414 = arith.constant 0 : i32
      %dma_start3A_415 = arith.constant 0 : i32
      %dma_start3A_416 = tpu.memref_slice %arg18[%dma_start3A_414, %dma_start3A_415] : memref<10240x16xf32, #tpu.memory_space<vmem_shared>> -> memref<10240x16xf32, #tpu.memory_space<vmem_shared>>
      tpu.enqueue_indirect_dma source(%dma_start3A_416 : memref<10240x16xf32, #tpu.memory_space<vmem_shared>>) target(%arg15 : memref<128x16xf32, #tpu.memory_space<vmem>>) offsets(%dma_start3A_413 : memref<128xi32, #tpu.memory_space<vmem>>) semaphore(%arg24 : memref<!tpu.dma_semaphore, #tpu.memory_space<semaphore_mem>>)
      %sub3A_417 = arith.constant 3 : i32
      %sub3A_418 = arith.subi %add3A_403, %sub3A_417 : i32
      %dma_wait3A_419 = arith.constant 0 : i32
      %dma_wait3A_420 = tpu.memref_slice %arg6[%sub3A_418, %dma_wait3A_419] : memref<78x128xi32, #tpu.memory_space<vmem>> -> memref<1x128xi32, #tpu.memory_space<vmem>>
      %dma_wait3A_421 = tpu.memref_squeeze %dma_wait3A_420 : memref<1x128xi32, #tpu.memory_space<vmem>> -> memref<128xi32, #tpu.memory_space<vmem>>
      %dma_wait3A_422 = arith.constant 0 : i32
      %dma_wait3A_423 = arith.constant 0 : i32
      %dma_wait3A_424 = tpu.memref_slice %arg18[%dma_wait3A_422, %dma_wait3A_423] : memref<10240x16xf32, #tpu.memory_space<vmem_shared>> -> memref<10240x16xf32, #tpu.memory_space<vmem_shared>>
      tpu.wait_indirect_dma semaphore(%arg21 : memref<!tpu.dma_semaphore, #tpu.memory_space<semaphore_mem>>) src(%dma_wait3A_424 : memref<10240x16xf32, #tpu.memory_space<vmem_shared>>) dst(%arg12 : memref<128x16xf32, #tpu.memory_space<vmem>>)
      %sub3A_425 = arith.constant 3 : i32
      %sub3A_426 = arith.subi %add3A_403, %sub3A_425 : i32
      %dma_start3A_427 = arith.constant 0 : i32
      %dma_start3A_428 = tpu.memref_slice %arg7[%sub3A_426, %dma_start3A_427] : memref<78x128xi32, #tpu.memory_space<vmem>> -> memref<1x128xi32, #tpu.memory_space<vmem>>
      %dma_start3A_429 = tpu.memref_squeeze %dma_start3A_428 : memref<1x128xi32, #tpu.memory_space<vmem>> -> memref<128xi32, #tpu.memory_space<vmem>>
      %dma_start3A_430 = arith.constant 0 : i32
      %dma_start3A_431 = arith.constant 0 : i32
      %dma_start3A_432 = tpu.memref_slice %arg17[%dma_start3A_430, %dma_start3A_431] : memref<10240x16xf32, #tpu.memory_space<vmem_shared>> -> memref<10240x16xf32, #tpu.memory_space<vmem_shared>>
      tpu.enqueue_indirect_dma source(%arg12 : memref<128x16xf32, #tpu.memory_space<vmem>>) target(%dma_start3A_432 : memref<10240x16xf32, #tpu.memory_space<vmem_shared>>) offsets(%dma_start3A_429 : memref<128xi32, #tpu.memory_space<vmem>>) semaphore(%arg27 : memref<!tpu.dma_semaphore, #tpu.memory_space<semaphore_mem>>) {add = true}
    }
    %scan3A_143 = arith.constant 12 : i32
    %dma_wait3A_144 = arith.constant 75 : i32
    %dma_wait3A_145 = arith.constant 0 : i32
    %dma_wait3A_146 = tpu.memref_slice %arg6[%dma_wait3A_144, %dma_wait3A_145] : memref<78x128xi32, #tpu.memory_space<vmem>> -> memref<1x128xi32, #tpu.memory_space<vmem>>
    %dma_wait3A_147 = tpu.memref_squeeze %dma_wait3A_146 : memref<1x128xi32, #tpu.memory_space<vmem>> -> memref<128xi32, #tpu.memory_space<vmem>>
    %dma_wait3A_148 = arith.constant 0 : i32
    %dma_wait3A_149 = arith.constant 0 : i32
    %dma_wait3A_150 = tpu.memref_slice %arg18[%dma_wait3A_148, %dma_wait3A_149] : memref<10240x16xf32, #tpu.memory_space<vmem_shared>> -> memref<10240x16xf32, #tpu.memory_space<vmem_shared>>
    tpu.wait_indirect_dma semaphore(%arg22 : memref<!tpu.dma_semaphore, #tpu.memory_space<semaphore_mem>>) src(%dma_wait3A_150 : memref<10240x16xf32, #tpu.memory_space<vmem_shared>>) dst(%arg13 : memref<128x16xf32, #tpu.memory_space<vmem>>)
    %dma_start3A_151 = arith.constant 75 : i32
    %dma_start3A_152 = arith.constant 0 : i32
    %dma_start3A_153 = tpu.memref_slice %arg7[%dma_start3A_151, %dma_start3A_152] : memref<78x128xi32, #tpu.memory_space<vmem>> -> memref<1x128xi32, #tpu.memory_space<vmem>>
    %dma_start3A_154 = tpu.memref_squeeze %dma_start3A_153 : memref<1x128xi32, #tpu.memory_space<vmem>> -> memref<128xi32, #tpu.memory_space<vmem>>
    %dma_start3A_155 = arith.constant 0 : i32
    %dma_start3A_156 = arith.constant 0 : i32
    %dma_start3A_157 = tpu.memref_slice %arg17[%dma_start3A_155, %dma_start3A_156] : memref<10240x16xf32, #tpu.memory_space<vmem_shared>> -> memref<10240x16xf32, #tpu.memory_space<vmem_shared>>
    tpu.enqueue_indirect_dma source(%arg13 : memref<128x16xf32, #tpu.memory_space<vmem>>) target(%dma_start3A_157 : memref<10240x16xf32, #tpu.memory_space<vmem_shared>>) offsets(%dma_start3A_154 : memref<128xi32, #tpu.memory_space<vmem>>) semaphore(%arg28 : memref<!tpu.dma_semaphore, #tpu.memory_space<semaphore_mem>>) {add = true}
    %dma_wait3A_158 = arith.constant 76 : i32
    %dma_wait3A_159 = arith.constant 0 : i32
    %dma_wait3A_160 = tpu.memref_slice %arg6[%dma_wait3A_158, %dma_wait3A_159] : memref<78x128xi32, #tpu.memory_space<vmem>> -> memref<1x128xi32, #tpu.memory_space<vmem>>
    %dma_wait3A_161 = tpu.memref_squeeze %dma_wait3A_160 : memref<1x128xi32, #tpu.memory_space<vmem>> -> memref<128xi32, #tpu.memory_space<vmem>>
    %dma_wait3A_162 = arith.constant 0 : i32
    %dma_wait3A_163 = arith.constant 0 : i32
    %dma_wait3A_164 = tpu.memref_slice %arg18[%dma_wait3A_162, %dma_wait3A_163] : memref<10240x16xf32, #tpu.memory_space<vmem_shared>> -> memref<10240x16xf32, #tpu.memory_space<vmem_shared>>
    tpu.wait_indirect_dma semaphore(%arg23 : memref<!tpu.dma_semaphore, #tpu.memory_space<semaphore_mem>>) src(%dma_wait3A_164 : memref<10240x16xf32, #tpu.memory_space<vmem_shared>>) dst(%arg14 : memref<128x16xf32, #tpu.memory_space<vmem>>)
    %dma_start3A_165 = arith.constant 76 : i32
    %dma_start3A_166 = arith.constant 0 : i32
    %dma_start3A_167 = tpu.memref_slice %arg7[%dma_start3A_165, %dma_start3A_166] : memref<78x128xi32, #tpu.memory_space<vmem>> -> memref<1x128xi32, #tpu.memory_space<vmem>>
    %dma_start3A_168 = tpu.memref_squeeze %dma_start3A_167 : memref<1x128xi32, #tpu.memory_space<vmem>> -> memref<128xi32, #tpu.memory_space<vmem>>
    %dma_start3A_169 = arith.constant 0 : i32
    %dma_start3A_170 = arith.constant 0 : i32
    %dma_start3A_171 = tpu.memref_slice %arg17[%dma_start3A_169, %dma_start3A_170] : memref<10240x16xf32, #tpu.memory_space<vmem_shared>> -> memref<10240x16xf32, #tpu.memory_space<vmem_shared>>
    tpu.enqueue_indirect_dma source(%arg14 : memref<128x16xf32, #tpu.memory_space<vmem>>) target(%dma_start3A_171 : memref<10240x16xf32, #tpu.memory_space<vmem_shared>>) offsets(%dma_start3A_168 : memref<128xi32, #tpu.memory_space<vmem>>) semaphore(%arg29 : memref<!tpu.dma_semaphore, #tpu.memory_space<semaphore_mem>>) {add = true}
    %dma_wait3A_172 = arith.constant 77 : i32
    %dma_wait3A_173 = arith.constant 0 : i32
    %dma_wait3A_174 = tpu.memref_slice %arg6[%dma_wait3A_172, %dma_wait3A_173] : memref<78x128xi32, #tpu.memory_space<vmem>> -> memref<1x128xi32, #tpu.memory_space<vmem>>
    %dma_wait3A_175 = tpu.memref_squeeze %dma_wait3A_174 : memref<1x128xi32, #tpu.memory_space<vmem>> -> memref<128xi32, #tpu.memory_space<vmem>>
    %dma_wait3A_176 = arith.constant 0 : i32
    %dma_wait3A_177 = arith.constant 0 : i32
    %dma_wait3A_178 = tpu.memref_slice %arg18[%dma_wait3A_176, %dma_wait3A_177] : memref<10240x16xf32, #tpu.memory_space<vmem_shared>> -> memref<10240x16xf32, #tpu.memory_space<vmem_shared>>
    tpu.wait_indirect_dma semaphore(%arg24 : memref<!tpu.dma_semaphore, #tpu.memory_space<semaphore_mem>>) src(%dma_wait3A_178 : memref<10240x16xf32, #tpu.memory_space<vmem_shared>>) dst(%arg15 : memref<128x16xf32, #tpu.memory_space<vmem>>)
    %dma_start3A_179 = arith.constant 77 : i32
    %dma_start3A_180 = arith.constant 0 : i32
    %dma_start3A_181 = tpu.memref_slice %arg7[%dma_start3A_179, %dma_start3A_180] : memref<78x128xi32, #tpu.memory_space<vmem>> -> memref<1x128xi32, #tpu.memory_space<vmem>>
    %dma_start3A_182 = tpu.memref_squeeze %dma_start3A_181 : memref<1x128xi32, #tpu.memory_space<vmem>> -> memref<128xi32, #tpu.memory_space<vmem>>
    %dma_start3A_183 = arith.constant 0 : i32
    %dma_start3A_184 = arith.constant 0 : i32
    %dma_start3A_185 = tpu.memref_slice %arg17[%dma_start3A_183, %dma_start3A_184] : memref<10240x16xf32, #tpu.memory_space<vmem_shared>> -> memref<10240x16xf32, #tpu.memory_space<vmem_shared>>
    tpu.enqueue_indirect_dma source(%arg15 : memref<128x16xf32, #tpu.memory_space<vmem>>) target(%dma_start3A_185 : memref<10240x16xf32, #tpu.memory_space<vmem_shared>>) offsets(%dma_start3A_182 : memref<128xi32, #tpu.memory_space<vmem>>) semaphore(%arg30 : memref<!tpu.dma_semaphore, #tpu.memory_space<semaphore_mem>>) {add = true}
    %dma_wait3A_186 = arith.constant 0 : i32
    %dma_wait3A_187 = arith.constant 0 : i32
    %dma_wait3A_188 = tpu.memref_slice %arg7[%dma_wait3A_186, %dma_wait3A_187] : memref<78x128xi32, #tpu.memory_space<vmem>> -> memref<1x128xi32, #tpu.memory_space<vmem>>
    %dma_wait3A_189 = tpu.memref_squeeze %dma_wait3A_188 : memref<1x128xi32, #tpu.memory_space<vmem>> -> memref<128xi32, #tpu.memory_space<vmem>>
    %dma_wait3A_190 = arith.constant 0 : i32
    %dma_wait3A_191 = arith.constant 0 : i32
    %dma_wait3A_192 = tpu.memref_slice %arg17[%dma_wait3A_190, %dma_wait3A_191] : memref<10240x16xf32, #tpu.memory_space<vmem_shared>> -> memref<10240x16xf32, #tpu.memory_space<vmem_shared>>
    tpu.wait_indirect_dma semaphore(%arg25 : memref<!tpu.dma_semaphore, #tpu.memory_space<semaphore_mem>>) src(%arg10 : memref<128x16xf32, #tpu.memory_space<vmem>>) dst(%dma_wait3A_192 : memref<10240x16xf32, #tpu.memory_space<vmem_shared>>)
    %dma_wait3A_193 = arith.constant 0 : i32
    %dma_wait3A_194 = arith.constant 0 : i32
    %dma_wait3A_195 = tpu.memref_slice %arg7[%dma_wait3A_193, %dma_wait3A_194] : memref<78x128xi32, #tpu.memory_space<vmem>> -> memref<1x128xi32, #tpu.memory_space<vmem>>
    %dma_wait3A_196 = tpu.memref_squeeze %dma_wait3A_195 : memref<1x128xi32, #tpu.memory_space<vmem>> -> memref<128xi32, #tpu.memory_space<vmem>>
    %dma_wait3A_197 = arith.constant 0 : i32
    %dma_wait3A_198 = arith.constant 0 : i32
    %dma_wait3A_199 = tpu.memref_slice %arg17[%dma_wait3A_197, %dma_wait3A_198] : memref<10240x16xf32, #tpu.memory_space<vmem_shared>> -> memref<10240x16xf32, #tpu.memory_space<vmem_shared>>
    tpu.wait_indirect_dma semaphore(%arg26 : memref<!tpu.dma_semaphore, #tpu.memory_space<semaphore_mem>>) src(%arg11 : memref<128x16xf32, #tpu.memory_space<vmem>>) dst(%dma_wait3A_199 : memref<10240x16xf32, #tpu.memory_space<vmem_shared>>)
    %dma_wait3A_200 = arith.constant 0 : i32
    %dma_wait3A_201 = arith.constant 0 : i32
    %dma_wait3A_202 = tpu.memref_slice %arg7[%dma_wait3A_200, %dma_wait3A_201] : memref<78x128xi32, #tpu.memory_space<vmem>> -> memref<1x128xi32, #tpu.memory_space<vmem>>
    %dma_wait3A_203 = tpu.memref_squeeze %dma_wait3A_202 : memref<1x128xi32, #tpu.memory_space<vmem>> -> memref<128xi32, #tpu.memory_space<vmem>>
    %dma_wait3A_204 = arith.constant 0 : i32
    %dma_wait3A_205 = arith.constant 0 : i32
    %dma_wait3A_206 = tpu.memref_slice %arg17[%dma_wait3A_204, %dma_wait3A_205] : memref<10240x16xf32, #tpu.memory_space<vmem_shared>> -> memref<10240x16xf32, #tpu.memory_space<vmem_shared>>
    tpu.wait_indirect_dma semaphore(%arg27 : memref<!tpu.dma_semaphore, #tpu.memory_space<semaphore_mem>>) src(%arg12 : memref<128x16xf32, #tpu.memory_space<vmem>>) dst(%dma_wait3A_206 : memref<10240x16xf32, #tpu.memory_space<vmem_shared>>)
    %dma_wait3A_207 = arith.constant 0 : i32
    %dma_wait3A_208 = arith.constant 0 : i32
    %dma_wait3A_209 = tpu.memref_slice %arg7[%dma_wait3A_207, %dma_wait3A_208] : memref<78x128xi32, #tpu.memory_space<vmem>> -> memref<1x128xi32, #tpu.memory_space<vmem>>
    %dma_wait3A_210 = tpu.memref_squeeze %dma_wait3A_209 : memref<1x128xi32, #tpu.memory_space<vmem>> -> memref<128xi32, #tpu.memory_space<vmem>>
    %dma_wait3A_211 = arith.constant 0 : i32
    %dma_wait3A_212 = arith.constant 0 : i32
    %dma_wait3A_213 = tpu.memref_slice %arg17[%dma_wait3A_211, %dma_wait3A_212] : memref<10240x16xf32, #tpu.memory_space<vmem_shared>> -> memref<10240x16xf32, #tpu.memory_space<vmem_shared>>
    tpu.wait_indirect_dma semaphore(%arg28 : memref<!tpu.dma_semaphore, #tpu.memory_space<semaphore_mem>>) src(%arg13 : memref<128x16xf32, #tpu.memory_space<vmem>>) dst(%dma_wait3A_213 : memref<10240x16xf32, #tpu.memory_space<vmem_shared>>)
    %dma_wait3A_214 = arith.constant 0 : i32
    %dma_wait3A_215 = arith.constant 0 : i32
    %dma_wait3A_216 = tpu.memref_slice %arg7[%dma_wait3A_214, %dma_wait3A_215] : memref<78x128xi32, #tpu.memory_space<vmem>> -> memref<1x128xi32, #tpu.memory_space<vmem>>
    %dma_wait3A_217 = tpu.memref_squeeze %dma_wait3A_216 : memref<1x128xi32, #tpu.memory_space<vmem>> -> memref<128xi32, #tpu.memory_space<vmem>>
    %dma_wait3A_218 = arith.constant 0 : i32
    %dma_wait3A_219 = arith.constant 0 : i32
    %dma_wait3A_220 = tpu.memref_slice %arg17[%dma_wait3A_218, %dma_wait3A_219] : memref<10240x16xf32, #tpu.memory_space<vmem_shared>> -> memref<10240x16xf32, #tpu.memory_space<vmem_shared>>
    tpu.wait_indirect_dma semaphore(%arg29 : memref<!tpu.dma_semaphore, #tpu.memory_space<semaphore_mem>>) src(%arg14 : memref<128x16xf32, #tpu.memory_space<vmem>>) dst(%dma_wait3A_220 : memref<10240x16xf32, #tpu.memory_space<vmem_shared>>)
    %dma_wait3A_221 = arith.constant 0 : i32
    %dma_wait3A_222 = arith.constant 0 : i32
    %dma_wait3A_223 = tpu.memref_slice %arg7[%dma_wait3A_221, %dma_wait3A_222] : memref<78x128xi32, #tpu.memory_space<vmem>> -> memref<1x128xi32, #tpu.memory_space<vmem>>
    %dma_wait3A_224 = tpu.memref_squeeze %dma_wait3A_223 : memref<1x128xi32, #tpu.memory_space<vmem>> -> memref<128xi32, #tpu.memory_space<vmem>>
    %dma_wait3A_225 = arith.constant 0 : i32
    %dma_wait3A_226 = arith.constant 0 : i32
    %dma_wait3A_227 = tpu.memref_slice %arg17[%dma_wait3A_225, %dma_wait3A_226] : memref<10240x16xf32, #tpu.memory_space<vmem_shared>> -> memref<10240x16xf32, #tpu.memory_space<vmem_shared>>
    tpu.wait_indirect_dma semaphore(%arg30 : memref<!tpu.dma_semaphore, #tpu.memory_space<semaphore_mem>>) src(%arg15 : memref<128x16xf32, #tpu.memory_space<vmem>>) dst(%dma_wait3A_227 : memref<10240x16xf32, #tpu.memory_space<vmem_shared>>)
    %lt3A = arith.constant 4 : i32
    %lt3A_228 = arith.cmpi slt, %add3A, %lt3A : i32
    %convert_element_type3A = arith.extui %lt3A_228 : i1 to i32
    %cond3A = arith.constant 0 : i32
    %cond3A_229 = arith.cmpi ne, %convert_element_type3A, %cond3A : i32
    scf.if %cond3A_229 {
      %add3A_235 = arith.constant 2496 : i32
      %add3A_236 = arith.addi %add3A_235, %add3A : i32
      %run_scoped3A = arith.constant 0 : i32
      "tpu.region"() ({
        %run_scoped3A_255 = tpu.sem_alloc : memref<!tpu.dma_semaphore, #tpu.memory_space<semaphore_mem>>
        %dma_start3A_256 = arith.constant 0 : i32
        %dma_start3A_257 = tpu.memref_slice %arg3[%run_scoped3A, %add3A_236, %dma_start3A_256] : memref<2x2500x128xi32, #tpu.memory_space<hbm>> -> memref<1x1x128xi32, #tpu.memory_space<hbm>>
        %dma_start3A_258 = tpu.memref_squeeze %dma_start3A_257 : memref<1x1x128xi32, #tpu.memory_space<hbm>> -> memref<1x128xi32, #tpu.memory_space<hbm>>
        %dma_start3A_259 = arith.constant 0 : i32
        %dma_start3A_260 = tpu.memref_slice %arg3[%run_scoped3A, %add3A_236, %dma_start3A_259] : memref<2x2500x128xi32, #tpu.memory_space<hbm>> -> memref<1x1x128xi32, #tpu.memory_space<hbm>>
        %dma_start3A_261 = tpu.memref_squeeze %dma_start3A_260 : memref<1x1x128xi32, #tpu.memory_space<hbm>> -> memref<1x128xi32, #tpu.memory_space<hbm>>
        tpu.enqueue_dma source(%dma_start3A_261 : memref<1x128xi32, #tpu.memory_space<hbm>>) target(%arg8 : memref<1x128xi32, #tpu.memory_space<vmem>>) target_semaphore(%run_scoped3A_255 : memref<!tpu.dma_semaphore, #tpu.memory_space<semaphore_mem>>)
        %dma_wait3A_262 = arith.constant 0 : i32
        %dma_wait3A_263 = tpu.memref_slice %arg3[%run_scoped3A, %add3A_236, %dma_wait3A_262] : memref<2x2500x128xi32, #tpu.memory_space<hbm>> -> memref<1x1x128xi32, #tpu.memory_space<hbm>>
        %dma_wait3A_264 = tpu.memref_squeeze %dma_wait3A_263 : memref<1x1x128xi32, #tpu.memory_space<hbm>> -> memref<1x128xi32, #tpu.memory_space<hbm>>
        %dma_wait3A_265 = arith.constant 0 : i32
        %dma_wait3A_266 = tpu.memref_slice %arg3[%run_scoped3A, %add3A_236, %dma_wait3A_265] : memref<2x2500x128xi32, #tpu.memory_space<hbm>> -> memref<1x1x128xi32, #tpu.memory_space<hbm>>
        %dma_wait3A_267 = tpu.memref_squeeze %dma_wait3A_266 : memref<1x1x128xi32, #tpu.memory_space<hbm>> -> memref<1x128xi32, #tpu.memory_space<hbm>>
        tpu.wait_dma2 semaphore(%run_scoped3A_255 : memref<!tpu.dma_semaphore, #tpu.memory_space<semaphore_mem>>) src(%dma_wait3A_267 : memref<1x128xi32, #tpu.memory_space<hbm>>) dst(%arg8 : memref<1x128xi32, #tpu.memory_space<vmem>>)
        tpu.yield
      }) : () -> ()
      %add3A_237 = arith.constant 2496 : i32
      %add3A_238 = arith.addi %add3A_237, %add3A : i32
      %run_scoped3A_239 = arith.constant 1 : i32
      "tpu.region"() ({
        %run_scoped3A_255 = tpu.sem_alloc : memref<!tpu.dma_semaphore, #tpu.memory_space<semaphore_mem>>
        %dma_start3A_256 = arith.constant 0 : i32
        %dma_start3A_257 = tpu.memref_slice %arg3[%run_scoped3A_239, %add3A_238, %dma_start3A_256] : memref<2x2500x128xi32, #tpu.memory_space<hbm>> -> memref<1x1x128xi32, #tpu.memory_space<hbm>>
        %dma_start3A_258 = tpu.memref_squeeze %dma_start3A_257 : memref<1x1x128xi32, #tpu.memory_space<hbm>> -> memref<1x128xi32, #tpu.memory_space<hbm>>
        %dma_start3A_259 = arith.constant 0 : i32
        %dma_start3A_260 = tpu.memref_slice %arg3[%run_scoped3A_239, %add3A_238, %dma_start3A_259] : memref<2x2500x128xi32, #tpu.memory_space<hbm>> -> memref<1x1x128xi32, #tpu.memory_space<hbm>>
        %dma_start3A_261 = tpu.memref_squeeze %dma_start3A_260 : memref<1x1x128xi32, #tpu.memory_space<hbm>> -> memref<1x128xi32, #tpu.memory_space<hbm>>
        tpu.enqueue_dma source(%dma_start3A_261 : memref<1x128xi32, #tpu.memory_space<hbm>>) target(%arg9 : memref<1x128xi32, #tpu.memory_space<vmem>>) target_semaphore(%run_scoped3A_255 : memref<!tpu.dma_semaphore, #tpu.memory_space<semaphore_mem>>)
        %dma_wait3A_262 = arith.constant 0 : i32
        %dma_wait3A_263 = tpu.memref_slice %arg3[%run_scoped3A_239, %add3A_238, %dma_wait3A_262] : memref<2x2500x128xi32, #tpu.memory_space<hbm>> -> memref<1x1x128xi32, #tpu.memory_space<hbm>>
        %dma_wait3A_264 = tpu.memref_squeeze %dma_wait3A_263 : memref<1x1x128xi32, #tpu.memory_space<hbm>> -> memref<1x128xi32, #tpu.memory_space<hbm>>
        %dma_wait3A_265 = arith.constant 0 : i32
        %dma_wait3A_266 = tpu.memref_slice %arg3[%run_scoped3A_239, %add3A_238, %dma_wait3A_265] : memref<2x2500x128xi32, #tpu.memory_space<hbm>> -> memref<1x1x128xi32, #tpu.memory_space<hbm>>
        %dma_wait3A_267 = tpu.memref_squeeze %dma_wait3A_266 : memref<1x1x128xi32, #tpu.memory_space<hbm>> -> memref<1x128xi32, #tpu.memory_space<hbm>>
        tpu.wait_dma2 semaphore(%run_scoped3A_255 : memref<!tpu.dma_semaphore, #tpu.memory_space<semaphore_mem>>) src(%dma_wait3A_267 : memref<1x128xi32, #tpu.memory_space<hbm>>) dst(%arg9 : memref<1x128xi32, #tpu.memory_space<vmem>>)
        tpu.yield
      }) : () -> ()
      %dma_start3A_240 = arith.constant 0 : i32
      %dma_start3A_241 = arith.constant 0 : i32
      %dma_start3A_242 = tpu.memref_slice %arg8[%dma_start3A_240, %dma_start3A_241] : memref<1x128xi32, #tpu.memory_space<vmem>> -> memref<1x128xi32, #tpu.memory_space<vmem>>
      %dma_start3A_243 = tpu.memref_squeeze %dma_start3A_242 : memref<1x128xi32, #tpu.memory_space<vmem>> -> memref<128xi32, #tpu.memory_space<vmem>>
      %dma_start3A_244 = arith.constant 0 : i32
      %dma_start3A_245 = arith.constant 0 : i32
      %dma_start3A_246 = tpu.memref_slice %arg18[%dma_start3A_244, %dma_start3A_245] : memref<10240x16xf32, #tpu.memory_space<vmem_shared>> -> memref<10240x16xf32, #tpu.memory_space<vmem_shared>>
      tpu.enqueue_indirect_dma source(%dma_start3A_246 : memref<10240x16xf32, #tpu.memory_space<vmem_shared>>) target(%arg16 : memref<128x16xf32, #tpu.memory_space<vmem>>) offsets(%dma_start3A_243 : memref<128xi32, #tpu.memory_space<vmem>>) semaphore(%arg31 : memref<!tpu.dma_semaphore, #tpu.memory_space<semaphore_mem>>)
      %dma_wait3A_247 = arith.constant 0 : i32
      %dma_wait3A_248 = arith.constant 0 : i32
      %dma_wait3A_249 = tpu.memref_slice %arg8[%dma_wait3A_247, %dma_wait3A_248] : memref<1x128xi32, #tpu.memory_space<vmem>> -> memref<1x128xi32, #tpu.memory_space<vmem>>
      %dma_wait3A_250 = tpu.memref_squeeze %dma_wait3A_249 : memref<1x128xi32, #tpu.memory_space<vmem>> -> memref<128xi32, #tpu.memory_space<vmem>>
      %dma_wait3A_251 = arith.constant 0 : i32
      %dma_wait3A_252 = arith.constant 0 : i32
      %dma_wait3A_253 = tpu.memref_slice %arg18[%dma_wait3A_251, %dma_wait3A_252] : memref<10240x16xf32, #tpu.memory_space<vmem_shared>> -> memref<10240x16xf32, #tpu.memory_space<vmem_shared>>
      tpu.wait_indirect_dma semaphore(%arg31 : memref<!tpu.dma_semaphore, #tpu.memory_space<semaphore_mem>>) src(%dma_wait3A_253 : memref<10240x16xf32, #tpu.memory_space<vmem_shared>>) dst(%arg16 : memref<128x16xf32, #tpu.memory_space<vmem>>)
      %run_scoped3A_254 = arith.constant 0 : i32
      "tpu.region"() ({
        %run_scoped3A_255 = tpu.sem_alloc : memref<!tpu.dma_semaphore, #tpu.memory_space<semaphore_mem>>
        %dma_start3A_256 = arith.constant 0 : i32
        %dma_start3A_257 = tpu.memref_slice %arg9[%run_scoped3A_254, %dma_start3A_256] : memref<1x128xi32, #tpu.memory_space<vmem>> -> memref<1x128xi32, #tpu.memory_space<vmem>>
        %dma_start3A_258 = tpu.memref_squeeze %dma_start3A_257 : memref<1x128xi32, #tpu.memory_space<vmem>> -> memref<128xi32, #tpu.memory_space<vmem>>
        %dma_start3A_259 = arith.constant 0 : i32
        %dma_start3A_260 = arith.constant 0 : i32
        %dma_start3A_261 = tpu.memref_slice %arg17[%dma_start3A_259, %dma_start3A_260] : memref<10240x16xf32, #tpu.memory_space<vmem_shared>> -> memref<10240x16xf32, #tpu.memory_space<vmem_shared>>
        tpu.enqueue_indirect_dma source(%arg16 : memref<128x16xf32, #tpu.memory_space<vmem>>) target(%dma_start3A_261 : memref<10240x16xf32, #tpu.memory_space<vmem_shared>>) offsets(%dma_start3A_258 : memref<128xi32, #tpu.memory_space<vmem>>) semaphore(%run_scoped3A_255 : memref<!tpu.dma_semaphore, #tpu.memory_space<semaphore_mem>>) {add = true}
        %dma_wait3A_262 = arith.constant 0 : i32
        %dma_wait3A_263 = tpu.memref_slice %arg9[%run_scoped3A_254, %dma_wait3A_262] : memref<1x128xi32, #tpu.memory_space<vmem>> -> memref<1x128xi32, #tpu.memory_space<vmem>>
        %dma_wait3A_264 = tpu.memref_squeeze %dma_wait3A_263 : memref<1x128xi32, #tpu.memory_space<vmem>> -> memref<128xi32, #tpu.memory_space<vmem>>
        %dma_wait3A_265 = arith.constant 0 : i32
        %dma_wait3A_266 = arith.constant 0 : i32
        %dma_wait3A_267 = tpu.memref_slice %arg17[%dma_wait3A_265, %dma_wait3A_266] : memref<10240x16xf32, #tpu.memory_space<vmem_shared>> -> memref<10240x16xf32, #tpu.memory_space<vmem_shared>>
        tpu.wait_indirect_dma semaphore(%run_scoped3A_255 : memref<!tpu.dma_semaphore, #tpu.memory_space<semaphore_mem>>) src(%arg16 : memref<128x16xf32, #tpu.memory_space<vmem>>) dst(%dma_wait3A_267 : memref<10240x16xf32, #tpu.memory_space<vmem_shared>>)
        tpu.yield
      }) : () -> ()
    } else {
    }
    %barrier3A_230 = arith.constant 0 : index
    tpu.barrier barrier_id(%barrier3A_230)
    %mul3A_231 = arith.constant 640 : i32
    %mul3A_232 = arith.muli %arg1, %mul3A_231 : i32
    %mul3A_233 = arith.constant 640 : i32
    %mul3A_234 = arith.muli %arg1, %mul3A_233 : i32
    "tpu.region"() ({
      %run_scoped3A = tpu.sem_alloc : memref<!tpu.dma_semaphore, #tpu.memory_space<semaphore_mem>>
      %dma_start3A_235 = arith.constant 0 : i32
      %dma_start3A_236 = tpu.memref_slice %arg5[%arg0, %mul3A_234, %dma_start3A_235] : memref<2x10240x16xf32, #tpu.memory_space<hbm>> -> memref<1x640x16xf32, #tpu.memory_space<hbm>>
      %dma_start3A_237 = tpu.memref_squeeze %dma_start3A_236 : memref<1x640x16xf32, #tpu.memory_space<hbm>> -> memref<640x16xf32, #tpu.memory_space<hbm>>
      %dma_start3A_238 = arith.constant 0 : i32
      %dma_start3A_239 = tpu.memref_slice %arg17[%mul3A_232, %dma_start3A_238] : memref<10240x16xf32, #tpu.memory_space<vmem_shared>> -> memref<640x16xf32, #tpu.memory_space<vmem_shared>>
      tpu.enqueue_dma source(%dma_start3A_239 : memref<640x16xf32, #tpu.memory_space<vmem_shared>>) target(%dma_start3A_237 : memref<640x16xf32, #tpu.memory_space<hbm>>) target_semaphore(%run_scoped3A : memref<!tpu.dma_semaphore, #tpu.memory_space<semaphore_mem>>)
      %dma_wait3A_240 = arith.constant 0 : i32
      %dma_wait3A_241 = tpu.memref_slice %arg5[%arg0, %mul3A_234, %dma_wait3A_240] : memref<2x10240x16xf32, #tpu.memory_space<hbm>> -> memref<1x640x16xf32, #tpu.memory_space<hbm>>
      %dma_wait3A_242 = tpu.memref_squeeze %dma_wait3A_241 : memref<1x640x16xf32, #tpu.memory_space<hbm>> -> memref<640x16xf32, #tpu.memory_space<hbm>>
      %dma_wait3A_243 = arith.constant 0 : i32
      %dma_wait3A_244 = tpu.memref_slice %arg17[%mul3A_232, %dma_wait3A_243] : memref<10240x16xf32, #tpu.memory_space<vmem_shared>> -> memref<640x16xf32, #tpu.memory_space<vmem_shared>>
      tpu.wait_dma2 semaphore(%run_scoped3A : memref<!tpu.dma_semaphore, #tpu.memory_space<semaphore_mem>>) src(%dma_wait3A_244 : memref<640x16xf32, #tpu.memory_space<vmem_shared>>) dst(%dma_wait3A_242 : memref<640x16xf32, #tpu.memory_space<hbm>>)
      tpu.yield
    }) : () -> ()
    return
  }
}

module attributes {stable_mosaic.version = 14 : i64} {
  func.func @body(%arg0: i32, %arg1: memref<1000x128xf32, #tpu.memory_space<vmem>>, %arg2: memref<1000x2xf32, #tpu.memory_space<vmem>>, %arg3: memref<128x16xf32, #tpu.memory_space<vmem>>, %arg4: memref<1000x16xf32, #tpu.memory_space<vmem>>, %arg5: memref<1000x1xf32, #tpu.memory_space<vmem>>) attributes {dimension_semantics = [#tpu.dimension_semantics<arbitrary>], iteration_bounds = array<i64: 10>, scalar_prefetch = 0 : i64, scratch_operands = 0 : i64, tpu.core_type = #tpu.core_type<tc>, window_params = [{transform_indices = @transform_0, window_bounds = array<i64: 1000, 128>}, {transform_indices = @transform_1, window_bounds = array<i64: 1000, 2>}, {pipeline_mode = #tpu.pipeline_mode<synchronous>, transform_indices = @transform_2, window_bounds = array<i64: 128, 16>}, {transform_indices = @transform_3, window_bounds = array<i64: 1000, 16>}, {transform_indices = @transform_4, window_bounds = array<i64: 1000, 1>}]} {
    %get3A = arith.constant 0 : index
    %get3A_0 = arith.constant 0 : index
    %get3A_1 = vector.load %arg2[%get3A, %get3A_0] : memref<1000x2xf32, #tpu.memory_space<vmem>>, vector<1000x1xf32>
    %get3A_2 = arith.constant 0 : index
    %get3A_3 = arith.constant 1 : index
    %get3A_4 = vector.load %arg2[%get3A_2, %get3A_3] : memref<1000x2xf32, #tpu.memory_space<vmem>>, vector<1000x1xf32>
    %add3A = arith.addf %get3A_1, %get3A_4 : vector<1000x1xf32>
    %add3A_5 = arith.constant 1.000000e+00 : f32
    %add3A_6 = vector.broadcast %add3A_5 : f32 to vector<1000x1xf32>
    %add3A_7 = arith.addf %add3A, %add3A_6 : vector<1000x1xf32>
    %rsqrt3A = math.rsqrt %add3A_7 : vector<1000x1xf32>
    %get3A_8 = arith.constant 0 : index
    %get3A_9 = arith.constant 0 : index
    %get3A_10 = vector.load %arg1[%get3A_8, %get3A_9] : memref<1000x128xf32, #tpu.memory_space<vmem>>, vector<1000x128xf32>
    %get3A_11 = arith.constant 0 : index
    %get3A_12 = arith.constant 0 : index
    %get3A_13 = vector.load %arg3[%get3A_11, %get3A_12] : memref<128x16xf32, #tpu.memory_space<vmem>>, vector<128x16xf32>
    %dot_general3A = arith.constant dense<0.000000e+00> : vector<1000x16xf32>
    %dot_general3A_14 = tpu.matmul %get3A_10, %get3A_13, %dot_general3A {dimension_numbers = #tpu.dot_dimension_numbers<[1], [0], [0], [1], [0, 0, 1, 1], [], []>, transpose_lhs_hint = false} : vector<1000x128xf32>, vector<128x16xf32>, vector<1000x16xf32> -> vector<1000x16xf32>
    %mul3A = vector.broadcast %rsqrt3A : vector<1000x1xf32> to vector<1000x16xf32>
    %mul3A_15 = arith.mulf %dot_general3A_14, %mul3A : vector<1000x16xf32>
    %swap3A = arith.constant 0 : index
    %swap3A_16 = arith.constant 0 : index
    %swap3A_17 = vector.load %arg4[%swap3A, %swap3A_16] : memref<1000x16xf32, #tpu.memory_space<vmem>>, vector<1000x16xf32>
    tpu.vector_store %arg4[%swap3A, %swap3A_16], %mul3A_15 {strides = array<i32>} : memref<1000x16xf32, #tpu.memory_space<vmem>>, vector<1000x16xf32>,
    %swap3A_18 = arith.constant 0 : index
    %swap3A_19 = arith.constant 0 : index
    %swap3A_20 = vector.load %arg5[%swap3A_18, %swap3A_19] : memref<1000x1xf32, #tpu.memory_space<vmem>>, vector<1000x1xf32>
    tpu.vector_store %arg5[%swap3A_18, %swap3A_19], %rsqrt3A {strides = array<i32>} : memref<1000x1xf32, #tpu.memory_space<vmem>>, vector<1000x1xf32>,
    return
  }
  func.func @transform_0(%arg0: i32) -> (i32, i32) {
    %c0_i32 = arith.constant 0 : i32
    %c0_i32_0 = arith.constant 0 : i32
    return %arg0, %c0_i32 : i32, i32
  }
  func.func @transform_1(%arg0: i32) -> (i32, i32) {
    %c0_i32 = arith.constant 0 : i32
    %c0_i32_0 = arith.constant 0 : i32
    return %arg0, %c0_i32 : i32, i32
  }
  func.func @transform_2(%arg0: i32) -> (i32, i32) {
    %c0_i32 = arith.constant 0 : i32
    %c0_i32_0 = arith.constant 0 : i32
    %c0_i32_1 = arith.constant 0 : i32
    return %c0_i32, %c0_i32_0 : i32, i32
  }
  func.func @transform_3(%arg0: i32) -> (i32, i32) {
    %c0_i32 = arith.constant 0 : i32
    %c0_i32_0 = arith.constant 0 : i32
    return %arg0, %c0_i32 : i32, i32
  }
  func.func @transform_4(%arg0: i32) -> (i32, i32) {
    %c0_i32 = arith.constant 0 : i32
    %c0_i32_0 = arith.constant 0 : i32
    return %arg0, %c0_i32 : i32, i32
  }
}

module attributes {stable_mosaic.version = 14 : i64} {
  func.func @body(%arg0: i32, %arg1: memref<2x1000x16xf32, #tpu.memory_space<vmem>>, %arg2: memref<1000x16xf32, #tpu.memory_space<vmem>>, %arg3: memref<1000x1xf32, #tpu.memory_space<vmem>>, %arg4: memref<1x16xf32, #tpu.memory_space<vmem>>, %arg5: memref<16x32xf32, #tpu.memory_space<vmem>>, %arg6: memref<1000x32xf32, #tpu.memory_space<vmem>>) attributes {dimension_semantics = [#tpu.dimension_semantics<arbitrary>], iteration_bounds = array<i64: 10>, scalar_prefetch = 0 : i64, scratch_operands = 0 : i64, tpu.core_type = #tpu.core_type<tc>, window_params = [{transform_indices = @transform_0, window_bounds = array<i64: 2, 1000, 16>}, {transform_indices = @transform_1, window_bounds = array<i64: 1000, 16>}, {transform_indices = @transform_2, window_bounds = array<i64: 1000, 1>}, {pipeline_mode = #tpu.pipeline_mode<synchronous>, transform_indices = @transform_3, window_bounds = array<i64: 1, 16>}, {pipeline_mode = #tpu.pipeline_mode<synchronous>, transform_indices = @transform_4, window_bounds = array<i64: 16, 32>}, {transform_indices = @transform_5, window_bounds = array<i64: 1000, 32>}]} {
    %get3A = arith.constant 0 : index
    %get3A_0 = arith.constant 0 : index
    %get3A_1 = arith.constant 0 : index
    %get3A_2 = vector.load %arg1[%get3A, %get3A_0, %get3A_1] : memref<2x1000x16xf32, #tpu.memory_space<vmem>>, vector<1x1000x16xf32>
    %get3A_3 = vector.shape_cast %get3A_2 : vector<1x1000x16xf32> to vector<1000x16xf32>
    %get3A_4 = arith.constant 1 : index
    %get3A_5 = arith.constant 0 : index
    %get3A_6 = arith.constant 0 : index
    %get3A_7 = vector.load %arg1[%get3A_4, %get3A_5, %get3A_6] : memref<2x1000x16xf32, #tpu.memory_space<vmem>>, vector<1x1000x16xf32>
    %get3A_8 = vector.shape_cast %get3A_7 : vector<1x1000x16xf32> to vector<1000x16xf32>
    %add3A = arith.addf %get3A_3, %get3A_8 : vector<1000x16xf32>
    %get3A_9 = arith.constant 0 : index
    %get3A_10 = arith.constant 0 : index
    %get3A_11 = vector.load %arg2[%get3A_9, %get3A_10] : memref<1000x16xf32, #tpu.memory_space<vmem>>, vector<1000x16xf32>
    %add3A_12 = arith.addf %add3A, %get3A_11 : vector<1000x16xf32>
    %get3A_13 = arith.constant 0 : index
    %get3A_14 = arith.constant 0 : index
    %get3A_15 = vector.load %arg3[%get3A_13, %get3A_14] : memref<1000x1xf32, #tpu.memory_space<vmem>>, vector<1000x1xf32>
    %mul3A = vector.broadcast %get3A_15 : vector<1000x1xf32> to vector<1000x16xf32>
    %mul3A_16 = arith.mulf %add3A_12, %mul3A : vector<1000x16xf32>
    %get3A_17 = arith.constant 0 : index
    %get3A_18 = arith.constant 0 : index
    %get3A_19 = vector.load %arg4[%get3A_17, %get3A_18] : memref<1x16xf32, #tpu.memory_space<vmem>>, vector<1x16xf32>
    %add3A_20 = vector.broadcast %get3A_19 : vector<1x16xf32> to vector<1000x16xf32>
    %add3A_21 = arith.addf %mul3A_16, %add3A_20 : vector<1000x16xf32>
    %max3A = arith.constant 0.000000e+00 : f32
    %max3A_22 = vector.broadcast %max3A : f32 to vector<1000x16xf32>
    %max3A_23 = arith.maximumf %add3A_21, %max3A_22 : vector<1000x16xf32>
    %get3A_24 = arith.constant 0 : index
    %get3A_25 = arith.constant 0 : index
    %get3A_26 = vector.load %arg5[%get3A_24, %get3A_25] : memref<16x32xf32, #tpu.memory_space<vmem>>, vector<16x32xf32>
    %dot_general3A = arith.constant dense<0.000000e+00> : vector<1000x32xf32>
    %dot_general3A_27 = tpu.matmul %max3A_23, %get3A_26, %dot_general3A {dimension_numbers = #tpu.dot_dimension_numbers<[1], [0], [0], [1], [0, 0, 1, 1], [], []>, transpose_lhs_hint = false} : vector<1000x16xf32>, vector<16x32xf32>, vector<1000x32xf32> -> vector<1000x32xf32>
    %get3A_28 = arith.constant 0 : index
    %get3A_29 = arith.constant 0 : index
    %get3A_30 = vector.load %arg3[%get3A_28, %get3A_29] : memref<1000x1xf32, #tpu.memory_space<vmem>>, vector<1000x1xf32>
    %mul3A_31 = vector.broadcast %get3A_30 : vector<1000x1xf32> to vector<1000x32xf32>
    %mul3A_32 = arith.mulf %dot_general3A_27, %mul3A_31 : vector<1000x32xf32>
    %swap3A = arith.constant 0 : index
    %swap3A_33 = arith.constant 0 : index
    %swap3A_34 = vector.load %arg6[%swap3A, %swap3A_33] : memref<1000x32xf32, #tpu.memory_space<vmem>>, vector<1000x32xf32>
    tpu.vector_store %arg6[%swap3A, %swap3A_33], %mul3A_32 {strides = array<i32>} : memref<1000x32xf32, #tpu.memory_space<vmem>>, vector<1000x32xf32>,
    return
  }
  func.func @transform_0(%arg0: i32) -> (i32, i32, i32) {
    %c0_i32 = arith.constant 0 : i32
    %c0_i32_0 = arith.constant 0 : i32
    %c0_i32_1 = arith.constant 0 : i32
    return %c0_i32, %arg0, %c0_i32_0 : i32, i32, i32
  }
  func.func @transform_1(%arg0: i32) -> (i32, i32) {
    %c0_i32 = arith.constant 0 : i32
    %c0_i32_0 = arith.constant 0 : i32
    return %arg0, %c0_i32 : i32, i32
  }
  func.func @transform_2(%arg0: i32) -> (i32, i32) {
    %c0_i32 = arith.constant 0 : i32
    %c0_i32_0 = arith.constant 0 : i32
    return %arg0, %c0_i32 : i32, i32
  }
  func.func @transform_3(%arg0: i32) -> (i32, i32) {
    %c0_i32 = arith.constant 0 : i32
    %c0_i32_0 = arith.constant 0 : i32
    %c0_i32_1 = arith.constant 0 : i32
    return %c0_i32, %c0_i32_0 : i32, i32
  }
  func.func @transform_4(%arg0: i32) -> (i32, i32) {
    %c0_i32 = arith.constant 0 : i32
    %c0_i32_0 = arith.constant 0 : i32
    %c0_i32_1 = arith.constant 0 : i32
    return %c0_i32, %c0_i32_0 : i32, i32
  }
  func.func @transform_5(%arg0: i32) -> (i32, i32) {
    %c0_i32 = arith.constant 0 : i32
    %c0_i32_0 = arith.constant 0 : i32
    return %arg0, %c0_i32 : i32, i32
  }
}

module attributes {stable_mosaic.version = 14 : i64} {
  func.func @body(%arg0: i32, %arg1: memref<2x1000x32xf32, #tpu.memory_space<vmem>>, %arg2: memref<1000x32xf32, #tpu.memory_space<vmem>>, %arg3: memref<1000x1xf32, #tpu.memory_space<vmem>>, %arg4: memref<1x32xf32, #tpu.memory_space<vmem>>, %arg5: memref<1000x32xf32, #tpu.memory_space<vmem>>) attributes {dimension_semantics = [#tpu.dimension_semantics<arbitrary>], iteration_bounds = array<i64: 10>, scalar_prefetch = 0 : i64, scratch_operands = 0 : i64, tpu.core_type = #tpu.core_type<tc>, window_params = [{transform_indices = @transform_0, window_bounds = array<i64: 2, 1000, 32>}, {transform_indices = @transform_1, window_bounds = array<i64: 1000, 32>}, {transform_indices = @transform_2, window_bounds = array<i64: 1000, 1>}, {pipeline_mode = #tpu.pipeline_mode<synchronous>, transform_indices = @transform_3, window_bounds = array<i64: 1, 32>}, {transform_indices = @transform_4, window_bounds = array<i64: 1000, 32>}]} {
    %get3A = arith.constant 0 : index
    %get3A_0 = arith.constant 0 : index
    %get3A_1 = arith.constant 0 : index
    %get3A_2 = vector.load %arg1[%get3A, %get3A_0, %get3A_1] : memref<2x1000x32xf32, #tpu.memory_space<vmem>>, vector<1x1000x32xf32>
    %get3A_3 = vector.shape_cast %get3A_2 : vector<1x1000x32xf32> to vector<1000x32xf32>
    %get3A_4 = arith.constant 1 : index
    %get3A_5 = arith.constant 0 : index
    %get3A_6 = arith.constant 0 : index
    %get3A_7 = vector.load %arg1[%get3A_4, %get3A_5, %get3A_6] : memref<2x1000x32xf32, #tpu.memory_space<vmem>>, vector<1x1000x32xf32>
    %get3A_8 = vector.shape_cast %get3A_7 : vector<1x1000x32xf32> to vector<1000x32xf32>
    %add3A = arith.addf %get3A_3, %get3A_8 : vector<1000x32xf32>
    %get3A_9 = arith.constant 0 : index
    %get3A_10 = arith.constant 0 : index
    %get3A_11 = vector.load %arg2[%get3A_9, %get3A_10] : memref<1000x32xf32, #tpu.memory_space<vmem>>, vector<1000x32xf32>
    %add3A_12 = arith.addf %add3A, %get3A_11 : vector<1000x32xf32>
    %get3A_13 = arith.constant 0 : index
    %get3A_14 = arith.constant 0 : index
    %get3A_15 = vector.load %arg3[%get3A_13, %get3A_14] : memref<1000x1xf32, #tpu.memory_space<vmem>>, vector<1000x1xf32>
    %mul3A = vector.broadcast %get3A_15 : vector<1000x1xf32> to vector<1000x32xf32>
    %mul3A_16 = arith.mulf %add3A_12, %mul3A : vector<1000x32xf32>
    %get3A_17 = arith.constant 0 : index
    %get3A_18 = arith.constant 0 : index
    %get3A_19 = vector.load %arg4[%get3A_17, %get3A_18] : memref<1x32xf32, #tpu.memory_space<vmem>>, vector<1x32xf32>
    %add3A_20 = vector.broadcast %get3A_19 : vector<1x32xf32> to vector<1000x32xf32>
    %add3A_21 = arith.addf %mul3A_16, %add3A_20 : vector<1000x32xf32>
    %reduce_max3A = arith.constant dense<0xFF800000> : vector<1000xf32>
    %reduce_max3A_22 = vector.multi_reduction <maximumf>, %add3A_21, %reduce_max3A [1] : vector<1000x32xf32> to vector<1000xf32>
    %broadcast_in_dim3A = vector.shape_cast %reduce_max3A_22 : vector<1000xf32> to vector<1000x1xf32>
    %sub3A = vector.broadcast %broadcast_in_dim3A : vector<1000x1xf32> to vector<1000x32xf32>
    %sub3A_23 = arith.subf %add3A_21, %sub3A : vector<1000x32xf32>
    %exp3A = math.exp %sub3A_23 : vector<1000x32xf32>
    %reduce_sum3A = arith.constant dense<0.000000e+00> : vector<1000xf32>
    %reduce_sum3A_24 = vector.multi_reduction <add>, %exp3A, %reduce_sum3A [1] : vector<1000x32xf32> to vector<1000xf32>
    %broadcast_in_dim3A_25 = vector.shape_cast %reduce_sum3A_24 : vector<1000xf32> to vector<1000x1xf32>
    %log3A = math.log %broadcast_in_dim3A_25 : vector<1000x1xf32>
    %sub3A_26 = vector.broadcast %broadcast_in_dim3A : vector<1000x1xf32> to vector<1000x32xf32>
    %sub3A_27 = arith.subf %add3A_21, %sub3A_26 : vector<1000x32xf32>
    %sub3A_28 = vector.broadcast %log3A : vector<1000x1xf32> to vector<1000x32xf32>
    %sub3A_29 = arith.subf %sub3A_27, %sub3A_28 : vector<1000x32xf32>
    %swap3A = arith.constant 0 : index
    %swap3A_30 = arith.constant 0 : index
    %swap3A_31 = vector.load %arg5[%swap3A, %swap3A_30] : memref<1000x32xf32, #tpu.memory_space<vmem>>, vector<1000x32xf32>
    tpu.vector_store %arg5[%swap3A, %swap3A_30], %sub3A_29 {strides = array<i32>} : memref<1000x32xf32, #tpu.memory_space<vmem>>, vector<1000x32xf32>,
    return
  }
  func.func @transform_0(%arg0: i32) -> (i32, i32, i32) {
    %c0_i32 = arith.constant 0 : i32
    %c0_i32_0 = arith.constant 0 : i32
    %c0_i32_1 = arith.constant 0 : i32
    return %c0_i32, %arg0, %c0_i32_0 : i32, i32, i32
  }
  func.func @transform_1(%arg0: i32) -> (i32, i32) {
    %c0_i32 = arith.constant 0 : i32
    %c0_i32_0 = arith.constant 0 : i32
    return %arg0, %c0_i32 : i32, i32
  }
  func.func @transform_2(%arg0: i32) -> (i32, i32) {
    %c0_i32 = arith.constant 0 : i32
    %c0_i32_0 = arith.constant 0 : i32
    return %arg0, %c0_i32 : i32, i32
  }
  func.func @transform_3(%arg0: i32) -> (i32, i32) {
    %c0_i32 = arith.constant 0 : i32
    %c0_i32_0 = arith.constant 0 : i32
    %c0_i32_1 = arith.constant 0 : i32
    return %c0_i32, %c0_i32_0 : i32, i32
  }
  func.func @transform_4(%arg0: i32) -> (i32, i32) {
    %c0_i32 = arith.constant 0 : i32
    %c0_i32_0 = arith.constant 0 : i32
    return %arg0, %c0_i32 : i32, i32
  }
}

</mosaic_0001>

<sc_bundles>
// kernel: kernel.11.cloned.1.call-start
scs
__scs_entry_jumppad:
0x0: {  	(pc) =	sbr.rel $0x88, $3  }
0x1: {  	(tag) =	ssettag $0x0;
	lr =	simm.s32 $0x1  }
0x2: {  	[smem:$0x3F9B] =	sst lr;
	_ =	strace $0xD0000000  }
0x3: {  	_ = 	snop  }
0x4: {  	_ = 	snop  }
0x5: {  	_ = 	snop  }
0x6: {  	_ = 	snop  }
0x7: {  	_ = 	snop  }
__scs_overlays_trampoline_lowered:
0x8: {  	[smem:$0x3FAA] =	sst s0  }
0x9: {  	[smem:$0x3FAB] =	sst s1  }
0xa: {  	[smem:$0x3FAC] =	sst s2  }
0xb: {  	[smem:$0x3FAD] =	sst s3  }
0xc: {  	[smem:$0x3FAE] =	sst s4  }
0xd: {  	[smem:$0x3FAF] =	sst s5  }
0xe: {  	[smem:$0x3FB0] =	sst s6  }
0xf: {  	[smem:$0x3FB1] =	sst s7  }
0x10: {  	[smem:$0x3FB2] =	sst s8  }
0x11: {  	[smem:$0x3FB3] =	sst s9;
	s0 =	simm.s32 @!p0 $0x0  }
0x12: {  	s1 =	sld [smem:$0x3F99];
	s0 =	simm.s32 @p0 $0x1  }
0x13: {  	[smem:$0x3FB4] =	sst s0;
	s0 =	simm.s32 @!p1 $0x0  }
0x14: {  	s2 =	sld [smem:$0x3F98];
	s0 =	simm.s32 @p1 $0x1  }
0x15: {  	[smem:$0x3FB5] =	sst s0;
	s0 =	simm.s32 @!p2 $0x0  }
0x16: {  	s3 =	sld [smem:$0x3FDB];
	s0 =	simm.s32 @p2 $0x1  }
0x17: {  	s4 =	simm.s32 $0x1BF5;
	[smem:$0x3FB7] =	sst s0  }
0x18: {  	s0 =	sld [smem:$0x3F9A];
	_ =	swait.ge [sflag:s4], $0x0  }
0x19: {  	s7 =	sld [smem:$0x3F9B]  }
0x1a: {  	s8 =	sadd.s32 $0xFFFFE003, lr  }
0x1b: {  	s9 =	sadd.s32 $0xFFFFFEF7, lr;
	s5 =	simm.s32 $0xFFFFFFFF;
	p2 =	slt.u32 s8, $0xFFFFF086  }
0x1c: {  	p1 =	slt.u32 s9, $0xF7A;
	s5 =	simm.s32 @!p2 $0x0  }
0x1d: {  	s5 =	simm.s32 @p1 $0x1;
	p0 =	seq.s32 s7, s2  }
0x1e: {  	s7 =	smul.u32 @!p0 $0xF7A, s2;
	p2 =	seq.s32 @!p0 s5, $0x0  }
0x1f: {  	s9 =	smul.u32 $0xF7A, s1;
	s8 =	simm.s32 @!p0 $0x1BF5;
	p2 =	por !p2, p0  }
0x20: {  	[sflag:s8] =	ssyncset.s32 @!p0 $0xFFFFF086;
	s6 =	sadd.s32 @!p0 s3, s7;
	s7 =	simm.s32 @!p0 $0x108  }
0x21: {  	s3 =	sadd.s32 s3, s9;
	s6 =	sadd.s32 @!p0 $0x88, s6;
	s7 =	simm.s32 @p2 $0x1082  }
0x22: {  	[simem:s7], [sflag:s8] =	dma.local @!p0 [hbm:s6], $0xF7A  }
0x23: {  	s9 =	sor.u32 $0xD0000000, s2;
	s6 =	simm.s32 $0x108;
	_ =	swait.ge @!p0 [sflag:s8], $0x0  }
0x24: {  	s3 =	sadd.s32 $0x88, s3;
	s6 =	simm.s32 @!p1 $0x1082;
	[sflag:s4] =	ssyncset.s32 $0xFFFFF086  }
0x25: {  	[simem:s6], [sflag:s4] =	dma.local [hbm:s3], $0xF7A  }
0x26: {  	[smem:$0x3F9B] =	sst s1;
	(tag) =	ssettag s2;
	_ =	strace s9  }
0x27: {  	s1 =	sld [smem:$0x3FAB]  }
0x28: {  	s2 =	sld [smem:$0x3FAC]  }
0x29: {  	s4 =	sld [smem:$0x3FAE]  }
0x2a: {  	p0 =	seq.s32 s5, $0x0;
	s5 =	sld [smem:$0x3FAF]  }
0x2b: {  	s6 =	sld [smem:$0x3FB0]  }
0x2c: {  	s7 =	sld [smem:$0x3FB1]  }
0x2d: {  	s3 =	simm.s32 $0x108;
	s8 =	sld [smem:$0x3FB2]  }
0x2e: {  	s3 =	simm.s32 @!p0 $0x1082;
	s9 =	sld [smem:$0x3FB3]  }
0x2f: {  	lr =	sadd.s32 s0, s3;
	s0 =	sld [smem:$0x3FAA]  }
0x30: {  	s3 =	sld [smem:$0x3FAD]  }
0x31: {  	[smem:$0x3FB6] =	sst s10  }
0x32: {  	s10 =	sld [smem:$0x3FB4];
	_ =	sdelay $0x3  }
0x33: {  	p0 =	seq.s32 s10, $0x1;
	s10 =	sld [smem:$0x3FB6];
	_ =	sdelay $0x3  }
0x34: {  	[smem:$0x3FB6] =	sst s10  }
0x35: {  	s10 =	sld [smem:$0x3FB5];
	_ =	sdelay $0x3  }
0x36: {  	p1 =	seq.s32 s10, $0x1;
	s10 =	sld [smem:$0x3FB6];
	_ =	sdelay $0x3  }
0x37: {  	[smem:$0x3FB6] =	sst s10  }
0x38: {  	s10 =	sld [smem:$0x3FB7]  }
0x39: {  	_ = 	snop;
	(pc) =	sbr.ind lr, $3  }
0x3a: {  	_ = 	snop  }
0x3b: {  	_ = 	snop  }
0x3c: {  	p2 =	seq.s32 s10, $0x1;
	s10 =	sld [smem:$0x3FB6]  }
0x3d: {  	_ =	shalt  }
0x3e: {  	_ =	shalt  }
0x3f: {  	_ =	shalt  }
0x40: {  	_ =	shalt  }
0x41: {  	_ =	shalt  }
0x42: {  	_ =	shalt  }
0x43: {  	_ =	shalt  }
0x44: {  	_ =	shalt  }
0x45: {  	_ =	shalt  }
0x46: {  	_ =	shalt  }
0x47: {  	_ =	shalt  }
0x48: {  	_ =	shalt  }
0x49: {  	_ =	shalt  }
0x4a: {  	_ =	shalt  }
0x4b: {  	_ =	shalt  }
0x4c: {  	_ =	shalt  }
0x4d: {  	_ =	shalt  }
0x4e: {  	_ =	shalt  }
0x4f: {  	_ =	shalt  }
0x50: {  	_ =	shalt  }
0x51: {  	_ =	shalt  }
0x52: {  	_ =	shalt  }
0x53: {  	_ =	shalt  }
0x54: {  	_ =	shalt  }
0x55: {  	_ =	shalt  }
0x56: {  	_ =	shalt  }
0x57: {  	_ =	shalt  }
0x58: {  	_ =	shalt  }
0x59: {  	_ =	shalt  }
0x5a: {  	_ =	shalt  }
0x5b: {  	_ =	shalt  }
0x5c: {  	_ =	shalt  }
0x5d: {  	_ =	shalt  }
0x5e: {  	_ =	shalt  }
0x5f: {  	_ =	shalt  }
0x60: {  	_ =	shalt  }
0x61: {  	_ =	shalt  }
0x62: {  	_ =	shalt  }
0x63: {  	_ =	shalt  }
0x64: {  	_ =	shalt  }
0x65: {  	_ =	shalt  }
0x66: {  	_ =	shalt  }
0x67: {  	_ =	shalt  }
0x68: {  	_ =	shalt  }
0x69: {  	_ =	shalt  }
0x6a: {  	_ =	shalt  }
0x6b: {  	_ =	shalt  }
0x6c: {  	_ =	shalt  }
0x6d: {  	_ =	shalt  }
0x6e: {  	_ =	shalt  }
0x6f: {  	_ =	shalt  }
0x70: {  	_ =	shalt  }
0x71: {  	_ =	shalt  }
0x72: {  	_ =	shalt  }
0x73: {  	_ =	shalt  }
0x74: {  	_ =	shalt  }
0x75: {  	_ =	shalt  }
0x76: {  	_ =	shalt  }
0x77: {  	_ =	shalt  }
0x78: {  	_ =	shalt  }
0x79: {  	_ =	shalt  }
0x7a: {  	_ =	shalt  }
0x7b: {  	_ =	shalt  }
0x7c: {  	_ =	shalt  }
0x7d: {  	_ =	shalt  }
0x7e: {  	_ =	shalt  }
0x7f: {  	_ =	shalt  }
0x80: {  	_ =	shalt  }
0x81: {  	_ =	shalt  }
0x82: {  	_ =	shalt  }
0x83: {  	_ =	shalt  }
0x84: {  	_ =	shalt  }
0x85: {  	_ =	shalt  }
0x86: {  	_ =	shalt  }
0x87: {  	_ =	shalt  }
.Lfunc_end0:
.L_simem_size_0:
called_computation.1_lowered:
.L_overlay_start_0:
0x88: {  	s2 =	sld [smem:$0x3FD9]  }
0x89: {  	s3 =	sld [smem:$0x3FFE];
	_ =	sdelay $0x1  }
0x8a: {  	s1 =	srdreg.scid  }
0x8b: {  	s0 =	sand.u32 $0x1, s1  }
0x8c: {  	s17 =	sshll.u32 s0, $0xA;
	s2 =	sadd.s32 s3, s2  }
0x8d: {  	s2 =	sadd.s32 s2, s17  }
0x8e: {  	[smem:$0x3FC2] =	sst s2  }
0x8f: {  	_ = 	snop  }
0x90: {  	s2 =	sld [smem:$0x3FD0];
	(tm) =	ssettm $0x1  }
0x91: {  	s18 =	sld [smem:$0x3FFB];
	_ =	sdelay $0x3  }
0x92: {  	_ =	strace s18  }
0x93: {  	s3 =	sld [smem:$0x3FFC];
	_ =	sdelay $0x3  }
0x94: {  	_ =	strace s3  }
0x95: {  	s3 =	sld [smem:$0x3FFD];
	_ =	sdelay $0x3  }
0x96: {  	_ =	strace s3  }
0x97: {  	_ =	strace $0x8FFFFFFF  }
0x98: {  	s19 =	sld [smem:$0x3FDB];
	_ =	sdelay $0x1  }
0x99: {  	s4 =	simm.s32 $_scs_section_size  }
0x9a: {  	s5 =	simm.s32 $_size__tile_overlayer_lowered;
	s6 =	simm.s32 $_tile_overlayer_lowered  }
0x9b: {  	s22 =	simm.s32 $0x1BFF;
	s21 =	sshll.u32 s6, $0x1;
	s3 =	sadd.s32 s4, s19  }
0x9c: {  	s7 =	simm.s32 $0x0;
	s20 =	sshll.u32 s5, $0x1;
	s5 =	sadd.s32 s21, s3  }
0x9d: {  	[timem:s7], [sflag:s22] =	dma.local [hbm:s5], s20  }
0x9e: {  	_ =	swait.ge [sflag:s22], s20  }
0x9f: {  	s4 =	ssub.s32 $0x0, s20;
	[sflag:s22] =	ssyncset.done $0x0  }
0xa0: {  	[sflag:s22] =	ssyncadd.s32 s4;
	_ =	sdelay $0x1  }
0xa1: {  	s23 =	simm.s32 $0x1B8B  }
0xa2: {  	_ =	swait.ge [sflag:s23], $0x1  }
0xa3: {  	[sflag:s23] =	ssyncset.done $0x0  }
0xa4: {  	s25 =	simm.s32 $0x1B8E;
	s24 =	sld [smem:$0x3FFE];
	[sflag:s23] =	ssyncadd.s32 $0xFFFFFFFF  }
0xa5: {  	s26 =	simm.s32 $execute0_lowered;
	[smem:$0x3FD2] =	sst s25  }
0xa6: {  	s5 =	sshll.u32 s26, $0x1;
	_ =	strace $0x80000049;
	[dreg:$0x1] =	wrdreg $0xFFFFFFFF  }
0xa7: {  	s28 =	simm.s32 $_size_execute0_lowered;
	s3 =	sadd.s32 s3, s5;
	[dreg:$0x0] =	wrdreg $0x0  }
0xa8: {  	s5 =	sshll.u32 s28, $0x1;
	[dreg:$0x2] =	wrdreg s3  }
0xa9: {  	[dreg:$0x3] =	wrdreg s5  }
0xaa: {  	[dreg:$0x4] =	wrdreg $0xC0  }
0xab: {  	_ =	task [dreg:s7], $0x5FFFF  }
0xac: {  	[dreg:$0x1] =	wrdreg $0xFFFFFFFF  }
0xad: {  	[dreg:$0x0] =	wrdreg $0x60  }
0xae: {  	[dreg:$0x2] =	wrdreg s24  }
0xaf: {  	[dreg:$0x3] =	wrdreg s2  }
0xb0: {  	[dreg:$0x4] =	wrdreg $0x87000  }
0xb1: {  	[dreg:$0x5] =	wrdreg $0xAF000  }
0xb2: {  	[dreg:$0x6] =	wrdreg $0x9  }
0xb3: {  	_ =	task.clear_ibuf [dreg:s7], $0x7FFFF;
	_ =	strace $0x90000049  }
0xb4: {  	s29 =	simm.s32 $0x9;
	_ =	strace $0x8000004B  }
0xb5: {  	_ =	swait.ge [sflag:s29], $0x1  }
0xb6: {  	[sflag:s29] =	ssyncadd.s32 $0xFFFFFFFF  }
0xb7: {  	_ =	strace $0x9000004B  }
0xb8: {  	_ =	sfence  }
0xb9: {  	s30 =	sld [smem:$0x0];
	_ =	sdelay $0x2  }
0xba: {  	s31 =	sshll.u32 s1, $0xD;
	s1 =	sshrl.u32 s1, $0x2  }
0xbb: {  	s3 =	sand.u32 $0x4000, s31;
	s1 =	sadd.s32 s1, s30  }
0xbc: {  	s0 =	sor.u32 s3, s0;
	s1 =	sshll.u32 s1, $0x11  }
0xbd: {  	s0 =	sor.u32 s1, s0  }
0xbe: {  	s0 =	sadd.s32 $0x8F2B, s0  }
0xbf: {  	[sflag:s0] =	ssyncadd.remote.s32 $0x1  }
0xc0: {  	_ =	sfence.sel $0xFFFF  }
0xc1: {  	[dreg:$0x0] =	wrdreg $0xFFFFFFFF;
	(pc) =	sbr.abs _section_cstart, $3  }
0xc2: {  	[dreg:$0x1] =	wrdreg $0xFFFFFFFF  }
0xc3: {  	_ =	task.clear_ibuf [dreg:s7], $0x2FFFF;
	_ =	strace $0x9FFFFFFF  }
0xc4: {  	(tm) =	ssettm $0x7FFFFFFF  }
0xc5: {  	_ =	shalt  }
tec
execute0_lowered:
.L_overlay_start_1:
0x0: {  	(tag) =	ssettag $0x1  }
0x1: {  	s0 =	rddreg [dreg:$0x0]  }
0x2: {  	s1 =	rddreg [dreg:$0x1]  }
0x3: {  	s2 =	rddreg [dreg:$0x2]  }
0x4: {  	s3 =	rddreg [dreg:$0x3];
	s14 =	stileid.u32  }
0x5: {  	s5 =	srdreg.scid;
	s4 =	simm.s32 $0x0;
	s28 =	simm.s32 $0x5F00  }
0x6: {  	s30 =	simm.s32 $0x6700;
	s29 =	simm.s32 $0x7700;
	s6 =	smul.u32 $0x2710, s14  }
0x7: {  	s31 =	simm.s32 $0x3;
	s5 =	sand.u32 $0x1, s5;
	s7 =	smul.u32 $0x2800, s14  }
0x8: {  	[smem:$0x7FF] =	sst s4;
	s11 =	sadd.s32 $0x1E00, s0;
	s21 =	sshll.u32 s14, $0x4  }
0x9: {  	s9 =	smul.u32 $0x28000, s5;
	_ =	strace $0x8000004A;
	s15 =	ssub.s32 $0x2, s5  }
0xa: {  	s5 =	sshll.u32 s5, $0x4;
	s8 =	sshrl.u32 s6, $0x3;
	s12 =	sshrl.u32 s15, $0x1  }
0xb: {  	s17 =	sadd.s32 s7, s2;
	s6 =	sadd.s32 s6, s3;
	s10 =	sadd.s32 s8, s0  }
0xc: {  	s13 =	sadd.s32 s7, s9;
	s9 =	ssub.s32 s15, s12;
	s7 =	sshrl.u32 s7, $0x3  }
0xd: {  	s15 =	sshrl.u32 s17, $0x3;
	s26 =	sshrl.u32 s6, $0x3;
	s6 =	simm.s32 $0x9  }
0xe: {  	s12 =	simm.s32 $0xE;
	s8 =	sshrl.u32 s13, $0x3;
	s13 =	sor.u32 s14, s5  }
0xf: {  	s5 =	sshll.u32 s14, $0x6;
	s1 =	sadd.s32 s1, s7;
	s22 =	sadd.s32 $0x15800, s10  }
0x10: {  	s24 =	smax.u32 s9, $0x1;
	[dreg:$0xf] =	wrdreg s26;
	s26 =	simm.s32 $0x4  }
0x11: {  	s9 =	simm.s32 $0xA;
	s10 =	simm.s32 $0xB;
	[dreg:$0x5] =	wrdreg s1  }
0x12: {  	s0 =	sadd.s32 s8, s0;
	s16 =	smul.u32 $0x2700, s13;
	[dreg:$0x8] =	wrdreg s22  }
0x13: {  	s18 =	sor.u32 $0x1C01, s5;
	s1 =	sadd.s32 s21, s11;
	[dreg:$0xd] =	wrdreg s24  }
0x14: {  	s25 =	sor.u32 $0x1C02, s5;
	s21 =	simm.s32 $0x7;
	s22 =	simm.s32 $0x8  }
0x15: {  	s24 =	simm.s32 $0x4F00;
	p0 =	sgt.u32 s13, $0x3;
	[dreg:$0x6] =	wrdreg s18  }
0x16: {  	s23 =	sadd.s32 $0x9C00, s1;
	s1 =	sadd.s32 $0x13840, s1;
	[dreg:$0xe] =	wrdreg s25  }
0x17: {  	s0 =	sadd.s32 $0x1A800, s0;
	s25 =	simm.s32 $0x5700;
	[dreg:$0xa] =	wrdreg s23  }
0x18: {  	s18 =	simm.s32 $0x0;
	s19 =	sshrl.u32 s16, $0x3;
	[dreg:$0xb] =	wrdreg s1  }
0x19: {  	[dreg:$0xc] =	wrdreg s0;
	s23 =	simm.s32 $0x80;
	s0 =	simm.s32 $0x6F00  }
0x1a: {  	s1 =	simm.s32 $0x5;
	s20 =	sadd.s32 s11, s19;
	s19 =	simm.s32 $0x1  }
0x1b: {  	s11 =	simm.s32 $0xC;
	[dreg:$0x7] =	wrdreg s20;
	s7 =	sadd.s32 $0x9C40, s20  }
0x1c: {  	s20 =	simm.s32 $0x2;
	[dreg:$0x9] =	wrdreg s7;
	s7 =	simm.s32 $0x6  }
.LBB2_1:
0x1d: {  	s8 =	rddreg [dreg:$0x5]  }
0x1e: {  	s13 =	rddreg [dreg:$0x6]  }
0x1f: {  	[spmem:s15], [sflag:s13] =	dma.local [hbm:s8], $0x500  }
0x20: {  	s8 =	rddreg [dreg:$0x8]  }
0x21: {  	s13 =	rddreg [dreg:$0xe]  }
0x22: {  	s14 =	rddreg [dreg:$0xf]  }
0x23: {  	[spmem:s14], [sflag:s13] =	dma.local [hbm:s8], $0x4E2  }
0x24: {  	s8 =	rddreg [dreg:$0x7]  }
0x25: {  	[tilespmem:s4], [sflag:$0x7] =	stream.linear.gather [hbm4b:s8+s4], $0x2700, $0x38;
	[tilespmem:$0xD700] =	vst v63  }
0x26: {  	s14 =	simm.s32 $0x2700;
	s13 =	rddreg [dreg:$0x9]  }
0x27: {  	[tilespmem:s14], [sflag:$0x8] =	stream.linear.gather [hbm4b:s13+s4], $0x2700, $0x38;
	[tilespmem:$0xD700] =	vst v63  }
0x28: {  	_ =	swait.ge [sflag:s19], $0x500  }
0x29: {  	[sflag:s19] =	ssyncset.done $0x0  }
0x2a: {  	[sflag:s19] =	ssyncadd.s32 $0xFFFFFB00  }
0x2b: {  	_ =	swait.ge [sflag:s20], $0x4E2  }
0x2c: {  	[sflag:s20] =	ssyncset.done $0x0  }
0x2d: {  	[sflag:s20] =	ssyncadd.s32 $0xFFFFFB1E  }
0x2e: {  	_ =	swait.ge [sflag:s21], $0x2700  }
0x2f: {  	[sflag:s21] =	ssyncset.done $0x0  }
0x30: {  	[sflag:s21] =	ssyncadd.s32 $0xFFFFD900  }
0x31: {  	_ =	swait.ge [sflag:s22], $0x2700  }
0x32: {  	[sflag:s22] =	ssyncset.done $0x0  }
0x33: {  	[sflag:s22] =	ssyncadd.s32 $0xFFFFD900  }
0x34: {  	[bflag:$0x0] =	sbarrier.arrive $0xFFFF  }
0x35: {  	[tilespmem:s24], [sflag:$0x1] =	stream.indirect.gather [spmem:s3], $0x10, s4, s23, $0xb8;
	[tilespmem:$0xD700] =	vst v63  }
0x36: {  	_ = 	snop  }
0x37: {  	[tilespmem:s25], [sflag:$0x2] =	stream.indirect.gather [spmem:s3], $0x10, s23, s23, $0xb8;
	[tilespmem:$0xD700] =	vst v63  }
0x38: {  	s16 =	simm.s32 $0x100  }
0x39: {  	[tilespmem:s28], [sflag:$0x3] =	stream.indirect.gather [spmem:s3], $0x10, s16, s23, $0xb8;
	[tilespmem:$0xD700] =	vst v63  }
0x3a: {  	s17 =	simm.s32 $0x180  }
0x3b: {  	[tilespmem:s30], [sflag:$0x4] =	stream.indirect.gather [spmem:s3], $0x10, s17, s23, $0xb8;
	[tilespmem:$0xD700] =	vst v63  }
0x3c: {  	_ =	swait.ge [sflag:s19], $0x800  }
0x3d: {  	[sflag:s19] =	ssyncset.done $0x0  }
0x3e: {  	[sflag:s19] =	ssyncadd.s32 $0xFFFFF800  }
0x3f: {  	[spmem:s2] =	stream.indirect.scatter.add.f32 [tilespmem:s24], [sflag:$0x7], $0x10, s14, s23, $0xb8;
	[tilespmem:$0xD700] =	vst v63  }
0x40: {  	s14 =	simm.s32 $0x200  }
0x41: {  	[tilespmem:s0], [sflag:$0x5] =	stream.indirect.gather [spmem:s3], $0x10, s14, s23, $0xb8;
	[tilespmem:$0xD700] =	vst v63  }
0x42: {  	_ =	swait.ge [sflag:s20], $0x800  }
0x43: {  	[sflag:s20] =	ssyncset.done $0x0  }
0x44: {  	s16 =	simm.s32 $0x2780;
	[sflag:s20] =	ssyncadd.s32 $0xFFFFF800  }
0x45: {  	[spmem:s2] =	stream.indirect.scatter.add.f32 [tilespmem:s25], [sflag:$0x8], $0x10, s16, s23, $0xb8;
	[tilespmem:$0xD700] =	vst v63  }
0x46: {  	s17 =	simm.s32 $0x280  }
0x47: {  	[tilespmem:s29], [sflag:$0x6] =	stream.indirect.gather [spmem:s3], $0x10, s17, s23, $0xb8;
	[tilespmem:$0xD700] =	vst v63  }
0x48: {  	_ =	swait.ge [sflag:s31], $0x800  }
0x49: {  	[sflag:s31] =	ssyncset.done $0x0  }
0x4a: {  	s13 =	simm.s32 $0x2800;
	[sflag:s31] =	ssyncadd.s32 $0xFFFFF800  }
0x4b: {  	[spmem:s2] =	stream.indirect.scatter.add.f32 [tilespmem:s28], [sflag:$0x9], $0x10, s13, s23, $0xb8;
	[tilespmem:$0xD700] =	vst v63  }
0x4c: {  	_ =	swait.ge [sflag:s21], $0x800  }
0x4d: {  	[sflag:s21] =	ssyncset.done $0x0  }
0x4e: {  	s14 =	simm.s32 $0x300;
	[sflag:s21] =	ssyncadd.s32 $0xFFFFF800  }
0x4f: {  	[tilespmem:s24], [sflag:$0x1] =	stream.indirect.gather [spmem:s3], $0x10, s14, s23, $0xb8;
	[tilespmem:$0xD700] =	vst v63  }
0x50: {  	_ =	swait.ge [sflag:s26], $0x800  }
0x51: {  	[sflag:s26] =	ssyncset.done $0x0  }
0x52: {  	s16 =	simm.s32 $0x2880;
	[sflag:s26] =	ssyncadd.s32 $0xFFFFF800  }
0x53: {  	[spmem:s2] =	stream.indirect.scatter.add.f32 [tilespmem:s30], [sflag:$0xA], $0x10, s16, s23, $0xb8;
	[tilespmem:$0xD700] =	vst v63  }
0x54: {  	_ =	swait.ge [sflag:s22], $0x800  }
0x55: {  	[sflag:s22] =	ssyncset.done $0x0  }
0x56: {  	s17 =	simm.s32 $0x380;
	[sflag:s22] =	ssyncadd.s32 $0xFFFFF800  }
0x57: {  	[tilespmem:s25], [sflag:$0x2] =	stream.indirect.gather [spmem:s3], $0x10, s17, s23, $0xb8;
	[tilespmem:$0xD700] =	vst v63  }
0x58: {  	_ =	swait.ge [sflag:s1], $0x800  }
0x59: {  	[sflag:s1] =	ssyncset.done $0x0  }
0x5a: {  	s8 =	simm.s32 $0x2900;
	[sflag:s1] =	ssyncadd.s32 $0xFFFFF800  }
0x5b: {  	[spmem:s2] =	stream.indirect.scatter.add.f32 [tilespmem:s0], [sflag:$0xB], $0x10, s8, s23, $0xb8;
	[tilespmem:$0xD700] =	vst v63  }
0x5c: {  	_ =	swait.ge [sflag:s6], $0x800  }
0x5d: {  	[sflag:s6] =	ssyncset.done $0x0  }
0x5e: {  	s14 =	simm.s32 $0x400;
	[sflag:s6] =	ssyncadd.s32 $0xFFFFF800  }
0x5f: {  	[tilespmem:s28], [sflag:$0x3] =	stream.indirect.gather [spmem:s3], $0x10, s14, s23, $0xb8;
	[tilespmem:$0xD700] =	vst v63  }
0x60: {  	_ =	swait.ge [sflag:s7], $0x800  }
0x61: {  	[sflag:s7] =	ssyncset.done $0x0  }
0x62: {  	s16 =	simm.s32 $0x2980;
	[sflag:s7] =	ssyncadd.s32 $0xFFFFF800  }
0x63: {  	[spmem:s2] =	stream.indirect.scatter.add.f32 [tilespmem:s29], [sflag:$0xC], $0x10, s16, s23, $0xb8;
	[tilespmem:$0xD700] =	vst v63  }
0x64: {  	_ =	swait.ge [sflag:s9], $0x800  }
0x65: {  	[sflag:s9] =	ssyncset.done $0x0  }
0x66: {  	s17 =	simm.s32 $0x480;
	[sflag:s9] =	ssyncadd.s32 $0xFFFFF800  }
0x67: {  	[tilespmem:s30], [sflag:$0x4] =	stream.indirect.gather [spmem:s3], $0x10, s17, s23, $0xb8;
	[tilespmem:$0xD700] =	vst v63  }
0x68: {  	_ =	swait.ge [sflag:s19], $0x800  }
0x69: {  	[sflag:s19] =	ssyncset.done $0x0  }
0x6a: {  	s8 =	simm.s32 $0x2A00;
	[sflag:s19] =	ssyncadd.s32 $0xFFFFF800  }
0x6b: {  	[spmem:s2] =	stream.indirect.scatter.add.f32 [tilespmem:s24], [sflag:$0x7], $0x10, s8, s23, $0xb8;
	[tilespmem:$0xD700] =	vst v63  }
0x6c: {  	_ =	swait.ge [sflag:s10], $0x800  }
0x6d: {  	[sflag:s10] =	ssyncset.done $0x0  }
0x6e: {  	s14 =	simm.s32 $0x500;
	[sflag:s10] =	ssyncadd.s32 $0xFFFFF800  }
0x6f: {  	[tilespmem:s0], [sflag:$0x5] =	stream.indirect.gather [spmem:s3], $0x10, s14, s23, $0xb8;
	[tilespmem:$0xD700] =	vst v63  }
0x70: {  	_ =	swait.ge [sflag:s20], $0x800  }
0x71: {  	[sflag:s20] =	ssyncset.done $0x0  }
0x72: {  	s16 =	simm.s32 $0x2A80;
	[sflag:s20] =	ssyncadd.s32 $0xFFFFF800  }
0x73: {  	[spmem:s2] =	stream.indirect.scatter.add.f32 [tilespmem:s25], [sflag:$0x8], $0x10, s16, s23, $0xb8;
	[tilespmem:$0xD700] =	vst v63  }
0x74: {  	_ =	swait.ge [sflag:s11], $0x800  }
0x75: {  	[sflag:s11] =	ssyncset.done $0x0  }
0x76: {  	s17 =	simm.s32 $0x580;
	[sflag:s11] =	ssyncadd.s32 $0xFFFFF800  }
0x77: {  	[tilespmem:s29], [sflag:$0x6] =	stream.indirect.gather [spmem:s3], $0x10, s17, s23, $0xb8;
	[tilespmem:$0xD700] =	vst v63  }
0x78: {  	_ =	swait.ge [sflag:s31], $0x800  }
0x79: {  	[sflag:s31] =	ssyncset.done $0x0  }
0x7a: {  	s13 =	simm.s32 $0xC00;
	s14 =	simm.s32 $0x2B00;
	[sflag:s31] =	ssyncadd.s32 $0xFFFFF800  }
.LBB2_2:
0x7b: {  	[spmem:s2] =	stream.indirect.scatter.add.f32 [tilespmem:s28], [sflag:$0x9], $0x10, s14, s23, $0xb8;
	[tilespmem:$0xD700] =	vst v63  }
0x7c: {  	s14 =	smov.u32 s13  }
0x7d: {  	p1 =	sne.s32 s13, $0x8400;
	s13 =	sadd.s32 $0xC00, s13;
	_ =	swait.ge [sflag:s21], $0x800  }
0x7e: {  	s14 =	sshra.s32 s14, $0x2;
	[sflag:s21] =	ssyncset.done $0x0  }
0x7f: {  	s16 =	sadd.s32 $0x300, s14;
	[sflag:s21] =	ssyncadd.s32 $0xFFFFF800  }
0x80: {  	[tilespmem:s24], [sflag:$0x1] =	stream.indirect.gather [spmem:s3], $0x10, s16, s23, $0xb8;
	[tilespmem:$0xD700] =	vst v63  }
0x81: {  	_ =	swait.ge [sflag:s26], $0x800  }
0x82: {  	[sflag:s26] =	ssyncset.done $0x0  }
0x83: {  	s16 =	sadd.s32 $0x2880, s14;
	[sflag:s26] =	ssyncadd.s32 $0xFFFFF800  }
0x84: {  	[spmem:s2] =	stream.indirect.scatter.add.f32 [tilespmem:s30], [sflag:$0xA], $0x10, s16, s23, $0xb8;
	[tilespmem:$0xD700] =	vst v63  }
0x85: {  	_ =	swait.ge [sflag:s22], $0x800  }
0x86: {  	[sflag:s22] =	ssyncset.done $0x0  }
0x87: {  	s16 =	sadd.s32 $0x380, s14;
	[sflag:s22] =	ssyncadd.s32 $0xFFFFF800  }
0x88: {  	[tilespmem:s25], [sflag:$0x2] =	stream.indirect.gather [spmem:s3], $0x10, s16, s23, $0xb8;
	[tilespmem:$0xD700] =	vst v63  }
0x89: {  	_ =	swait.ge [sflag:s1], $0x800  }
0x8a: {  	[sflag:s1] =	ssyncset.done $0x0  }
0x8b: {  	s16 =	sadd.s32 $0x2900, s14;
	[sflag:s1] =	ssyncadd.s32 $0xFFFFF800  }
0x8c: {  	[spmem:s2] =	stream.indirect.scatter.add.f32 [tilespmem:s0], [sflag:$0xB], $0x10, s16, s23, $0xb8;
	[tilespmem:$0xD700] =	vst v63  }
0x8d: {  	_ =	swait.ge [sflag:s6], $0x800  }
0x8e: {  	[sflag:s6] =	ssyncset.done $0x0  }
0x8f: {  	s16 =	sadd.s32 $0x400, s14;
	[sflag:s6] =	ssyncadd.s32 $0xFFFFF800  }
0x90: {  	[tilespmem:s28], [sflag:$0x3] =	stream.indirect.gather [spmem:s3], $0x10, s16, s23, $0xb8;
	[tilespmem:$0xD700] =	vst v63  }
0x91: {  	_ =	swait.ge [sflag:s7], $0x800  }
0x92: {  	[sflag:s7] =	ssyncset.done $0x0  }
0x93: {  	s16 =	sadd.s32 $0x2980, s14;
	[sflag:s7] =	ssyncadd.s32 $0xFFFFF800  }
0x94: {  	[spmem:s2] =	stream.indirect.scatter.add.f32 [tilespmem:s29], [sflag:$0xC], $0x10, s16, s23, $0xb8;
	[tilespmem:$0xD700] =	vst v63  }
0x95: {  	_ =	swait.ge [sflag:s9], $0x800  }
0x96: {  	[sflag:s9] =	ssyncset.done $0x0  }
0x97: {  	s16 =	sadd.s32 $0x480, s14;
	[sflag:s9] =	ssyncadd.s32 $0xFFFFF800  }
0x98: {  	[tilespmem:s30], [sflag:$0x4] =	stream.indirect.gather [spmem:s3], $0x10, s16, s23, $0xb8;
	[tilespmem:$0xD700] =	vst v63  }
0x99: {  	_ =	swait.ge [sflag:s19], $0x800  }
0x9a: {  	[sflag:s19] =	ssyncset.done $0x0  }
0x9b: {  	s16 =	sadd.s32 $0x2A00, s14;
	[sflag:s19] =	ssyncadd.s32 $0xFFFFF800  }
0x9c: {  	[spmem:s2] =	stream.indirect.scatter.add.f32 [tilespmem:s24], [sflag:$0x7], $0x10, s16, s23, $0xb8;
	[tilespmem:$0xD700] =	vst v63  }
0x9d: {  	_ =	swait.ge [sflag:s10], $0x800  }
0x9e: {  	[sflag:s10] =	ssyncset.done $0x0  }
0x9f: {  	s16 =	sadd.s32 $0x500, s14;
	[sflag:s10] =	ssyncadd.s32 $0xFFFFF800  }
0xa0: {  	[tilespmem:s0], [sflag:$0x5] =	stream.indirect.gather [spmem:s3], $0x10, s16, s23, $0xb8;
	[tilespmem:$0xD700] =	vst v63  }
0xa1: {  	_ =	swait.ge [sflag:s20], $0x800  }
0xa2: {  	[sflag:s20] =	ssyncset.done $0x0  }
0xa3: {  	s16 =	sadd.s32 $0x2A80, s14;
	[sflag:s20] =	ssyncadd.s32 $0xFFFFF800  }
0xa4: {  	[spmem:s2] =	stream.indirect.scatter.add.f32 [tilespmem:s25], [sflag:$0x8], $0x10, s16, s23, $0xb8;
	[tilespmem:$0xD700] =	vst v63  }
0xa5: {  	_ =	swait.ge [sflag:s11], $0x800  }
0xa6: {  	[sflag:s11] =	ssyncset.done $0x0  }
.Ltmp0:
0xa7: {  	s16 =	sadd.s32 $0x580, s14;
	[sflag:s11] =	ssyncadd.s32 $0xFFFFF800;
	(pc) =	sbr.rel @p1 .LBB2_2-.Ltmp0, $4  }
0xa8: {  	[tilespmem:s29], [sflag:$0x6] =	stream.indirect.gather [spmem:s3], $0x10, s16, s23, $0xb8;
	[tilespmem:$0xD700] =	vst v63  }
0xa9: {  	_ =	swait.ge [sflag:s31], $0x800  }
0xaa: {  	[sflag:s31] =	ssyncset.done $0x0  }
0xab: {  	s14 =	sadd.s32 $0x2B00, s14;
	[sflag:s31] =	ssyncadd.s32 $0xFFFFF800  }
0xac: {  	[spmem:s2] =	stream.indirect.scatter.add.f32 [tilespmem:s28], [sflag:$0x9], $0x10, s14, s23, $0xb8;
	[tilespmem:$0xD700] =	vst v63  }
0xad: {  	_ =	swait.ge [sflag:s26], $0x800  }
0xae: {  	[sflag:s26] =	ssyncset.done $0x0  }
0xaf: {  	s8 =	simm.s32 $0x4C80;
	[sflag:s26] =	ssyncadd.s32 $0xFFFFF800  }
0xb0: {  	[spmem:s2] =	stream.indirect.scatter.add.f32 [tilespmem:s30], [sflag:$0xA], $0x10, s8, s23, $0xb8;
	[tilespmem:$0xD700] =	vst v63  }
0xb1: {  	_ =	swait.ge [sflag:s1], $0x800  }
0xb2: {  	[sflag:s1] =	ssyncset.done $0x0  }
0xb3: {  	s17 =	simm.s32 $0x4D00;
	[sflag:s1] =	ssyncadd.s32 $0xFFFFF800  }
0xb4: {  	[spmem:s2] =	stream.indirect.scatter.add.f32 [tilespmem:s0], [sflag:$0xB], $0x10, s17, s23, $0xb8;
	[tilespmem:$0xD700] =	vst v63  }
0xb5: {  	_ =	swait.ge [sflag:s7], $0x800  }
0xb6: {  	[sflag:s7] =	ssyncset.done $0x0  }
0xb7: {  	s13 =	simm.s32 $0x4D80;
	[sflag:s7] =	ssyncadd.s32 $0xFFFFF800  }
0xb8: {  	[spmem:s2] =	stream.indirect.scatter.add.f32 [tilespmem:s29], [sflag:$0xC], $0x10, s13, s23, $0xb8;
	[tilespmem:$0xD700] =	vst v63  }
0xb9: {  	_ =	swait.ge [sflag:s21], $0x800  }
0xba: {  	[sflag:s21] =	ssyncset.done $0x0  }
0xbb: {  	[sflag:s21] =	ssyncadd.s32 $0xFFFFF800  }
0xbc: {  	_ =	swait.ge [sflag:s22], $0x800  }
0xbd: {  	[sflag:s22] =	ssyncset.done $0x0  }
0xbe: {  	[sflag:s22] =	ssyncadd.s32 $0xFFFFF800  }
0xbf: {  	_ =	swait.ge [sflag:s6], $0x800  }
0xc0: {  	[sflag:s6] =	ssyncset.done $0x0  }
0xc1: {  	[sflag:s6] =	ssyncadd.s32 $0xFFFFF800  }
0xc2: {  	_ =	swait.ge [sflag:s9], $0x800  }
0xc3: {  	[sflag:s9] =	ssyncset.done $0x0  }
0xc4: {  	[sflag:s9] =	ssyncadd.s32 $0xFFFFF800  }
0xc5: {  	_ =	swait.ge [sflag:s10], $0x800  }
0xc6: {  	[sflag:s10] =	ssyncset.done $0x0  }
0xc7: {  	[sflag:s10] =	ssyncadd.s32 $0xFFFFF800  }
0xc8: {  	_ =	swait.ge [sflag:s11], $0x800  }
0xc9: {  	s14 =	simm.s32 @!p0 $0x4E00;
	s16 =	simm.s32 @!p0 $0xE;
	[sflag:s11] =	ssyncset.done $0x0  }
0xca: {  	s13 =	simm.s32 @!p0 $0x0;
	s8 =	rddreg [dreg:$0xa];
	[sflag:s11] =	ssyncadd.s32 $0xFFFFF800  }
0xcb: {  	[tilespmem:s14], [sflag:$0xE] =	stream.linear.gather @!p0 [hbm4b:s8+s13], $0x80, $0x38;
	[tilespmem:$0xD700] =	vst v63  }
0xcc: {  	_ =	swait.ge @!p0 [sflag:s16], $0x80  }
0xcd: {  	[sflag:s16] =	ssyncset.done @!p0 $0x0  }
0xce: {  	s8 =	simm.s32 @!p0 $0x4E80;
	s17 =	rddreg [dreg:$0xb];
	[sflag:s16] =	ssyncadd.s32 @!p0 $0xFFFFFF80  }
0xcf: {  	[tilespmem:s8], [sflag:$0xE] =	stream.linear.gather @!p0 [hbm4b:s17+s13], $0x80, $0x38;
	[tilespmem:$0xD700] =	vst v63  }
0xd0: {  	_ =	swait.ge @!p0 [sflag:s16], $0x80  }
0xd1: {  	[sflag:s16] =	ssyncset.done @!p0 $0x0  }
0xd2: {  	s13 =	simm.s32 @!p0 $0x80;
	s17 =	simm.s32 @!p0 $0x7F00;
	[sflag:s16] =	ssyncadd.s32 @!p0 $0xFFFFFF80  }
0xd3: {  	[tilespmem:s17], [sflag:$0xD] =	stream.indirect.gather @!p0 [spmem:s3], $0x10, s14, s13, $0xb8;
	[tilespmem:$0xD700] =	vst v63  }
0xd4: {  	s14 =	simm.s32 @!p0 $0xD  }
0xd5: {  	_ =	swait.ge @!p0 [sflag:s14], $0x800  }
0xd6: {  	[sflag:s14] =	ssyncset.done @!p0 $0x0  }
0xd7: {  	[sflag:s14] =	ssyncadd.s32 @!p0 $0xFFFFF800  }
0xd8: {  	[spmem:s2] =	stream.indirect.scatter.add.f32 @!p0 [tilespmem:s17], [sflag:$0xE], $0x10, s8, s13, $0xb8;
	[tilespmem:$0xD700] =	vst v63  }
0xd9: {  	_ =	swait.ge @!p0 [sflag:s16], $0x800  }
0xda: {  	[sflag:s16] =	ssyncset.done @!p0 $0x0  }
0xdb: {  	[sflag:s16] =	ssyncadd.s32 @!p0 $0xFFFFF800  }
0xdc: {  	[bflag:$0x0] =	sbarrier.arrive $0xFFFF  }
0xdd: {  	s14 =	sor.u32 $0x1C0E, s5;
	s16 =	rddreg [dreg:$0xc]  }
0xde: {  	[hbm:s16], [sflag:s14] =	dma.local [spmem:s15], $0x500  }
0xdf: {  	_ =	swait.ge [sflag:s12], $0x500  }
0xe0: {  	s18 =	sadd.s32 $0x1, s18;
	s17 =	rddreg [dreg:$0xd]  }
0xe1: {  	p1 =	sne.s32 s18, s17  }
.Ltmp1:
0xe2: {  	_ = 	snop;
	(pc) =	sbr.rel @p1 .LBB2_1-.Ltmp1, $3  }
0xe3: {  	_ =	sdelay $0x1  }
0xe4: {  	[sflag:s12] =	ssyncset.done $0x0  }
0xe5: {  	[sflag:s12] =	ssyncadd.s32 $0xFFFFFB00  }
0xe6: {  	_ =	sfence.sel $0x180000  }
0xe7: {  	[bflag:$0x0] =	sbarrier.arrive $0xFFFF  }
0xe8: {  	_ =	strace $0x9000004A  }
0xe9: {  	s0 =	stileid.u32;
	[bflag:$0x2] =	sbarrier.arrive $0xFFFF  }
0xea: {  	p0 =	sne.s32 s0, $0x0;
	s0 =	rddreg [dreg:$0x4]  }
0xeb: {  	s0 =	sadd.s32 @!p0 $0x100000, s0  }
0xec: {  	[sflag:s0] =	ssyncadd.tile.s32 @!p0 $0x1;
	_ =	shalt  }
.Lfunc_end2:
_tile_overlayer_lowered:
.L_overlay_start_2:
0xed: {  	(tag) =	ssettag $0x2  }
0xee: {  	s0 =	rddreg [dreg:$0x0];
	s2 =	stileid.u32  }
0xef: {  	s1 =	rddreg [dreg:$0x1];
	p0 =	sne.s32 s2, $0x0  }
0xf0: {  	s3 =	rddreg [dreg:$0x2];
	[bflag:$0x3] =	sbarrier.arrive $0xFFFF;
	s2 =	simm.s32 @!p0 $0x1C0E  }
0xf1: {  	[timem:s3], [sflag:s2] =	dma.local @!p0 [hbm:s0], s1  }
0xf2: {  	s0 =	simm.s32 @!p0 $0xE  }
0xf3: {  	_ =	swait.ge @!p0 [sflag:s0], s1  }
0xf4: {  	s1 =	ssub.s32 @!p0 $0x0, s1;
	[sflag:s0] =	ssyncset.done @!p0 $0x0  }
0xf5: {  	[sflag:s0] =	ssyncadd.s32 @!p0 s1  }
0xf6: {  	[bflag:$0x3] =	sbarrier.arrive $0xFFFF  }
0xf7: {  	_ =	shalt  }

// kernel: kernel.14.cloned.1.call-start
scs
__scs_entry_jumppad:
0x0: {  	(pc) =	sbr.rel $0x88, $3  }
0x1: {  	(tag) =	ssettag $0x0;
	lr =	simm.s32 $0x1  }
0x2: {  	[smem:$0x3F9B] =	sst lr;
	_ =	strace $0xD0000000  }
0x3: {  	_ = 	snop  }
0x4: {  	_ = 	snop  }
0x5: {  	_ = 	snop  }
0x6: {  	_ = 	snop  }
0x7: {  	_ = 	snop  }
__scs_overlays_trampoline_lowered:
0x8: {  	[smem:$0x3FAA] =	sst s0  }
0x9: {  	[smem:$0x3FAB] =	sst s1  }
0xa: {  	[smem:$0x3FAC] =	sst s2  }
0xb: {  	[smem:$0x3FAD] =	sst s3  }
0xc: {  	[smem:$0x3FAE] =	sst s4  }
0xd: {  	[smem:$0x3FAF] =	sst s5  }
0xe: {  	[smem:$0x3FB0] =	sst s6  }
0xf: {  	[smem:$0x3FB1] =	sst s7  }
0x10: {  	[smem:$0x3FB2] =	sst s8  }
0x11: {  	[smem:$0x3FB3] =	sst s9;
	s0 =	simm.s32 @!p0 $0x0  }
0x12: {  	s1 =	sld [smem:$0x3F99];
	s0 =	simm.s32 @p0 $0x1  }
0x13: {  	[smem:$0x3FB4] =	sst s0;
	s0 =	simm.s32 @!p1 $0x0  }
0x14: {  	s2 =	sld [smem:$0x3F98];
	s0 =	simm.s32 @p1 $0x1  }
0x15: {  	[smem:$0x3FB5] =	sst s0;
	s0 =	simm.s32 @!p2 $0x0  }
0x16: {  	s3 =	sld [smem:$0x3FDB];
	s0 =	simm.s32 @p2 $0x1  }
0x17: {  	s4 =	simm.s32 $0x1BF5;
	[smem:$0x3FB7] =	sst s0  }
0x18: {  	s0 =	sld [smem:$0x3F9A];
	_ =	swait.ge [sflag:s4], $0x0  }
0x19: {  	s7 =	sld [smem:$0x3F9B]  }
0x1a: {  	s8 =	sadd.s32 $0xFFFFE003, lr  }
0x1b: {  	s9 =	sadd.s32 $0xFFFFFEF7, lr;
	s5 =	simm.s32 $0xFFFFFFFF;
	p2 =	slt.u32 s8, $0xFFFFF086  }
0x1c: {  	p1 =	slt.u32 s9, $0xF7A;
	s5 =	simm.s32 @!p2 $0x0  }
0x1d: {  	s5 =	simm.s32 @p1 $0x1;
	p0 =	seq.s32 s7, s2  }
0x1e: {  	s7 =	smul.u32 @!p0 $0xF7A, s2;
	p2 =	seq.s32 @!p0 s5, $0x0  }
0x1f: {  	s9 =	smul.u32 $0xF7A, s1;
	s8 =	simm.s32 @!p0 $0x1BF5;
	p2 =	por !p2, p0  }
0x20: {  	[sflag:s8] =	ssyncset.s32 @!p0 $0xFFFFF086;
	s6 =	sadd.s32 @!p0 s3, s7;
	s7 =	simm.s32 @!p0 $0x108  }
0x21: {  	s3 =	sadd.s32 s3, s9;
	s6 =	sadd.s32 @!p0 $0x88, s6;
	s7 =	simm.s32 @p2 $0x1082  }
0x22: {  	[simem:s7], [sflag:s8] =	dma.local @!p0 [hbm:s6], $0xF7A  }
0x23: {  	s9 =	sor.u32 $0xD0000000, s2;
	s6 =	simm.s32 $0x108;
	_ =	swait.ge @!p0 [sflag:s8], $0x0  }
0x24: {  	s3 =	sadd.s32 $0x88, s3;
	s6 =	simm.s32 @!p1 $0x1082;
	[sflag:s4] =	ssyncset.s32 $0xFFFFF086  }
0x25: {  	[simem:s6], [sflag:s4] =	dma.local [hbm:s3], $0xF7A  }
0x26: {  	[smem:$0x3F9B] =	sst s1;
	(tag) =	ssettag s2;
	_ =	strace s9  }
0x27: {  	s1 =	sld [smem:$0x3FAB]  }
0x28: {  	s2 =	sld [smem:$0x3FAC]  }
0x29: {  	s4 =	sld [smem:$0x3FAE]  }
0x2a: {  	p0 =	seq.s32 s5, $0x0;
	s5 =	sld [smem:$0x3FAF]  }
0x2b: {  	s6 =	sld [smem:$0x3FB0]  }
0x2c: {  	s7 =	sld [smem:$0x3FB1]  }
0x2d: {  	s3 =	simm.s32 $0x108;
	s8 =	sld [smem:$0x3FB2]  }
0x2e: {  	s3 =	simm.s32 @!p0 $0x1082;
	s9 =	sld [smem:$0x3FB3]  }
0x2f: {  	lr =	sadd.s32 s0, s3;
	s0 =	sld [smem:$0x3FAA]  }
0x30: {  	s3 =	sld [smem:$0x3FAD]  }
0x31: {  	[smem:$0x3FB6] =	sst s10  }
0x32: {  	s10 =	sld [smem:$0x3FB4];
	_ =	sdelay $0x3  }
0x33: {  	p0 =	seq.s32 s10, $0x1;
	s10 =	sld [smem:$0x3FB6];
	_ =	sdelay $0x3  }
0x34: {  	[smem:$0x3FB6] =	sst s10  }
0x35: {  	s10 =	sld [smem:$0x3FB5];
	_ =	sdelay $0x3  }
0x36: {  	p1 =	seq.s32 s10, $0x1;
	s10 =	sld [smem:$0x3FB6];
	_ =	sdelay $0x3  }
0x37: {  	[smem:$0x3FB6] =	sst s10  }
0x38: {  	s10 =	sld [smem:$0x3FB7]  }
0x39: {  	_ = 	snop;
	(pc) =	sbr.ind lr, $3  }
0x3a: {  	_ = 	snop  }
0x3b: {  	_ = 	snop  }
0x3c: {  	p2 =	seq.s32 s10, $0x1;
	s10 =	sld [smem:$0x3FB6]  }
0x3d: {  	_ =	shalt  }
0x3e: {  	_ =	shalt  }
0x3f: {  	_ =	shalt  }
0x40: {  	_ =	shalt  }
0x41: {  	_ =	shalt  }
0x42: {  	_ =	shalt  }
0x43: {  	_ =	shalt  }
0x44: {  	_ =	shalt  }
0x45: {  	_ =	shalt  }
0x46: {  	_ =	shalt  }
0x47: {  	_ =	shalt  }
0x48: {  	_ =	shalt  }
0x49: {  	_ =	shalt  }
0x4a: {  	_ =	shalt  }
0x4b: {  	_ =	shalt  }
0x4c: {  	_ =	shalt  }
0x4d: {  	_ =	shalt  }
0x4e: {  	_ =	shalt  }
0x4f: {  	_ =	shalt  }
0x50: {  	_ =	shalt  }
0x51: {  	_ =	shalt  }
0x52: {  	_ =	shalt  }
0x53: {  	_ =	shalt  }
0x54: {  	_ =	shalt  }
0x55: {  	_ =	shalt  }
0x56: {  	_ =	shalt  }
0x57: {  	_ =	shalt  }
0x58: {  	_ =	shalt  }
0x59: {  	_ =	shalt  }
0x5a: {  	_ =	shalt  }
0x5b: {  	_ =	shalt  }
0x5c: {  	_ =	shalt  }
0x5d: {  	_ =	shalt  }
0x5e: {  	_ =	shalt  }
0x5f: {  	_ =	shalt  }
0x60: {  	_ =	shalt  }
0x61: {  	_ =	shalt  }
0x62: {  	_ =	shalt  }
0x63: {  	_ =	shalt  }
0x64: {  	_ =	shalt  }
0x65: {  	_ =	shalt  }
0x66: {  	_ =	shalt  }
0x67: {  	_ =	shalt  }
0x68: {  	_ =	shalt  }
0x69: {  	_ =	shalt  }
0x6a: {  	_ =	shalt  }
0x6b: {  	_ =	shalt  }
0x6c: {  	_ =	shalt  }
0x6d: {  	_ =	shalt  }
0x6e: {  	_ =	shalt  }
0x6f: {  	_ =	shalt  }
0x70: {  	_ =	shalt  }
0x71: {  	_ =	shalt  }
0x72: {  	_ =	shalt  }
0x73: {  	_ =	shalt  }
0x74: {  	_ =	shalt  }
0x75: {  	_ =	shalt  }
0x76: {  	_ =	shalt  }
0x77: {  	_ =	shalt  }
0x78: {  	_ =	shalt  }
0x79: {  	_ =	shalt  }
0x7a: {  	_ =	shalt  }
0x7b: {  	_ =	shalt  }
0x7c: {  	_ =	shalt  }
0x7d: {  	_ =	shalt  }
0x7e: {  	_ =	shalt  }
0x7f: {  	_ =	shalt  }
0x80: {  	_ =	shalt  }
0x81: {  	_ =	shalt  }
0x82: {  	_ =	shalt  }
0x83: {  	_ =	shalt  }
0x84: {  	_ =	shalt  }
0x85: {  	_ =	shalt  }
0x86: {  	_ =	shalt  }
0x87: {  	_ =	shalt  }
.Lfunc_end0:
.L_simem_size_0:
called_computation.2_lowered:
.L_overlay_start_0:
0x88: {  	s2 =	sld [smem:$0x3FD9]  }
0x89: {  	s3 =	sld [smem:$0x3FFE];
	_ =	sdelay $0x1  }
0x8a: {  	s1 =	srdreg.scid  }
0x8b: {  	s0 =	sand.u32 $0x1, s1  }
0x8c: {  	s17 =	sshll.u32 s0, $0xA;
	s2 =	sadd.s32 s3, s2  }
0x8d: {  	s2 =	sadd.s32 s2, s17  }
0x8e: {  	[smem:$0x3FC2] =	sst s2  }
0x8f: {  	_ = 	snop  }
0x90: {  	s2 =	sld [smem:$0x3FD0];
	(tm) =	ssettm $0x1  }
0x91: {  	s18 =	sld [smem:$0x3FFB];
	_ =	sdelay $0x3  }
0x92: {  	_ =	strace s18  }
0x93: {  	s3 =	sld [smem:$0x3FFC];
	_ =	sdelay $0x3  }
0x94: {  	_ =	strace s3  }
0x95: {  	s3 =	sld [smem:$0x3FFD];
	_ =	sdelay $0x3  }
0x96: {  	_ =	strace s3  }
0x97: {  	_ =	strace $0x8FFFFFFF  }
0x98: {  	s19 =	sld [smem:$0x3FDB];
	_ =	sdelay $0x1  }
0x99: {  	s4 =	simm.s32 $_scs_section_size  }
0x9a: {  	s5 =	simm.s32 $_size__tile_overlayer_lowered;
	s6 =	simm.s32 $_tile_overlayer_lowered  }
0x9b: {  	s22 =	simm.s32 $0x1BFF;
	s21 =	sshll.u32 s6, $0x1;
	s3 =	sadd.s32 s4, s19  }
0x9c: {  	s7 =	simm.s32 $0x0;
	s20 =	sshll.u32 s5, $0x1;
	s5 =	sadd.s32 s21, s3  }
0x9d: {  	[timem:s7], [sflag:s22] =	dma.local [hbm:s5], s20  }
0x9e: {  	_ =	swait.ge [sflag:s22], s20  }
0x9f: {  	s4 =	ssub.s32 $0x0, s20;
	[sflag:s22] =	ssyncset.done $0x0  }
0xa0: {  	[sflag:s22] =	ssyncadd.s32 s4;
	_ =	sdelay $0x1  }
0xa1: {  	s23 =	simm.s32 $0x1B8B  }
0xa2: {  	_ =	swait.ge [sflag:s23], $0x1  }
0xa3: {  	[sflag:s23] =	ssyncset.done $0x0  }
0xa4: {  	s25 =	simm.s32 $0x1B8E;
	s24 =	sld [smem:$0x3FFE];
	[sflag:s23] =	ssyncadd.s32 $0xFFFFFFFF  }
0xa5: {  	s26 =	simm.s32 $execute0_lowered;
	[smem:$0x3FD2] =	sst s25  }
0xa6: {  	s5 =	sshll.u32 s26, $0x1;
	_ =	strace $0x8000004C;
	[dreg:$0x1] =	wrdreg $0xFFFFFFFF  }
0xa7: {  	s28 =	simm.s32 $_size_execute0_lowered;
	s3 =	sadd.s32 s3, s5;
	[dreg:$0x0] =	wrdreg $0x0  }
0xa8: {  	s5 =	sshll.u32 s28, $0x1;
	[dreg:$0x2] =	wrdreg s3  }
0xa9: {  	[dreg:$0x3] =	wrdreg s5  }
0xaa: {  	[dreg:$0x4] =	wrdreg $0xC0  }
0xab: {  	_ =	task [dreg:s7], $0x5FFFF  }
0xac: {  	[dreg:$0x1] =	wrdreg $0xFFFFFFFF  }
0xad: {  	[dreg:$0x0] =	wrdreg $0x60  }
0xae: {  	[dreg:$0x2] =	wrdreg s2  }
0xaf: {  	[dreg:$0x3] =	wrdreg s24  }
0xb0: {  	[dreg:$0x4] =	wrdreg $0xBF000  }
0xb1: {  	[dreg:$0x5] =	wrdreg $0x10F000  }
0xb2: {  	[dreg:$0x6] =	wrdreg $0x9  }
0xb3: {  	_ =	task.clear_ibuf [dreg:s7], $0x7FFFF;
	_ =	strace $0x9000004C  }
0xb4: {  	s29 =	simm.s32 $0x9;
	_ =	strace $0x8000004E  }
0xb5: {  	_ =	swait.ge [sflag:s29], $0x1  }
0xb6: {  	[sflag:s29] =	ssyncadd.s32 $0xFFFFFFFF  }
0xb7: {  	_ =	strace $0x9000004E  }
0xb8: {  	_ =	sfence  }
0xb9: {  	s30 =	sld [smem:$0x0];
	_ =	sdelay $0x2  }
0xba: {  	s31 =	sshll.u32 s1, $0xD;
	s1 =	sshrl.u32 s1, $0x2  }
0xbb: {  	s3 =	sand.u32 $0x4000, s31;
	s1 =	sadd.s32 s1, s30  }
0xbc: {  	s0 =	sor.u32 s3, s0;
	s1 =	sshll.u32 s1, $0x11  }
0xbd: {  	s0 =	sor.u32 s1, s0  }
0xbe: {  	s0 =	sadd.s32 $0x8F2B, s0  }
0xbf: {  	[sflag:s0] =	ssyncadd.remote.s32 $0x1  }
0xc0: {  	_ =	sfence.sel $0xFFFF  }
0xc1: {  	[dreg:$0x0] =	wrdreg $0xFFFFFFFF;
	(pc) =	sbr.abs _section_cstart, $3  }
0xc2: {  	[dreg:$0x1] =	wrdreg $0xFFFFFFFF  }
0xc3: {  	_ =	task.clear_ibuf [dreg:s7], $0x2FFFF;
	_ =	strace $0x9FFFFFFF  }
0xc4: {  	(tm) =	ssettm $0x7FFFFFFF  }
0xc5: {  	_ =	shalt  }
tec
execute0_lowered:
.L_overlay_start_1:
0x0: {  	(tag) =	ssettag $0x1  }
0x1: {  	s0 =	rddreg [dreg:$0x0]  }
0x2: {  	s1 =	rddreg [dreg:$0x1]  }
0x3: {  	s2 =	rddreg [dreg:$0x2]  }
0x4: {  	s3 =	rddreg [dreg:$0x3];
	s14 =	stileid.u32  }
0x5: {  	s5 =	srdreg.scid;
	s4 =	simm.s32 $0x0;
	s28 =	simm.s32 $0x6F00  }
0x6: {  	s30 =	simm.s32 $0x7F00;
	s29 =	simm.s32 $0x9F00;
	s31 =	simm.s32 $0x3  }
0x7: {  	s6 =	smul.u32 $0x5000, s14;
	s5 =	sand.u32 $0x1, s5;
	[smem:$0x7FF] =	sst s4  }
0x8: {  	s9 =	sadd.s32 $0x1E00, s1;
	s12 =	smul.u32 $0x4E20, s14;
	s19 =	sshll.u32 s14, $0x4  }
0x9: {  	s7 =	smul.u32 $0x50000, s5;
	_ =	strace $0x8000004D;
	s10 =	ssub.s32 $0x2, s5  }
0xa: {  	s5 =	sshll.u32 s5, $0x4;
	s21 =	sadd.s32 s19, s9;
	s19 =	simm.s32 $0x1  }
0xb: {  	s8 =	sshrl.u32 s6, $0x3;
	s11 =	sshrl.u32 s10, $0x1;
	s5 =	sor.u32 s14, s5  }
0xc: {  	s26 =	sadd.s32 s6, s2;
	s13 =	sadd.s32 s12, s3;
	s18 =	sshrl.u32 s12, $0x3  }
0xd: {  	s22 =	sadd.s32 $0x9C00, s21;
	s12 =	simm.s32 $0xE;
	s8 =	sadd.s32 s8, s1  }
0xe: {  	s7 =	sadd.s32 s6, s7;
	s24 =	ssub.s32 s10, s11;
	s25 =	smul.u32 $0x2700, s5  }
0xf: {  	s6 =	sshll.u32 s14, $0x6;
	s0 =	sadd.s32 s0, s18;
	[dreg:$0xa] =	wrdreg s22  }
0x10: {  	s22 =	simm.s32 $0x8;
	p0 =	sgt.u32 s5, $0x3;
	s5 =	simm.s32 $0x9  }
0x11: {  	s10 =	simm.s32 $0xB;
	s11 =	simm.s32 $0xC;
	s18 =	simm.s32 $0x0  }
0x12: {  	s7 =	sshrl.u32 s7, $0x3;
	s15 =	sadd.s32 $0x15800, s8;
	[dreg:$0x8] =	wrdreg s0  }
0x13: {  	s16 =	sor.u32 $0x1C01, s6;
	s0 =	sadd.s32 $0x13840, s21;
	[dreg:$0x5] =	wrdreg s15  }
0x14: {  	s24 =	smax.u32 s24, $0x1;
	s21 =	simm.s32 $0x7;
	[dreg:$0x6] =	wrdreg s16  }
0x15: {  	s1 =	sadd.s32 s7, s1;
	s17 =	sshrl.u32 s25, $0x3;
	[dreg:$0xb] =	wrdreg s0  }
0x16: {  	[dreg:$0xd] =	wrdreg s24;
	s15 =	sshrl.u32 s26, $0x3;
	s25 =	sor.u32 $0x1C02, s6  }
0x17: {  	s26 =	sshrl.u32 s13, $0x3;
	s24 =	simm.s32 $0x4F00;
	s0 =	simm.s32 $0x8F00  }
0x18: {  	s7 =	simm.s32 $0x6;
	s8 =	sadd.s32 s9, s17;
	[dreg:$0xe] =	wrdreg s25  }
0x19: {  	s23 =	sadd.s32 $0x1F800, s1;
	[dreg:$0xf] =	wrdreg s26;
	s25 =	simm.s32 $0x5F00  }
0x1a: {  	s26 =	simm.s32 $0x4;
	s1 =	simm.s32 $0x5;
	[dreg:$0x7] =	wrdreg s8  }
0x1b: {  	s9 =	simm.s32 $0xA;
	s20 =	sadd.s32 $0x9C40, s8;
	[dreg:$0xc] =	wrdreg s23  }
0x1c: {  	s23 =	simm.s32 $0x80;
	[dreg:$0x9] =	wrdreg s20;
	s20 =	simm.s32 $0x2  }
.LBB2_1:
0x1d: {  	s8 =	rddreg [dreg:$0x5]  }
0x1e: {  	s13 =	rddreg [dreg:$0x6]  }
0x1f: {  	[spmem:s15], [sflag:s13] =	dma.local [hbm:s8], $0xA00  }
0x20: {  	s8 =	rddreg [dreg:$0x8]  }
0x21: {  	s13 =	rddreg [dreg:$0xe]  }
0x22: {  	s14 =	rddreg [dreg:$0xf]  }
0x23: {  	[spmem:s14], [sflag:s13] =	dma.local [hbm:s8], $0x9C4  }
0x24: {  	s8 =	rddreg [dreg:$0x7]  }
0x25: {  	[tilespmem:s4], [sflag:$0x7] =	stream.linear.gather [hbm4b:s8+s4], $0x2700, $0x38;
	[tilespmem:$0x15F00] =	vst v63  }
0x26: {  	s14 =	simm.s32 $0x2700;
	s13 =	rddreg [dreg:$0x9]  }
0x27: {  	[tilespmem:s14], [sflag:$0x8] =	stream.linear.gather [hbm4b:s13+s4], $0x2700, $0x38;
	[tilespmem:$0x15F00] =	vst v63  }
0x28: {  	_ =	swait.ge [sflag:s19], $0xA00  }
0x29: {  	[sflag:s19] =	ssyncset.done $0x0  }
0x2a: {  	[sflag:s19] =	ssyncadd.s32 $0xFFFFF600  }
0x2b: {  	_ =	swait.ge [sflag:s20], $0x9C4  }
0x2c: {  	[sflag:s20] =	ssyncset.done $0x0  }
0x2d: {  	[sflag:s20] =	ssyncadd.s32 $0xFFFFF63C  }
0x2e: {  	_ =	swait.ge [sflag:s21], $0x2700  }
0x2f: {  	[sflag:s21] =	ssyncset.done $0x0  }
0x30: {  	[sflag:s21] =	ssyncadd.s32 $0xFFFFD900  }
0x31: {  	_ =	swait.ge [sflag:s22], $0x2700  }
0x32: {  	[sflag:s22] =	ssyncset.done $0x0  }
0x33: {  	[sflag:s22] =	ssyncadd.s32 $0xFFFFD900  }
0x34: {  	[bflag:$0x0] =	sbarrier.arrive $0xFFFF  }
0x35: {  	[tilespmem:s24], [sflag:$0x1] =	stream.indirect.gather [spmem:s3], $0x20, s4, s23, $0xb8;
	[tilespmem:$0x15F00] =	vst v63  }
0x36: {  	_ = 	snop  }
0x37: {  	[tilespmem:s25], [sflag:$0x2] =	stream.indirect.gather [spmem:s3], $0x20, s23, s23, $0xb8;
	[tilespmem:$0x15F00] =	vst v63  }
0x38: {  	s16 =	simm.s32 $0x100  }
0x39: {  	[tilespmem:s28], [sflag:$0x3] =	stream.indirect.gather [spmem:s3], $0x20, s16, s23, $0xb8;
	[tilespmem:$0x15F00] =	vst v63  }
0x3a: {  	s17 =	simm.s32 $0x180  }
0x3b: {  	[tilespmem:s30], [sflag:$0x4] =	stream.indirect.gather [spmem:s3], $0x20, s17, s23, $0xb8;
	[tilespmem:$0x15F00] =	vst v63  }
0x3c: {  	_ =	swait.ge [sflag:s19], $0x1000  }
0x3d: {  	[sflag:s19] =	ssyncset.done $0x0  }
0x3e: {  	[sflag:s19] =	ssyncadd.s32 $0xFFFFF000  }
0x3f: {  	[spmem:s2] =	stream.indirect.scatter.add.f32 [tilespmem:s24], [sflag:$0x7], $0x20, s14, s23, $0xb8;
	[tilespmem:$0x15F00] =	vst v63  }
0x40: {  	s14 =	simm.s32 $0x200  }
0x41: {  	[tilespmem:s0], [sflag:$0x5] =	stream.indirect.gather [spmem:s3], $0x20, s14, s23, $0xb8;
	[tilespmem:$0x15F00] =	vst v63  }
0x42: {  	_ =	swait.ge [sflag:s20], $0x1000  }
0x43: {  	[sflag:s20] =	ssyncset.done $0x0  }
0x44: {  	s16 =	simm.s32 $0x2780;
	[sflag:s20] =	ssyncadd.s32 $0xFFFFF000  }
0x45: {  	[spmem:s2] =	stream.indirect.scatter.add.f32 [tilespmem:s25], [sflag:$0x8], $0x20, s16, s23, $0xb8;
	[tilespmem:$0x15F00] =	vst v63  }
0x46: {  	s17 =	simm.s32 $0x280  }
0x47: {  	[tilespmem:s29], [sflag:$0x6] =	stream.indirect.gather [spmem:s3], $0x20, s17, s23, $0xb8;
	[tilespmem:$0x15F00] =	vst v63  }
0x48: {  	_ =	swait.ge [sflag:s31], $0x1000  }
0x49: {  	[sflag:s31] =	ssyncset.done $0x0  }
0x4a: {  	s13 =	simm.s32 $0x2800;
	[sflag:s31] =	ssyncadd.s32 $0xFFFFF000  }
0x4b: {  	[spmem:s2] =	stream.indirect.scatter.add.f32 [tilespmem:s28], [sflag:$0x9], $0x20, s13, s23, $0xb8;
	[tilespmem:$0x15F00] =	vst v63  }
0x4c: {  	_ =	swait.ge [sflag:s21], $0x1000  }
0x4d: {  	[sflag:s21] =	ssyncset.done $0x0  }
0x4e: {  	s14 =	simm.s32 $0x300;
	[sflag:s21] =	ssyncadd.s32 $0xFFFFF000  }
0x4f: {  	[tilespmem:s24], [sflag:$0x1] =	stream.indirect.gather [spmem:s3], $0x20, s14, s23, $0xb8;
	[tilespmem:$0x15F00] =	vst v63  }
0x50: {  	_ =	swait.ge [sflag:s26], $0x1000  }
0x51: {  	[sflag:s26] =	ssyncset.done $0x0  }
0x52: {  	s16 =	simm.s32 $0x2880;
	[sflag:s26] =	ssyncadd.s32 $0xFFFFF000  }
0x53: {  	[spmem:s2] =	stream.indirect.scatter.add.f32 [tilespmem:s30], [sflag:$0xA], $0x20, s16, s23, $0xb8;
	[tilespmem:$0x15F00] =	vst v63  }
0x54: {  	_ =	swait.ge [sflag:s22], $0x1000  }
0x55: {  	[sflag:s22] =	ssyncset.done $0x0  }
0x56: {  	s17 =	simm.s32 $0x380;
	[sflag:s22] =	ssyncadd.s32 $0xFFFFF000  }
0x57: {  	[tilespmem:s25], [sflag:$0x2] =	stream.indirect.gather [spmem:s3], $0x20, s17, s23, $0xb8;
	[tilespmem:$0x15F00] =	vst v63  }
0x58: {  	_ =	swait.ge [sflag:s1], $0x1000  }
0x59: {  	[sflag:s1] =	ssyncset.done $0x0  }
0x5a: {  	s8 =	simm.s32 $0x2900;
	[sflag:s1] =	ssyncadd.s32 $0xFFFFF000  }
0x5b: {  	[spmem:s2] =	stream.indirect.scatter.add.f32 [tilespmem:s0], [sflag:$0xB], $0x20, s8, s23, $0xb8;
	[tilespmem:$0x15F00] =	vst v63  }
0x5c: {  	_ =	swait.ge [sflag:s5], $0x1000  }
0x5d: {  	[sflag:s5] =	ssyncset.done $0x0  }
0x5e: {  	s14 =	simm.s32 $0x400;
	[sflag:s5] =	ssyncadd.s32 $0xFFFFF000  }
0x5f: {  	[tilespmem:s28], [sflag:$0x3] =	stream.indirect.gather [spmem:s3], $0x20, s14, s23, $0xb8;
	[tilespmem:$0x15F00] =	vst v63  }
0x60: {  	_ =	swait.ge [sflag:s7], $0x1000  }
0x61: {  	[sflag:s7] =	ssyncset.done $0x0  }
0x62: {  	s16 =	simm.s32 $0x2980;
	[sflag:s7] =	ssyncadd.s32 $0xFFFFF000  }
0x63: {  	[spmem:s2] =	stream.indirect.scatter.add.f32 [tilespmem:s29], [sflag:$0xC], $0x20, s16, s23, $0xb8;
	[tilespmem:$0x15F00] =	vst v63  }
0x64: {  	_ =	swait.ge [sflag:s9], $0x1000  }
0x65: {  	[sflag:s9] =	ssyncset.done $0x0  }
0x66: {  	s17 =	simm.s32 $0x480;
	[sflag:s9] =	ssyncadd.s32 $0xFFFFF000  }
0x67: {  	[tilespmem:s30], [sflag:$0x4] =	stream.indirect.gather [spmem:s3], $0x20, s17, s23, $0xb8;
	[tilespmem:$0x15F00] =	vst v63  }
0x68: {  	_ =	swait.ge [sflag:s19], $0x1000  }
0x69: {  	[sflag:s19] =	ssyncset.done $0x0  }
0x6a: {  	s8 =	simm.s32 $0x2A00;
	[sflag:s19] =	ssyncadd.s32 $0xFFFFF000  }
0x6b: {  	[spmem:s2] =	stream.indirect.scatter.add.f32 [tilespmem:s24], [sflag:$0x7], $0x20, s8, s23, $0xb8;
	[tilespmem:$0x15F00] =	vst v63  }
0x6c: {  	_ =	swait.ge [sflag:s10], $0x1000  }
0x6d: {  	[sflag:s10] =	ssyncset.done $0x0  }
0x6e: {  	s14 =	simm.s32 $0x500;
	[sflag:s10] =	ssyncadd.s32 $0xFFFFF000  }
0x6f: {  	[tilespmem:s0], [sflag:$0x5] =	stream.indirect.gather [spmem:s3], $0x20, s14, s23, $0xb8;
	[tilespmem:$0x15F00] =	vst v63  }
0x70: {  	_ =	swait.ge [sflag:s20], $0x1000  }
0x71: {  	[sflag:s20] =	ssyncset.done $0x0  }
0x72: {  	s16 =	simm.s32 $0x2A80;
	[sflag:s20] =	ssyncadd.s32 $0xFFFFF000  }
0x73: {  	[spmem:s2] =	stream.indirect.scatter.add.f32 [tilespmem:s25], [sflag:$0x8], $0x20, s16, s23, $0xb8;
	[tilespmem:$0x15F00] =	vst v63  }
0x74: {  	_ =	swait.ge [sflag:s11], $0x1000  }
0x75: {  	[sflag:s11] =	ssyncset.done $0x0  }
0x76: {  	s17 =	simm.s32 $0x580;
	[sflag:s11] =	ssyncadd.s32 $0xFFFFF000  }
0x77: {  	[tilespmem:s29], [sflag:$0x6] =	stream.indirect.gather [spmem:s3], $0x20, s17, s23, $0xb8;
	[tilespmem:$0x15F00] =	vst v63  }
0x78: {  	_ =	swait.ge [sflag:s31], $0x1000  }
0x79: {  	[sflag:s31] =	ssyncset.done $0x0  }
0x7a: {  	s13 =	simm.s32 $0xC00;
	s14 =	simm.s32 $0x2B00;
	[sflag:s31] =	ssyncadd.s32 $0xFFFFF000  }
.LBB2_2:
0x7b: {  	[spmem:s2] =	stream.indirect.scatter.add.f32 [tilespmem:s28], [sflag:$0x9], $0x20, s14, s23, $0xb8;
	[tilespmem:$0x15F00] =	vst v63  }
0x7c: {  	s14 =	smov.u32 s13  }
0x7d: {  	p1 =	sne.s32 s13, $0x8400;
	s13 =	sadd.s32 $0xC00, s13;
	_ =	swait.ge [sflag:s21], $0x1000  }
0x7e: {  	s14 =	sshra.s32 s14, $0x2;
	[sflag:s21] =	ssyncset.done $0x0  }
0x7f: {  	s16 =	sadd.s32 $0x300, s14;
	[sflag:s21] =	ssyncadd.s32 $0xFFFFF000  }
0x80: {  	[tilespmem:s24], [sflag:$0x1] =	stream.indirect.gather [spmem:s3], $0x20, s16, s23, $0xb8;
	[tilespmem:$0x15F00] =	vst v63  }
0x81: {  	_ =	swait.ge [sflag:s26], $0x1000  }
0x82: {  	[sflag:s26] =	ssyncset.done $0x0  }
0x83: {  	s16 =	sadd.s32 $0x2880, s14;
	[sflag:s26] =	ssyncadd.s32 $0xFFFFF000  }
0x84: {  	[spmem:s2] =	stream.indirect.scatter.add.f32 [tilespmem:s30], [sflag:$0xA], $0x20, s16, s23, $0xb8;
	[tilespmem:$0x15F00] =	vst v63  }
0x85: {  	_ =	swait.ge [sflag:s22], $0x1000  }
0x86: {  	[sflag:s22] =	ssyncset.done $0x0  }
0x87: {  	s16 =	sadd.s32 $0x380, s14;
	[sflag:s22] =	ssyncadd.s32 $0xFFFFF000  }
0x88: {  	[tilespmem:s25], [sflag:$0x2] =	stream.indirect.gather [spmem:s3], $0x20, s16, s23, $0xb8;
	[tilespmem:$0x15F00] =	vst v63  }
0x89: {  	_ =	swait.ge [sflag:s1], $0x1000  }
0x8a: {  	[sflag:s1] =	ssyncset.done $0x0  }
0x8b: {  	s16 =	sadd.s32 $0x2900, s14;
	[sflag:s1] =	ssyncadd.s32 $0xFFFFF000  }
0x8c: {  	[spmem:s2] =	stream.indirect.scatter.add.f32 [tilespmem:s0], [sflag:$0xB], $0x20, s16, s23, $0xb8;
	[tilespmem:$0x15F00] =	vst v63  }
0x8d: {  	_ =	swait.ge [sflag:s5], $0x1000  }
0x8e: {  	[sflag:s5] =	ssyncset.done $0x0  }
0x8f: {  	s16 =	sadd.s32 $0x400, s14;
	[sflag:s5] =	ssyncadd.s32 $0xFFFFF000  }
0x90: {  	[tilespmem:s28], [sflag:$0x3] =	stream.indirect.gather [spmem:s3], $0x20, s16, s23, $0xb8;
	[tilespmem:$0x15F00] =	vst v63  }
0x91: {  	_ =	swait.ge [sflag:s7], $0x1000  }
0x92: {  	[sflag:s7] =	ssyncset.done $0x0  }
0x93: {  	s16 =	sadd.s32 $0x2980, s14;
	[sflag:s7] =	ssyncadd.s32 $0xFFFFF000  }
0x94: {  	[spmem:s2] =	stream.indirect.scatter.add.f32 [tilespmem:s29], [sflag:$0xC], $0x20, s16, s23, $0xb8;
	[tilespmem:$0x15F00] =	vst v63  }
0x95: {  	_ =	swait.ge [sflag:s9], $0x1000  }
0x96: {  	[sflag:s9] =	ssyncset.done $0x0  }
0x97: {  	s16 =	sadd.s32 $0x480, s14;
	[sflag:s9] =	ssyncadd.s32 $0xFFFFF000  }
0x98: {  	[tilespmem:s30], [sflag:$0x4] =	stream.indirect.gather [spmem:s3], $0x20, s16, s23, $0xb8;
	[tilespmem:$0x15F00] =	vst v63  }
0x99: {  	_ =	swait.ge [sflag:s19], $0x1000  }
0x9a: {  	[sflag:s19] =	ssyncset.done $0x0  }
0x9b: {  	s16 =	sadd.s32 $0x2A00, s14;
	[sflag:s19] =	ssyncadd.s32 $0xFFFFF000  }
0x9c: {  	[spmem:s2] =	stream.indirect.scatter.add.f32 [tilespmem:s24], [sflag:$0x7], $0x20, s16, s23, $0xb8;
	[tilespmem:$0x15F00] =	vst v63  }
0x9d: {  	_ =	swait.ge [sflag:s10], $0x1000  }
0x9e: {  	[sflag:s10] =	ssyncset.done $0x0  }
0x9f: {  	s16 =	sadd.s32 $0x500, s14;
	[sflag:s10] =	ssyncadd.s32 $0xFFFFF000  }
0xa0: {  	[tilespmem:s0], [sflag:$0x5] =	stream.indirect.gather [spmem:s3], $0x20, s16, s23, $0xb8;
	[tilespmem:$0x15F00] =	vst v63  }
0xa1: {  	_ =	swait.ge [sflag:s20], $0x1000  }
0xa2: {  	[sflag:s20] =	ssyncset.done $0x0  }
0xa3: {  	s16 =	sadd.s32 $0x2A80, s14;
	[sflag:s20] =	ssyncadd.s32 $0xFFFFF000  }
0xa4: {  	[spmem:s2] =	stream.indirect.scatter.add.f32 [tilespmem:s25], [sflag:$0x8], $0x20, s16, s23, $0xb8;
	[tilespmem:$0x15F00] =	vst v63  }
0xa5: {  	_ =	swait.ge [sflag:s11], $0x1000  }
0xa6: {  	[sflag:s11] =	ssyncset.done $0x0  }
.Ltmp0:
0xa7: {  	s16 =	sadd.s32 $0x580, s14;
	[sflag:s11] =	ssyncadd.s32 $0xFFFFF000;
	(pc) =	sbr.rel @p1 .LBB2_2-.Ltmp0, $4  }
0xa8: {  	[tilespmem:s29], [sflag:$0x6] =	stream.indirect.gather [spmem:s3], $0x20, s16, s23, $0xb8;
	[tilespmem:$0x15F00] =	vst v63  }
0xa9: {  	_ =	swait.ge [sflag:s31], $0x1000  }
0xaa: {  	[sflag:s31] =	ssyncset.done $0x0  }
0xab: {  	s14 =	sadd.s32 $0x2B00, s14;
	[sflag:s31] =	ssyncadd.s32 $0xFFFFF000  }
0xac: {  	[spmem:s2] =	stream.indirect.scatter.add.f32 [tilespmem:s28], [sflag:$0x9], $0x20, s14, s23, $0xb8;
	[tilespmem:$0x15F00] =	vst v63  }
0xad: {  	_ =	swait.ge [sflag:s26], $0x1000  }
0xae: {  	[sflag:s26] =	ssyncset.done $0x0  }
0xaf: {  	s8 =	simm.s32 $0x4C80;
	[sflag:s26] =	ssyncadd.s32 $0xFFFFF000  }
0xb0: {  	[spmem:s2] =	stream.indirect.scatter.add.f32 [tilespmem:s30], [sflag:$0xA], $0x20, s8, s23, $0xb8;
	[tilespmem:$0x15F00] =	vst v63  }
0xb1: {  	_ =	swait.ge [sflag:s1], $0x1000  }
0xb2: {  	[sflag:s1] =	ssyncset.done $0x0  }
0xb3: {  	s17 =	simm.s32 $0x4D00;
	[sflag:s1] =	ssyncadd.s32 $0xFFFFF000  }
0xb4: {  	[spmem:s2] =	stream.indirect.scatter.add.f32 [tilespmem:s0], [sflag:$0xB], $0x20, s17, s23, $0xb8;
	[tilespmem:$0x15F00] =	vst v63  }
0xb5: {  	_ =	swait.ge [sflag:s7], $0x1000  }
0xb6: {  	[sflag:s7] =	ssyncset.done $0x0  }
0xb7: {  	s13 =	simm.s32 $0x4D80;
	[sflag:s7] =	ssyncadd.s32 $0xFFFFF000  }
0xb8: {  	[spmem:s2] =	stream.indirect.scatter.add.f32 [tilespmem:s29], [sflag:$0xC], $0x20, s13, s23, $0xb8;
	[tilespmem:$0x15F00] =	vst v63  }
0xb9: {  	_ =	swait.ge [sflag:s21], $0x1000  }
0xba: {  	[sflag:s21] =	ssyncset.done $0x0  }
0xbb: {  	[sflag:s21] =	ssyncadd.s32 $0xFFFFF000  }
0xbc: {  	_ =	swait.ge [sflag:s22], $0x1000  }
0xbd: {  	[sflag:s22] =	ssyncset.done $0x0  }
0xbe: {  	[sflag:s22] =	ssyncadd.s32 $0xFFFFF000  }
0xbf: {  	_ =	swait.ge [sflag:s5], $0x1000  }
0xc0: {  	[sflag:s5] =	ssyncset.done $0x0  }
0xc1: {  	[sflag:s5] =	ssyncadd.s32 $0xFFFFF000  }
0xc2: {  	_ =	swait.ge [sflag:s9], $0x1000  }
0xc3: {  	[sflag:s9] =	ssyncset.done $0x0  }
0xc4: {  	[sflag:s9] =	ssyncadd.s32 $0xFFFFF000  }
0xc5: {  	_ =	swait.ge [sflag:s10], $0x1000  }
0xc6: {  	[sflag:s10] =	ssyncset.done $0x0  }
0xc7: {  	[sflag:s10] =	ssyncadd.s32 $0xFFFFF000  }
0xc8: {  	_ =	swait.ge [sflag:s11], $0x1000  }
0xc9: {  	s14 =	simm.s32 @!p0 $0x4E00;
	s16 =	simm.s32 @!p0 $0xE;
	[sflag:s11] =	ssyncset.done $0x0  }
0xca: {  	s13 =	simm.s32 @!p0 $0x0;
	s8 =	rddreg [dreg:$0xa];
	[sflag:s11] =	ssyncadd.s32 $0xFFFFF000  }
0xcb: {  	[tilespmem:s14], [sflag:$0xE] =	stream.linear.gather @!p0 [hbm4b:s8+s13], $0x80, $0x38;
	[tilespmem:$0x15F00] =	vst v63  }
0xcc: {  	_ =	swait.ge @!p0 [sflag:s16], $0x80  }
0xcd: {  	[sflag:s16] =	ssyncset.done @!p0 $0x0  }
0xce: {  	s8 =	simm.s32 @!p0 $0x4E80;
	s17 =	rddreg [dreg:$0xb];
	[sflag:s16] =	ssyncadd.s32 @!p0 $0xFFFFFF80  }
0xcf: {  	[tilespmem:s8], [sflag:$0xE] =	stream.linear.gather @!p0 [hbm4b:s17+s13], $0x80, $0x38;
	[tilespmem:$0x15F00] =	vst v63  }
0xd0: {  	_ =	swait.ge @!p0 [sflag:s16], $0x80  }
0xd1: {  	[sflag:s16] =	ssyncset.done @!p0 $0x0  }
0xd2: {  	s13 =	simm.s32 @!p0 $0x80;
	s17 =	simm.s32 @!p0 $0xAF00;
	[sflag:s16] =	ssyncadd.s32 @!p0 $0xFFFFFF80  }
0xd3: {  	[tilespmem:s17], [sflag:$0xD] =	stream.indirect.gather @!p0 [spmem:s3], $0x20, s14, s13, $0xb8;
	[tilespmem:$0x15F00] =	vst v63  }
0xd4: {  	s14 =	simm.s32 @!p0 $0xD  }
0xd5: {  	_ =	swait.ge @!p0 [sflag:s14], $0x1000  }
0xd6: {  	[sflag:s14] =	ssyncset.done @!p0 $0x0  }
0xd7: {  	[sflag:s14] =	ssyncadd.s32 @!p0 $0xFFFFF000  }
0xd8: {  	[spmem:s2] =	stream.indirect.scatter.add.f32 @!p0 [tilespmem:s17], [sflag:$0xE], $0x20, s8, s13, $0xb8;
	[tilespmem:$0x15F00] =	vst v63  }
0xd9: {  	_ =	swait.ge @!p0 [sflag:s16], $0x1000  }
0xda: {  	[sflag:s16] =	ssyncset.done @!p0 $0x0  }
0xdb: {  	[sflag:s16] =	ssyncadd.s32 @!p0 $0xFFFFF000  }
0xdc: {  	[bflag:$0x0] =	sbarrier.arrive $0xFFFF  }
0xdd: {  	s14 =	sor.u32 $0x1C0E, s6;
	s16 =	rddreg [dreg:$0xc]  }
0xde: {  	[hbm:s16], [sflag:s14] =	dma.local [spmem:s15], $0xA00  }
0xdf: {  	_ =	swait.ge [sflag:s12], $0xA00  }
0xe0: {  	s18 =	sadd.s32 $0x1, s18;
	s17 =	rddreg [dreg:$0xd]  }
0xe1: {  	p1 =	sne.s32 s18, s17  }
.Ltmp1:
0xe2: {  	_ = 	snop;
	(pc) =	sbr.rel @p1 .LBB2_1-.Ltmp1, $3  }
0xe3: {  	_ =	sdelay $0x1  }
0xe4: {  	[sflag:s12] =	ssyncset.done $0x0  }
0xe5: {  	[sflag:s12] =	ssyncadd.s32 $0xFFFFF600  }
0xe6: {  	_ =	sfence.sel $0x180000  }
0xe7: {  	[bflag:$0x0] =	sbarrier.arrive $0xFFFF  }
0xe8: {  	_ =	strace $0x9000004D  }
0xe9: {  	s0 =	stileid.u32;
	[bflag:$0x2] =	sbarrier.arrive $0xFFFF  }
0xea: {  	p0 =	sne.s32 s0, $0x0;
	s0 =	rddreg [dreg:$0x4]  }
0xeb: {  	s0 =	sadd.s32 @!p0 $0x100000, s0  }
0xec: {  	[sflag:s0] =	ssyncadd.tile.s32 @!p0 $0x1;
	_ =	shalt  }
.Lfunc_end2:
_tile_overlayer_lowered:
.L_overlay_start_2:
0xed: {  	(tag) =	ssettag $0x2  }
0xee: {  	s0 =	rddreg [dreg:$0x0];
	s2 =	stileid.u32  }
0xef: {  	s1 =	rddreg [dreg:$0x1];
	p0 =	sne.s32 s2, $0x0  }
0xf0: {  	s3 =	rddreg [dreg:$0x2];
	[bflag:$0x3] =	sbarrier.arrive $0xFFFF;
	s2 =	simm.s32 @!p0 $0x1C0E  }
0xf1: {  	[timem:s3], [sflag:s2] =	dma.local @!p0 [hbm:s0], s1  }
0xf2: {  	s0 =	simm.s32 @!p0 $0xE  }
0xf3: {  	_ =	swait.ge @!p0 [sflag:s0], s1  }
0xf4: {  	s1 =	ssub.s32 @!p0 $0x0, s1;
	[sflag:s0] =	ssyncset.done @!p0 $0x0  }
0xf5: {  	[sflag:s0] =	ssyncadd.s32 @!p0 s1  }
0xf6: {  	[bflag:$0x3] =	sbarrier.arrive $0xFFFF  }
0xf7: {  	_ =	shalt  }

// kernel: kernel.8.cloned.1.call-start
scs
__scs_entry_jumppad:
0x0: {  	(pc) =	sbr.rel $0x88, $3  }
0x1: {  	(tag) =	ssettag $0x0;
	lr =	simm.s32 $0x1  }
0x2: {  	[smem:$0x3F9B] =	sst lr;
	_ =	strace $0xD0000000  }
0x3: {  	_ = 	snop  }
0x4: {  	_ = 	snop  }
0x5: {  	_ = 	snop  }
0x6: {  	_ = 	snop  }
0x7: {  	_ = 	snop  }
__scs_overlays_trampoline_lowered:
0x8: {  	[smem:$0x3FAA] =	sst s0  }
0x9: {  	[smem:$0x3FAB] =	sst s1  }
0xa: {  	[smem:$0x3FAC] =	sst s2  }
0xb: {  	[smem:$0x3FAD] =	sst s3  }
0xc: {  	[smem:$0x3FAE] =	sst s4  }
0xd: {  	[smem:$0x3FAF] =	sst s5  }
0xe: {  	[smem:$0x3FB0] =	sst s6  }
0xf: {  	[smem:$0x3FB1] =	sst s7  }
0x10: {  	[smem:$0x3FB2] =	sst s8  }
0x11: {  	[smem:$0x3FB3] =	sst s9;
	s0 =	simm.s32 @!p0 $0x0  }
0x12: {  	s1 =	sld [smem:$0x3F99];
	s0 =	simm.s32 @p0 $0x1  }
0x13: {  	[smem:$0x3FB4] =	sst s0;
	s0 =	simm.s32 @!p1 $0x0  }
0x14: {  	s2 =	sld [smem:$0x3F98];
	s0 =	simm.s32 @p1 $0x1  }
0x15: {  	[smem:$0x3FB5] =	sst s0;
	s0 =	simm.s32 @!p2 $0x0  }
0x16: {  	s3 =	sld [smem:$0x3FDB];
	s0 =	simm.s32 @p2 $0x1  }
0x17: {  	s4 =	simm.s32 $0x1BF5;
	[smem:$0x3FB7] =	sst s0  }
0x18: {  	s0 =	sld [smem:$0x3F9A];
	_ =	swait.ge [sflag:s4], $0x0  }
0x19: {  	s7 =	sld [smem:$0x3F9B]  }
0x1a: {  	s8 =	sadd.s32 $0xFFFFE003, lr  }
0x1b: {  	s9 =	sadd.s32 $0xFFFFFEF7, lr;
	s5 =	simm.s32 $0xFFFFFFFF;
	p2 =	slt.u32 s8, $0xFFFFF086  }
0x1c: {  	p1 =	slt.u32 s9, $0xF7A;
	s5 =	simm.s32 @!p2 $0x0  }
0x1d: {  	s5 =	simm.s32 @p1 $0x1;
	p0 =	seq.s32 s7, s2  }
0x1e: {  	s7 =	smul.u32 @!p0 $0xF7A, s2;
	p2 =	seq.s32 @!p0 s5, $0x0  }
0x1f: {  	s9 =	smul.u32 $0xF7A, s1;
	s8 =	simm.s32 @!p0 $0x1BF5;
	p2 =	por !p2, p0  }
0x20: {  	[sflag:s8] =	ssyncset.s32 @!p0 $0xFFFFF086;
	s6 =	sadd.s32 @!p0 s3, s7;
	s7 =	simm.s32 @!p0 $0x108  }
0x21: {  	s3 =	sadd.s32 s3, s9;
	s6 =	sadd.s32 @!p0 $0x88, s6;
	s7 =	simm.s32 @p2 $0x1082  }
0x22: {  	[simem:s7], [sflag:s8] =	dma.local @!p0 [hbm:s6], $0xF7A  }
0x23: {  	s9 =	sor.u32 $0xD0000000, s2;
	s6 =	simm.s32 $0x108;
	_ =	swait.ge @!p0 [sflag:s8], $0x0  }
0x24: {  	s3 =	sadd.s32 $0x88, s3;
	s6 =	simm.s32 @!p1 $0x1082;
	[sflag:s4] =	ssyncset.s32 $0xFFFFF086  }
0x25: {  	[simem:s6], [sflag:s4] =	dma.local [hbm:s3], $0xF7A  }
0x26: {  	[smem:$0x3F9B] =	sst s1;
	(tag) =	ssettag s2;
	_ =	strace s9  }
0x27: {  	s1 =	sld [smem:$0x3FAB]  }
0x28: {  	s2 =	sld [smem:$0x3FAC]  }
0x29: {  	s4 =	sld [smem:$0x3FAE]  }
0x2a: {  	p0 =	seq.s32 s5, $0x0;
	s5 =	sld [smem:$0x3FAF]  }
0x2b: {  	s6 =	sld [smem:$0x3FB0]  }
0x2c: {  	s7 =	sld [smem:$0x3FB1]  }
0x2d: {  	s3 =	simm.s32 $0x108;
	s8 =	sld [smem:$0x3FB2]  }
0x2e: {  	s3 =	simm.s32 @!p0 $0x1082;
	s9 =	sld [smem:$0x3FB3]  }
0x2f: {  	lr =	sadd.s32 s0, s3;
	s0 =	sld [smem:$0x3FAA]  }
0x30: {  	s3 =	sld [smem:$0x3FAD]  }
0x31: {  	[smem:$0x3FB6] =	sst s10  }
0x32: {  	s10 =	sld [smem:$0x3FB4];
	_ =	sdelay $0x3  }
0x33: {  	p0 =	seq.s32 s10, $0x1;
	s10 =	sld [smem:$0x3FB6];
	_ =	sdelay $0x3  }
0x34: {  	[smem:$0x3FB6] =	sst s10  }
0x35: {  	s10 =	sld [smem:$0x3FB5];
	_ =	sdelay $0x3  }
0x36: {  	p1 =	seq.s32 s10, $0x1;
	s10 =	sld [smem:$0x3FB6];
	_ =	sdelay $0x3  }
0x37: {  	[smem:$0x3FB6] =	sst s10  }
0x38: {  	s10 =	sld [smem:$0x3FB7]  }
0x39: {  	_ = 	snop;
	(pc) =	sbr.ind lr, $3  }
0x3a: {  	_ = 	snop  }
0x3b: {  	_ = 	snop  }
0x3c: {  	p2 =	seq.s32 s10, $0x1;
	s10 =	sld [smem:$0x3FB6]  }
0x3d: {  	_ =	shalt  }
0x3e: {  	_ =	shalt  }
0x3f: {  	_ =	shalt  }
0x40: {  	_ =	shalt  }
0x41: {  	_ =	shalt  }
0x42: {  	_ =	shalt  }
0x43: {  	_ =	shalt  }
0x44: {  	_ =	shalt  }
0x45: {  	_ =	shalt  }
0x46: {  	_ =	shalt  }
0x47: {  	_ =	shalt  }
0x48: {  	_ =	shalt  }
0x49: {  	_ =	shalt  }
0x4a: {  	_ =	shalt  }
0x4b: {  	_ =	shalt  }
0x4c: {  	_ =	shalt  }
0x4d: {  	_ =	shalt  }
0x4e: {  	_ =	shalt  }
0x4f: {  	_ =	shalt  }
0x50: {  	_ =	shalt  }
0x51: {  	_ =	shalt  }
0x52: {  	_ =	shalt  }
0x53: {  	_ =	shalt  }
0x54: {  	_ =	shalt  }
0x55: {  	_ =	shalt  }
0x56: {  	_ =	shalt  }
0x57: {  	_ =	shalt  }
0x58: {  	_ =	shalt  }
0x59: {  	_ =	shalt  }
0x5a: {  	_ =	shalt  }
0x5b: {  	_ =	shalt  }
0x5c: {  	_ =	shalt  }
0x5d: {  	_ =	shalt  }
0x5e: {  	_ =	shalt  }
0x5f: {  	_ =	shalt  }
0x60: {  	_ =	shalt  }
0x61: {  	_ =	shalt  }
0x62: {  	_ =	shalt  }
0x63: {  	_ =	shalt  }
0x64: {  	_ =	shalt  }
0x65: {  	_ =	shalt  }
0x66: {  	_ =	shalt  }
0x67: {  	_ =	shalt  }
0x68: {  	_ =	shalt  }
0x69: {  	_ =	shalt  }
0x6a: {  	_ =	shalt  }
0x6b: {  	_ =	shalt  }
0x6c: {  	_ =	shalt  }
0x6d: {  	_ =	shalt  }
0x6e: {  	_ =	shalt  }
0x6f: {  	_ =	shalt  }
0x70: {  	_ =	shalt  }
0x71: {  	_ =	shalt  }
0x72: {  	_ =	shalt  }
0x73: {  	_ =	shalt  }
0x74: {  	_ =	shalt  }
0x75: {  	_ =	shalt  }
0x76: {  	_ =	shalt  }
0x77: {  	_ =	shalt  }
0x78: {  	_ =	shalt  }
0x79: {  	_ =	shalt  }
0x7a: {  	_ =	shalt  }
0x7b: {  	_ =	shalt  }
0x7c: {  	_ =	shalt  }
0x7d: {  	_ =	shalt  }
0x7e: {  	_ =	shalt  }
0x7f: {  	_ =	shalt  }
0x80: {  	_ =	shalt  }
0x81: {  	_ =	shalt  }
0x82: {  	_ =	shalt  }
0x83: {  	_ =	shalt  }
0x84: {  	_ =	shalt  }
0x85: {  	_ =	shalt  }
0x86: {  	_ =	shalt  }
0x87: {  	_ =	shalt  }
.Lfunc_end0:
.L_simem_size_0:
called_computation_lowered:
.L_overlay_start_0:
0x88: {  	s2 =	sld [smem:$0x3FD9]  }
0x89: {  	s3 =	sld [smem:$0x3FFE];
	_ =	sdelay $0x1  }
0x8a: {  	s1 =	srdreg.scid  }
0x8b: {  	s0 =	sand.u32 $0x1, s1  }
0x8c: {  	s17 =	sshll.u32 s0, $0xA;
	s2 =	sadd.s32 s3, s2  }
0x8d: {  	s2 =	sadd.s32 s2, s17  }
0x8e: {  	[smem:$0x3FC2] =	sst s2  }
0x8f: {  	_ = 	snop  }
0x90: {  	s2 =	sld [smem:$0x3FD0];
	(tm) =	ssettm $0x1  }
0x91: {  	s18 =	sld [smem:$0x3FFB];
	_ =	sdelay $0x3  }
0x92: {  	_ =	strace s18  }
0x93: {  	s3 =	sld [smem:$0x3FFC];
	_ =	sdelay $0x3  }
0x94: {  	_ =	strace s3  }
0x95: {  	s3 =	sld [smem:$0x3FFD];
	_ =	sdelay $0x3  }
0x96: {  	_ =	strace s3  }
0x97: {  	_ =	strace $0x8FFFFFFF  }
0x98: {  	s19 =	sld [smem:$0x3FDB];
	_ =	sdelay $0x1  }
0x99: {  	s4 =	simm.s32 $_scs_section_size  }
0x9a: {  	s5 =	simm.s32 $_size__tile_overlayer_lowered;
	s6 =	simm.s32 $_tile_overlayer_lowered  }
0x9b: {  	s22 =	simm.s32 $0x1BFF;
	s21 =	sshll.u32 s6, $0x1;
	s3 =	sadd.s32 s4, s19  }
0x9c: {  	s7 =	simm.s32 $0x0;
	s20 =	sshll.u32 s5, $0x1;
	s5 =	sadd.s32 s21, s3  }
0x9d: {  	[timem:s7], [sflag:s22] =	dma.local [hbm:s5], s20  }
0x9e: {  	_ =	swait.ge [sflag:s22], s20  }
0x9f: {  	s4 =	ssub.s32 $0x0, s20;
	[sflag:s22] =	ssyncset.done $0x0  }
0xa0: {  	[sflag:s22] =	ssyncadd.s32 s4;
	_ =	sdelay $0x1  }
0xa1: {  	s23 =	simm.s32 $0x1B8B  }
0xa2: {  	_ =	swait.ge [sflag:s23], $0x1  }
0xa3: {  	[sflag:s23] =	ssyncset.done $0x0  }
0xa4: {  	s25 =	simm.s32 $0x1B8E;
	s24 =	sld [smem:$0x3FFE];
	[sflag:s23] =	ssyncadd.s32 $0xFFFFFFFF  }
0xa5: {  	s26 =	simm.s32 $execute0_lowered;
	[smem:$0x3FD2] =	sst s25  }
0xa6: {  	s5 =	sshll.u32 s26, $0x1;
	_ =	strace $0x80000046;
	[dreg:$0x1] =	wrdreg $0xFFFFFFFF  }
0xa7: {  	s28 =	simm.s32 $_size_execute0_lowered;
	s3 =	sadd.s32 s3, s5;
	[dreg:$0x0] =	wrdreg $0x0  }
0xa8: {  	s5 =	sshll.u32 s28, $0x1;
	[dreg:$0x2] =	wrdreg s3  }
0xa9: {  	[dreg:$0x3] =	wrdreg s5  }
0xaa: {  	[dreg:$0x4] =	wrdreg $0xC0  }
0xab: {  	_ =	task [dreg:s7], $0x5FFFF  }
0xac: {  	[dreg:$0x1] =	wrdreg $0xFFFFFFFF  }
0xad: {  	[dreg:$0x0] =	wrdreg $0x60  }
0xae: {  	[dreg:$0x2] =	wrdreg s24  }
0xaf: {  	[dreg:$0x3] =	wrdreg s2  }
0xb0: {  	[dreg:$0x4] =	wrdreg $0x28000  }
0xb1: {  	[dreg:$0x5] =	wrdreg $0x9  }
0xb2: {  	_ =	task.clear_ibuf [dreg:s7], $0x6FFFF;
	_ =	strace $0x90000046  }
0xb3: {  	s29 =	simm.s32 $0x9;
	_ =	strace $0x80000048  }
0xb4: {  	_ =	swait.ge [sflag:s29], $0x1  }
0xb5: {  	[sflag:s29] =	ssyncadd.s32 $0xFFFFFFFF  }
0xb6: {  	_ =	strace $0x90000048  }
0xb7: {  	_ =	sfence  }
0xb8: {  	s30 =	sld [smem:$0x0];
	_ =	sdelay $0x2  }
0xb9: {  	s31 =	sshll.u32 s1, $0xD;
	s1 =	sshrl.u32 s1, $0x2  }
0xba: {  	s3 =	sand.u32 $0x4000, s31;
	s1 =	sadd.s32 s1, s30  }
0xbb: {  	s0 =	sor.u32 s3, s0;
	s1 =	sshll.u32 s1, $0x11  }
0xbc: {  	s0 =	sor.u32 s1, s0  }
0xbd: {  	s0 =	sadd.s32 $0x8F2B, s0  }
0xbe: {  	[sflag:s0] =	ssyncadd.remote.s32 $0x1  }
0xbf: {  	_ =	sfence.sel $0xFFFF  }
0xc0: {  	[dreg:$0x0] =	wrdreg $0xFFFFFFFF;
	(pc) =	sbr.abs _section_cstart, $3  }
0xc1: {  	[dreg:$0x1] =	wrdreg $0xFFFFFFFF  }
0xc2: {  	_ =	task.clear_ibuf [dreg:s7], $0x2FFFF;
	_ =	strace $0x9FFFFFFF  }
0xc3: {  	(tm) =	ssettm $0x7FFFFFFF  }
tec
execute0_lowered:
.L_overlay_start_1:
0x0: {  	(tag) =	ssettag $0x1  }
0x1: {  	s4 =	rddreg [dreg:$0x0]  }
0x2: {  	s8 =	rddreg [dreg:$0x1]  }
0x3: {  	s2 =	rddreg [dreg:$0x2]  }
0x4: {  	s1 =	stileid.u32;
	s0 =	rddreg [dreg:$0x3];
	s3 =	simm.s32 $0x0  }
0x5: {  	s5 =	srdreg.scid;
	s14 =	simm.s32 $0x100;
	s15 =	simm.s32 $0x180  }
0x6: {  	s16 =	simm.s32 $0x200;
	s17 =	simm.s32 $0x280;
	s18 =	simm.s32 $0x1  }
0x7: {  	s19 =	simm.s32 $0x2;
	s20 =	simm.s32 $0x3;
	s21 =	simm.s32 $0x4  }
0x8: {  	s22 =	simm.s32 $0x5;
	s6 =	smul.u32 $0x280, s1;
	[smem:$0x7FF] =	sst s3  }
0x9: {  	s5 =	sand.u32 $0x1, s5;
	s11 =	sadd.s32 $0x1E00, s4;
	s26 =	sshll.u32 s1, $0x6  }
0xa: {  	s29 =	sshll.u32 s1, $0x4;
	_ =	strace $0x80000047;
	s9 =	ssub.s32 $0x2, s5  }
0xb: {  	s10 =	sshll.u32 s5, $0x4;
	s13 =	smul.u32 $0x2800, s5;
	s5 =	sor.u32 $0x1C07, s26  }
0xc: {  	s7 =	sshrl.u32 s6, $0x3;
	s23 =	sshrl.u32 s9, $0x1;
	s24 =	sor.u32 s1, s10  }
0xd: {  	s25 =	sadd.s32 s6, s2;
	s7 =	sadd.s32 s7, s4;
	s9 =	ssub.s32 s9, s23  }
0xe: {  	s12 =	smul.u32 $0x2700, s24;
	s30 =	sadd.s32 s6, s13;
	s10 =	sshrl.u32 s25, $0x3  }
0xf: {  	s13 =	simm.s32 $0x2780;
	s23 =	simm.s32 $0x6;
	p0 =	sgt.u32 s24, $0x3  }
0x10: {  	s24 =	simm.s32 $0x0;
	s4 =	sadd.s32 $0x15800, s7;
	s31 =	sshrl.u32 s30, $0x3  }
0x11: {  	s9 =	smax.u32 s9, $0x1;
	s28 =	sshrl.u32 s12, $0x3;
	s8 =	sadd.s32 s8, s31  }
0x12: {  	s12 =	simm.s32 $0x80;
	s7 =	sadd.s32 s11, s28;
	s11 =	sadd.s32 s29, s11  }
0x13: {  	v0 =	vimm.f32 $1.000000000e+00;
	s6 =	sadd.s32 $0x9C40, s7;
	s7 =	sadd.s32 $0x13840, s11;
	s11 =	simm.s32 $0x7  }
.LBB2_1:
0x14: {  	[spmem:s10], [sflag:s5] =	dma.local [hbm:s4], $0x50  }
0x15: {  	_ =	swait.ge [sflag:s11], $0x50  }
0x16: {  	[sflag:s11] =	ssyncset.done $0x0  }
0x17: {  	[sflag:s11] =	ssyncadd.s32 $0xFFFFFFB0  }
0x18: {  	[tilespmem:$0x2780] =	vst v0  }
0x19: {  	[tilespmem:$0x2790] =	vst v0  }
0x1a: {  	[tilespmem:$0x27A0] =	vst v0  }
0x1b: {  	[tilespmem:$0x27B0] =	vst v0  }
0x1c: {  	[tilespmem:$0x27C0] =	vst v0  }
0x1d: {  	[tilespmem:$0x27D0] =	vst v0  }
0x1e: {  	[tilespmem:$0x27E0] =	vst v0  }
0x1f: {  	[tilespmem:$0x27F0] =	vst v0  }
0x20: {  	[tilespmem:s3], [sflag:$0x7] =	stream.linear.gather [hbm4b:s6+s3], $0x2700, $0x38;
	[tilespmem:$0x2A80] =	vst v63  }
0x21: {  	_ =	swait.ge [sflag:s11], $0x2700  }
0x22: {  	[sflag:s11] =	ssyncset.done $0x0  }
0x23: {  	[sflag:s11] =	ssyncadd.s32 $0xFFFFD900  }
0x24: {  	[bflag:$0x0] =	sbarrier.arrive $0xFFFF  }
0x25: {  	[spmem:s2] =	stream.indirect.scatter.add.f32 [tilespmem:s13], [sflag:$0x1], $0x1, s3, s12, $0xb8;
	[tilespmem:$0x2A80] =	vst v63  }
0x26: {  	_ = 	snop  }
0x27: {  	[spmem:s2] =	stream.indirect.scatter.add.f32 [tilespmem:s13], [sflag:$0x2], $0x1, s12, s12, $0xb8;
	[tilespmem:$0x2A80] =	vst v63  }
0x28: {  	_ = 	snop  }
0x29: {  	[spmem:s2] =	stream.indirect.scatter.add.f32 [tilespmem:s13], [sflag:$0x3], $0x1, s14, s12, $0xb8;
	[tilespmem:$0x2A80] =	vst v63  }
0x2a: {  	_ = 	snop  }
0x2b: {  	[spmem:s2] =	stream.indirect.scatter.add.f32 [tilespmem:s13], [sflag:$0x4], $0x1, s15, s12, $0xb8;
	[tilespmem:$0x2A80] =	vst v63  }
0x2c: {  	_ = 	snop  }
0x2d: {  	[spmem:s2] =	stream.indirect.scatter.add.f32 [tilespmem:s13], [sflag:$0x5], $0x1, s16, s12, $0xb8;
	[tilespmem:$0x2A80] =	vst v63  }
0x2e: {  	_ = 	snop  }
0x2f: {  	[spmem:s2] =	stream.indirect.scatter.add.f32 [tilespmem:s13], [sflag:$0x6], $0x1, s17, s12, $0xb8;
	[tilespmem:$0x2A80] =	vst v63  }
0x30: {  	_ =	swait.ge [sflag:s18], $0x80  }
0x31: {  	[sflag:s18] =	ssyncset.done $0x0  }
0x32: {  	s25 =	simm.s32 $0x300;
	[sflag:s18] =	ssyncadd.s32 $0xFFFFFF80  }
0x33: {  	[spmem:s2] =	stream.indirect.scatter.add.f32 [tilespmem:s13], [sflag:$0x1], $0x1, s25, s12, $0xb8;
	[tilespmem:$0x2A80] =	vst v63  }
0x34: {  	_ =	swait.ge [sflag:s19], $0x80  }
0x35: {  	[sflag:s19] =	ssyncset.done $0x0  }
0x36: {  	s28 =	simm.s32 $0x380;
	[sflag:s19] =	ssyncadd.s32 $0xFFFFFF80  }
0x37: {  	[spmem:s2] =	stream.indirect.scatter.add.f32 [tilespmem:s13], [sflag:$0x2], $0x1, s28, s12, $0xb8;
	[tilespmem:$0x2A80] =	vst v63  }
0x38: {  	_ =	swait.ge [sflag:s20], $0x80  }
0x39: {  	[sflag:s20] =	ssyncset.done $0x0  }
0x3a: {  	s29 =	simm.s32 $0x400;
	[sflag:s20] =	ssyncadd.s32 $0xFFFFFF80  }
0x3b: {  	[spmem:s2] =	stream.indirect.scatter.add.f32 [tilespmem:s13], [sflag:$0x3], $0x1, s29, s12, $0xb8;
	[tilespmem:$0x2A80] =	vst v63  }
0x3c: {  	_ =	swait.ge [sflag:s21], $0x80  }
0x3d: {  	[sflag:s21] =	ssyncset.done $0x0  }
0x3e: {  	s30 =	simm.s32 $0x480;
	[sflag:s21] =	ssyncadd.s32 $0xFFFFFF80  }
0x3f: {  	[spmem:s2] =	stream.indirect.scatter.add.f32 [tilespmem:s13], [sflag:$0x4], $0x1, s30, s12, $0xb8;
	[tilespmem:$0x2A80] =	vst v63  }
0x40: {  	_ =	swait.ge [sflag:s22], $0x80  }
0x41: {  	[sflag:s22] =	ssyncset.done $0x0  }
0x42: {  	s31 =	simm.s32 $0x500;
	[sflag:s22] =	ssyncadd.s32 $0xFFFFFF80  }
0x43: {  	[spmem:s2] =	stream.indirect.scatter.add.f32 [tilespmem:s13], [sflag:$0x5], $0x1, s31, s12, $0xb8;
	[tilespmem:$0x2A80] =	vst v63  }
0x44: {  	_ =	swait.ge [sflag:s23], $0x80  }
0x45: {  	[sflag:s23] =	ssyncset.done $0x0  }
0x46: {  	s26 =	simm.s32 $0x580;
	s25 =	simm.s32 $0xC00;
	[sflag:s23] =	ssyncadd.s32 $0xFFFFFF80  }
.LBB2_2:
0x47: {  	[spmem:s2] =	stream.indirect.scatter.add.f32 [tilespmem:s13], [sflag:$0x6], $0x1, s26, s12, $0xb8;
	[tilespmem:$0x2A80] =	vst v63  }
0x48: {  	s26 =	smov.u32 s25  }
0x49: {  	p1 =	sne.s32 s25, $0x8400;
	s25 =	sadd.s32 $0xC00, s25;
	_ =	swait.ge [sflag:s18], $0x80  }
0x4a: {  	s26 =	sshra.s32 s26, $0x2;
	[sflag:s18] =	ssyncset.done $0x0  }
0x4b: {  	s28 =	sadd.s32 $0x300, s26;
	[sflag:s18] =	ssyncadd.s32 $0xFFFFFF80  }
0x4c: {  	[spmem:s2] =	stream.indirect.scatter.add.f32 [tilespmem:s13], [sflag:$0x1], $0x1, s28, s12, $0xb8;
	[tilespmem:$0x2A80] =	vst v63  }
0x4d: {  	_ =	swait.ge [sflag:s19], $0x80  }
0x4e: {  	[sflag:s19] =	ssyncset.done $0x0  }
0x4f: {  	s28 =	sadd.s32 $0x380, s26;
	[sflag:s19] =	ssyncadd.s32 $0xFFFFFF80  }
0x50: {  	[spmem:s2] =	stream.indirect.scatter.add.f32 [tilespmem:s13], [sflag:$0x2], $0x1, s28, s12, $0xb8;
	[tilespmem:$0x2A80] =	vst v63  }
0x51: {  	_ =	swait.ge [sflag:s20], $0x80  }
0x52: {  	[sflag:s20] =	ssyncset.done $0x0  }
0x53: {  	s28 =	sadd.s32 $0x400, s26;
	[sflag:s20] =	ssyncadd.s32 $0xFFFFFF80  }
0x54: {  	[spmem:s2] =	stream.indirect.scatter.add.f32 [tilespmem:s13], [sflag:$0x3], $0x1, s28, s12, $0xb8;
	[tilespmem:$0x2A80] =	vst v63  }
0x55: {  	_ =	swait.ge [sflag:s21], $0x80  }
0x56: {  	[sflag:s21] =	ssyncset.done $0x0  }
0x57: {  	s28 =	sadd.s32 $0x480, s26;
	[sflag:s21] =	ssyncadd.s32 $0xFFFFFF80  }
0x58: {  	[spmem:s2] =	stream.indirect.scatter.add.f32 [tilespmem:s13], [sflag:$0x4], $0x1, s28, s12, $0xb8;
	[tilespmem:$0x2A80] =	vst v63  }
0x59: {  	_ =	swait.ge [sflag:s22], $0x80  }
0x5a: {  	[sflag:s22] =	ssyncset.done $0x0  }
.Ltmp0:
0x5b: {  	s28 =	sadd.s32 $0x500, s26;
	[sflag:s22] =	ssyncadd.s32 $0xFFFFFF80;
	(pc) =	sbr.rel @p1 .LBB2_2-.Ltmp0, $4  }
0x5c: {  	[spmem:s2] =	stream.indirect.scatter.add.f32 [tilespmem:s13], [sflag:$0x5], $0x1, s28, s12, $0xb8;
	[tilespmem:$0x2A80] =	vst v63  }
0x5d: {  	_ =	swait.ge [sflag:s23], $0x80  }
0x5e: {  	[sflag:s23] =	ssyncset.done $0x0  }
0x5f: {  	s26 =	sadd.s32 $0x580, s26;
	[sflag:s23] =	ssyncadd.s32 $0xFFFFFF80  }
0x60: {  	[spmem:s2] =	stream.indirect.scatter.add.f32 [tilespmem:s13], [sflag:$0x6], $0x1, s26, s12, $0xb8;
	[tilespmem:$0x2A80] =	vst v63  }
0x61: {  	_ =	swait.ge [sflag:s18], $0x80  }
0x62: {  	[sflag:s18] =	ssyncset.done $0x0  }
0x63: {  	[sflag:s18] =	ssyncadd.s32 $0xFFFFFF80  }
0x64: {  	_ =	swait.ge [sflag:s19], $0x80  }
0x65: {  	[sflag:s19] =	ssyncset.done $0x0  }
0x66: {  	[sflag:s19] =	ssyncadd.s32 $0xFFFFFF80  }
0x67: {  	_ =	swait.ge [sflag:s20], $0x80  }
0x68: {  	[sflag:s20] =	ssyncset.done $0x0  }
0x69: {  	[sflag:s20] =	ssyncadd.s32 $0xFFFFFF80  }
0x6a: {  	_ =	swait.ge [sflag:s21], $0x80  }
0x6b: {  	[sflag:s21] =	ssyncset.done $0x0  }
0x6c: {  	[sflag:s21] =	ssyncadd.s32 $0xFFFFFF80  }
0x6d: {  	_ =	swait.ge [sflag:s22], $0x80  }
0x6e: {  	[sflag:s22] =	ssyncset.done $0x0  }
0x6f: {  	[sflag:s22] =	ssyncadd.s32 $0xFFFFFF80  }
0x70: {  	_ =	swait.ge [sflag:s23], $0x80  }
0x71: {  	[sflag:s23] =	ssyncset.done $0x0  }
0x72: {  	s25 =	simm.s32 @!p0 $0x0;
	s26 =	simm.s32 @!p0 $0x2700;
	[sflag:s23] =	ssyncadd.s32 $0xFFFFFF80  }
0x73: {  	[tilespmem:s26], [sflag:$0x7] =	stream.linear.gather @!p0 [hbm4b:s7+s25], $0x80, $0x38;
	[tilespmem:$0x2A80] =	vst v63  }
0x74: {  	s25 =	simm.s32 @!p0 $0x7  }
0x75: {  	_ =	swait.ge @!p0 [sflag:s25], $0x80  }
0x76: {  	[sflag:s25] =	ssyncset.done @!p0 $0x0  }
0x77: {  	s28 =	simm.s32 @!p0 $0x80;
	s29 =	simm.s32 @!p0 $0x2780;
	[sflag:s25] =	ssyncadd.s32 @!p0 $0xFFFFFF80  }
0x78: {  	[spmem:s2] =	stream.indirect.scatter.add.f32 @!p0 [tilespmem:s29], [sflag:$0x7], $0x1, s26, s28, $0xb8;
	[tilespmem:$0x2A80] =	vst v63  }
0x79: {  	_ =	swait.ge @!p0 [sflag:s25], $0x80  }
0x7a: {  	s24 =	sadd.s32 $0x1, s24;
	[sflag:s25] =	ssyncset.done @!p0 $0x0  }
0x7b: {  	p1 =	sne.s32 s24, s9;
	[sflag:s25] =	ssyncadd.s32 @!p0 $0xFFFFFF80  }
.Ltmp1:
0x7c: {  	[bflag:$0x0] =	sbarrier.arrive $0xFFFF;
	(pc) =	sbr.rel @p1 .LBB2_1-.Ltmp1, $4  }
0x7d: {  	[hbm:s8], [sflag:s5] =	dma.local [spmem:s10], $0x50  }
0x7e: {  	_ =	swait.ge [sflag:s11], $0x50  }
0x7f: {  	[sflag:s11] =	ssyncset.done $0x0  }
0x80: {  	[sflag:s11] =	ssyncadd.s32 $0xFFFFFFB0  }
0x81: {  	_ =	sfence.sel $0x180000  }
0x82: {  	[bflag:$0x0] =	sbarrier.arrive $0xFFFF  }
0x83: {  	p0 =	sne.s32 s1, $0x0;
	_ =	strace $0x90000047  }
0x84: {  	s0 =	sadd.s32 @!p0 $0x100000, s0;
	[bflag:$0x2] =	sbarrier.arrive $0xFFFF  }
0x85: {  	[sflag:s0] =	ssyncadd.tile.s32 @!p0 $0x1;
	_ =	shalt  }
.Lfunc_end2:
_tile_overlayer_lowered:
.L_overlay_start_2:
0x86: {  	(tag) =	ssettag $0x2  }
0x87: {  	s0 =	rddreg [dreg:$0x0];
	s2 =	stileid.u32  }
0x88: {  	s1 =	rddreg [dreg:$0x1];
	p0 =	sne.s32 s2, $0x0  }
0x89: {  	s3 =	rddreg [dreg:$0x2];
	[bflag:$0x3] =	sbarrier.arrive $0xFFFF;
	s2 =	simm.s32 @!p0 $0x1C07  }
0x8a: {  	[timem:s3], [sflag:s2] =	dma.local @!p0 [hbm:s0], s1  }
0x8b: {  	s0 =	simm.s32 @!p0 $0x7  }
0x8c: {  	_ =	swait.ge @!p0 [sflag:s0], s1  }
0x8d: {  	s1 =	ssub.s32 @!p0 $0x0, s1;
	[sflag:s0] =	ssyncset.done @!p0 $0x0  }
0x8e: {  	[sflag:s0] =	ssyncadd.s32 @!p0 s1  }
0x8f: {  	[bflag:$0x3] =	sbarrier.arrive $0xFFFF  }
0x90: {  	_ =	shalt  }

</sc_bundles>
